<compile_context>
chip_gen: v7x
topology: tpu7x:2x2x1
jax: 0.10.2.dev20260603
libtpu: 0.0.44.dev20260713+nightly
codegen_flags: <defaults>
</compile_context>

<pallas_src>
import functools

import jax
import jax.numpy as jnp
from jax import lax
from jax.experimental import pallas as pl
from jax.experimental.pallas import tpu as pltpu
from jax.experimental.pallas import tpu_sc as plsc

N_NODES = 10000
N_EDGES = 320000
D_NODE = 128
D_EDGE = 16
D_HID = 128

_LANES = 16
_CHUNK = 128
_NCHUNK = N_EDGES // _CHUNK
_NSUB = 16
_KMAX = -(-_NCHUNK // _NSUB)
_N_ACC = 10240
_HALF = 8
_DCOL = 2


def _sc_body(logit_hbm, ef_hbm, dst_hbm, z8_hbm, z4_hbm, o8_hbm, o4_hbm,
             lbuf, efbuf, idxbuf, exbuf, acc8, acc4):
    cid = lax.axis_index("c")
    sid = lax.axis_index("s")

    pltpu.sync_copy(z8_hbm, acc8)
    pltpu.sync_copy(z4_hbm, acc4)

    iota = lax.broadcasted_iota(jnp.int32, (_LANES,), 0)
    hi8 = (iota >= 8).astype(jnp.int32)
    col8 = iota - hi8 * 8
    mask_lo = iota < 8
    mask_hi = iota >= 8
    efcol = cid * _HALF + col8

    def chunk_body(k, carry):
        c = sid + _NSUB * k

        @pl.when(c < _NCHUNK)
        def _():
            base = c * _CHUNK
            pltpu.sync_copy(logit_hbm.at[pl.ds(base, _CHUNK)], lbuf)
            pltpu.sync_copy(dst_hbm.at[pl.ds(base, _CHUNK)], idxbuf)
            pltpu.sync_copy(ef_hbm.at[pl.ds(base, _CHUNK), :], efbuf)
            for g in range(_CHUNK // _LANES):
                exbuf[pl.ds(g * _LANES, _LANES)] = jnp.exp(lbuf[pl.ds(g * _LANES, _LANES)])
            for p in range(_CHUNK // 2):
                pairidx = 2 * p + hi8
                rows = plsc.load_gather(idxbuf, [pairidx])
                exv = plsc.load_gather(exbuf, [pairidx])
                vals = plsc.load_gather(efbuf, [pairidx, efcol]) * exv
                addr = rows * _HALF + col8
                plsc.addupdate_scatter(acc8, [addr], vals, mask=mask_lo)
                plsc.addupdate_scatter(acc8, [addr], vals, mask=mask_hi)
            for g in range(_CHUNK // _LANES):
                rows = idxbuf[pl.ds(g * _LANES, _LANES)]
                vals = exbuf[pl.ds(g * _LANES, _LANES)]
                plsc.addupdate_scatter(acc4, [rows * _DCOL + hi8], vals)

        return carry

    lax.fori_loop(0, _KMAX, chunk_body, 0)

    pltpu.sync_copy(acc8, o8_hbm.at[cid, sid])
    pltpu.sync_copy(acc4, o4_hbm.at[cid, sid])


@functools.cache
def _sc_scatter_kernel():
    return pl.kernel(
        _sc_body,
        out_type=(jax.ShapeDtypeStruct((2, _NSUB, _N_ACC * _HALF), jnp.float32),
                  jax.ShapeDtypeStruct((2, _NSUB, _N_ACC * _DCOL), jnp.float32)),
        mesh=plsc.VectorSubcoreMesh(core_axis_name="c", subcore_axis_name="s"),
        scratch_types=[
            pltpu.VMEM((_CHUNK,), jnp.float32),
            pltpu.VMEM((_CHUNK, D_EDGE), jnp.float32),
            pltpu.VMEM((_CHUNK,), jnp.int32),
            pltpu.VMEM((_CHUNK,), jnp.float32),
            pltpu.VMEM((_N_ACC * _HALF,), jnp.float32),
            pltpu.VMEM((_N_ACC * _DCOL,), jnp.float32),
        ],
        compiler_params=pltpu.CompilerParams(needs_layout_passes=False),
    )


_BLK = 400


def _dense_body(p8_ref, p4_ref, nf_ref, we_ref, be_ref, wih_ref, whh_ref,
                bih_ref, bhh_ref, out_ref):
    p8 = p8_ref[...]
    u0 = jnp.sum(p8[0], axis=0)
    u1 = jnp.sum(p8[1], axis=0)
    u = jnp.concatenate([u0, u1], axis=1)
    denom = 0.5 * jnp.sum(p4_ref[...], axis=(0, 1, 3))[:, None]
    mask = denom > 0.0
    inv = jnp.where(mask, 1.0 / jnp.where(mask, denom, 1.0), 0.0)
    s = u * inv
    c = lax.dot_general(s, we_ref[...], (((1,), (1,)), ((), ())),
                        preferred_element_type=jnp.float32)
    c = c + jnp.where(mask, 1.0, 0.0) * be_ref[...]
    context = jnp.where(c > 0.0, c, jnp.exp(jnp.minimum(c, 0.0)) - 1.0)
    h = nf_ref[...]
    gi = lax.dot_general(context, wih_ref[...], (((1,), (1,)), ((), ())),
                         preferred_element_type=jnp.float32) + bih_ref[...]
    gh = lax.dot_general(h, whh_ref[...], (((1,), (1,)), ((), ())),
                         preferred_element_type=jnp.float32) + bhh_ref[...]
    r = jax.nn.sigmoid(gi[:, :D_NODE] + gh[:, :D_NODE])
    z = jax.nn.sigmoid(gi[:, D_NODE:2 * D_NODE] + gh[:, D_NODE:2 * D_NODE])
    n = jnp.tanh(gi[:, 2 * D_NODE:] + r * gh[:, 2 * D_NODE:])
    h_new = (1.0 - z) * n + z * h
    out_ref[...] = jnp.maximum(h_new, 0.0)


def _dense_call(p8, p4, node_feats, W_e, be2, w_ih, w_hh, bih2, bhh2):
    grid = (N_NODES // _BLK,)
    return pl.pallas_call(
        _dense_body,
        grid=grid,
        in_specs=[
            pl.BlockSpec((2, _NSUB, _BLK, _HALF), lambda i: (0, 0, i, 0)),
            pl.BlockSpec((2, _NSUB, _BLK, _DCOL), lambda i: (0, 0, i, 0)),
            pl.BlockSpec((_BLK, D_NODE), lambda i: (i, 0)),
            pl.BlockSpec((D_HID, D_EDGE), lambda i: (0, 0)),
            pl.BlockSpec((1, D_HID), lambda i: (0, 0)),
            pl.BlockSpec((3 * D_NODE, D_HID), lambda i: (0, 0)),
            pl.BlockSpec((3 * D_NODE, D_NODE), lambda i: (0, 0)),
            pl.BlockSpec((1, 3 * D_NODE), lambda i: (0, 0)),
            pl.BlockSpec((1, 3 * D_NODE), lambda i: (0, 0)),
        ],
        out_specs=pl.BlockSpec((_BLK, D_NODE), lambda i: (i, 0)),
        out_shape=jax.ShapeDtypeStruct((N_NODES, D_NODE), jnp.float32),
    )(p8, p4, node_feats, W_e, be2, w_ih, w_hh, bih2, bhh2)


def kernel(edge_logits, edge_feats, node_feats, edge_index, W_e, b_e, w_ih, w_hh, b_ih, b_hh):
    logits = edge_logits.reshape(N_EDGES)
    dst = edge_index[1]
    z8 = jnp.zeros((_N_ACC * _HALF,), jnp.float32)
    z4 = jnp.zeros((_N_ACC * _DCOL,), jnp.float32)
    p8, p4 = _sc_scatter_kernel()(logits, edge_feats, dst, z8, z4)
    p8 = p8.reshape(2, _NSUB, _N_ACC, _HALF)
    p4 = p4.reshape(2, _NSUB, _N_ACC, _DCOL)
    return _dense_call(p8, p4, node_feats, W_e,
                       b_e.reshape(1, D_HID), w_ih, w_hh,
                       b_ih.reshape(1, 3 * D_NODE), b_hh.reshape(1, 3 * D_NODE))

# --- scband reference (transcript-rebuilt; emitter-appended) ---
"""Pipeline reference for scband-attentive-gru1-11287174053941 (READ-ONLY COPY).

The authoritative reference and input builder live on the scoring server;
editing this copy changes nothing except your own understanding.
"""

import jax, jax.numpy as jnp
import numpy as np

N_NODES = 10000
N_EDGES = 320000
D_NODE = 128
D_EDGE = 16
D_HID = 128


def setup_inputs(seed: int = 0) -> dict:
    key = jax.random.key(seed)
    ks = jax.random.split(key, 12)
    edge_index = jax.random.randint(ks[0], (2, N_EDGES), 0, N_NODES, dtype=jnp.int32)
    edge_logits = jax.random.normal(ks[1], (N_EDGES, 1), dtype=jnp.float32)
    edge_feats = jax.random.normal(ks[2], (N_EDGES, D_EDGE), dtype=jnp.float32)
    node_feats = jax.random.normal(ks[3], (N_NODES, D_NODE), dtype=jnp.float32)
    # edge_transform Linear(edge_feat_size -> edge_hidden_size); dropout p=0.0 (identity)
    W_e = jax.random.normal(ks[4], (D_HID, D_EDGE), dtype=jnp.float32) / np.sqrt(D_EDGE)
    b_e = jnp.zeros((D_HID,), dtype=jnp.float32)
    # GRUCell(input=edge_hidden_size, hidden=node_feat_size)
    s = 1.0 / np.sqrt(D_NODE)
    w_ih = jax.random.uniform(ks[5], (3 * D_NODE, D_HID), minval=-s, maxval=s, dtype=jnp.float32)
    w_hh = jax.random.uniform(ks[6], (3 * D_NODE, D_NODE), minval=-s, maxval=s, dtype=jnp.float32)
    b_ih = jax.random.uniform(ks[7], (3 * D_NODE,), minval=-s, maxval=s, dtype=jnp.float32)
    b_hh = jax.random.uniform(ks[8], (3 * D_NODE,), minval=-s, maxval=s, dtype=jnp.float32)
    return {"edge_logits": edge_logits, "edge_feats": edge_feats, "node_feats": node_feats,
            "edge_index": edge_index, "W_e": W_e, "b_e": b_e,
            "w_ih": w_ih, "w_hh": w_hh, "b_ih": b_ih, "b_hh": b_hh}


def reference(edge_logits, edge_feats, node_feats, edge_index, W_e, b_e, w_ih, w_hh, b_ih, b_hh):
    dst = edge_index[1]
    # edge_softmax over incoming edges of each destination node
    m = jax.ops.segment_max(edge_logits, dst, num_segments=N_NODES)  # [N, 1]
    ex = jnp.exp(edge_logits - m[dst])
    denom = jax.ops.segment_sum(ex, dst, num_segments=N_NODES)  # [N, 1]
    alpha = ex / denom[dst]  # [E, 1]
    # edge transform (dropout p=0.0 -> identity) then weight
    e = alpha * (edge_feats @ W_e.T + b_e)  # [E, D_HID]
    # message passing: copy_e + sum by destination node
    c = jax.ops.segment_sum(e, dst, num_segments=N_NODES)  # [N, D_HID]
    context = jax.nn.elu(c)
    # GRUCell(context, node_feats)
    gi = context @ w_ih.T + b_ih
    gh = node_feats @ w_hh.T + b_hh
    i_r, i_z, i_n = jnp.split(gi, 3, axis=1)
    h_r, h_z, h_n = jnp.split(gh, 3, axis=1)
    r = jax.nn.sigmoid(i_r + h_r)
    z = jax.nn.sigmoid(i_z + h_z)
    n = jnp.tanh(i_n + r * h_n)
    h_new = (1.0 - z) * n + z * node_feats
    return jax.nn.relu(h_new)

if __name__ == "__main__":
    import jax
    _d = setup_inputs()
    print(jax.jit(kernel)(*tuple(_d.values())))

</pallas_src>

<mosaic_0001>
#map = affine_map<(d0, d1) -> (0)>
#map1 = affine_map<(d0, d1) -> (0, 0)>
#map2 = affine_map<(d0, d1) -> (0, 0, 0)>
module attributes {stable_mosaic.version = 14 : i64} {
  func.func @_sc_body(%arg0: i32, %arg1: i32, %arg2: memref<320000xf32, #tpu.memory_space<hbm>>, %arg3: memref<320000x16xf32, #tpu.memory_space<hbm>>, %arg4: memref<320000xi32, #tpu.memory_space<hbm>>, %arg5: memref<81920xf32, #tpu.memory_space<hbm>>, %arg6: memref<20480xf32, #tpu.memory_space<hbm>>, %arg7: memref<2x16x81920xf32, #tpu.memory_space<hbm>>, %arg8: memref<2x16x20480xf32, #tpu.memory_space<hbm>>, %arg9: memref<128xf32, #tpu.memory_space<vmem>>, %arg10: memref<128x16xf32, #tpu.memory_space<vmem>>, %arg11: memref<128xi32, #tpu.memory_space<vmem>>, %arg12: memref<128xf32, #tpu.memory_space<vmem>>, %arg13: memref<81920xf32, #tpu.memory_space<vmem>>, %arg14: memref<20480xf32, #tpu.memory_space<vmem>>) attributes {dimension_semantics = [#tpu.dimension_semantics<core_parallel>, #tpu.dimension_semantics<subcore_parallel>], iteration_bounds = array<i64: 2, 16>, scalar_prefetch = 0 : i64, scratch_operands = 6 : i64, tpu.core_type = #tpu.core_type<sc_vector_subcore>, window_params = [{transform_indices = #map}, {transform_indices = #map1}, {transform_indices = #map}, {transform_indices = #map}, {transform_indices = #map}, {transform_indices = #map2}, {transform_indices = #map2}]} {
    "tpu.region"() ({
      %run_scoped3A = tpu.sem_alloc : memref<!tpu.dma_semaphore, #tpu.memory_space<semaphore_mem>>
      tpu.enqueue_dma source(%arg5 : memref<81920xf32, #tpu.memory_space<hbm>>) target(%arg13 : memref<81920xf32, #tpu.memory_space<vmem>>) target_semaphore(%run_scoped3A : memref<!tpu.dma_semaphore, #tpu.memory_space<semaphore_mem>>)
      tpu.wait_dma2 semaphore(%run_scoped3A : memref<!tpu.dma_semaphore, #tpu.memory_space<semaphore_mem>>) src(%arg5 : memref<81920xf32, #tpu.memory_space<hbm>>) dst(%arg13 : memref<81920xf32, #tpu.memory_space<vmem>>)
      tpu.yield
    }) : () -> ()
    "tpu.region"() ({
      %run_scoped3A = tpu.sem_alloc : memref<!tpu.dma_semaphore, #tpu.memory_space<semaphore_mem>>
      tpu.enqueue_dma source(%arg6 : memref<20480xf32, #tpu.memory_space<hbm>>) target(%arg14 : memref<20480xf32, #tpu.memory_space<vmem>>) target_semaphore(%run_scoped3A : memref<!tpu.dma_semaphore, #tpu.memory_space<semaphore_mem>>)
      tpu.wait_dma2 semaphore(%run_scoped3A : memref<!tpu.dma_semaphore, #tpu.memory_space<semaphore_mem>>) src(%arg6 : memref<20480xf32, #tpu.memory_space<hbm>>) dst(%arg14 : memref<20480xf32, #tpu.memory_space<vmem>>)
      tpu.yield
    }) : () -> ()
    %iota3A = tpu.iota {dimensions = array<i32: 0>} : vector<16xi32>
    %ge3A = arith.constant 8 : i32
    %ge3A_0 = vector.broadcast %ge3A : i32 to vector<16xi32>
    %ge3A_1 = arith.cmpi sge, %iota3A, %ge3A_0 : vector<16xi32>
    %convert_element_type3A = arith.extui %ge3A_1 : vector<16xi1> to vector<16xi32>
    %mul3A = arith.constant 8 : i32
    %mul3A_2 = vector.broadcast %mul3A : i32 to vector<16xi32>
    %mul3A_3 = arith.muli %convert_element_type3A, %mul3A_2 : vector<16xi32>
    %sub3A = arith.subi %iota3A, %mul3A_3 : vector<16xi32>
    %lt3A = arith.constant 8 : i32
    %lt3A_4 = vector.broadcast %lt3A : i32 to vector<16xi32>
    %lt3A_5 = arith.cmpi slt, %iota3A, %lt3A_4 : vector<16xi32>
    %ge3A_6 = arith.constant 8 : i32
    %ge3A_7 = vector.broadcast %ge3A_6 : i32 to vector<16xi32>
    %ge3A_8 = arith.cmpi sge, %iota3A, %ge3A_7 : vector<16xi32>
    %mul3A_9 = arith.constant 8 : i32
    %mul3A_10 = arith.muli %arg0, %mul3A_9 : i32
    %add3A = vector.broadcast %mul3A_10 : i32 to vector<16xi32>
    %add3A_11 = arith.addi %add3A, %sub3A : vector<16xi32>
    %scan3A = arith.constant 0 : i32
    %scan3A_12 = arith.constant 0 : i32
    %scan3A_13 = arith.constant 157 : i32
    %scan3A_14 = arith.addi %scan3A_12, %scan3A_13 : i32
    %scan3A_15 = arith.constant 1 : i32
    scf.for %scan3A_17 = %scan3A_12 to %scan3A_14 step %scan3A_15  : i32 {
      %mul3A_18 = arith.constant 16 : i32
      %mul3A_19 = arith.muli %mul3A_18, %scan3A_17 : i32
      %add3A_20 = arith.addi %arg1, %mul3A_19 : i32
      %lt3A_21 = arith.constant 2500 : i32
      %lt3A_22 = arith.cmpi slt, %add3A_20, %lt3A_21 : i32
      %convert_element_type3A_23 = arith.extui %lt3A_22 : i1 to i32
      %cond3A = arith.constant 0 : i32
      %cond3A_24 = arith.cmpi ne, %convert_element_type3A_23, %cond3A : i32
      scf.if %cond3A_24 {
        %mul3A_25 = arith.constant 128 : i32
        %mul3A_26 = arith.muli %add3A_20, %mul3A_25 : i32
        "tpu.region"() ({
          %run_scoped3A = tpu.sem_alloc : memref<!tpu.dma_semaphore, #tpu.memory_space<semaphore_mem>>
          %dma_start3A = tpu.memref_slice %arg2[%mul3A_26] : memref<320000xf32, #tpu.memory_space<hbm>> -> memref<128xf32, #tpu.memory_space<hbm>>
          %dma_start3A_831 = tpu.memref_slice %arg2[%mul3A_26] : memref<320000xf32, #tpu.memory_space<hbm>> -> memref<128xf32, #tpu.memory_space<hbm>>
          tpu.enqueue_dma source(%dma_start3A_831 : memref<128xf32, #tpu.memory_space<hbm>>) target(%arg9 : memref<128xf32, #tpu.memory_space<vmem>>) target_semaphore(%run_scoped3A : memref<!tpu.dma_semaphore, #tpu.memory_space<semaphore_mem>>)
          %dma_wait3A = tpu.memref_slice %arg2[%mul3A_26] : memref<320000xf32, #tpu.memory_space<hbm>> -> memref<128xf32, #tpu.memory_space<hbm>>
          %dma_wait3A_832 = tpu.memref_slice %arg2[%mul3A_26] : memref<320000xf32, #tpu.memory_space<hbm>> -> memref<128xf32, #tpu.memory_space<hbm>>
          tpu.wait_dma2 semaphore(%run_scoped3A : memref<!tpu.dma_semaphore, #tpu.memory_space<semaphore_mem>>) src(%dma_wait3A_832 : memref<128xf32, #tpu.memory_space<hbm>>) dst(%arg9 : memref<128xf32, #tpu.memory_space<vmem>>)
          tpu.yield
        }) : () -> ()
        "tpu.region"() ({
          %run_scoped3A = tpu.sem_alloc : memref<!tpu.dma_semaphore, #tpu.memory_space<semaphore_mem>>
          %dma_start3A = tpu.memref_slice %arg4[%mul3A_26] : memref<320000xi32, #tpu.memory_space<hbm>> -> memref<128xi32, #tpu.memory_space<hbm>>
          %dma_start3A_831 = tpu.memref_slice %arg4[%mul3A_26] : memref<320000xi32, #tpu.memory_space<hbm>> -> memref<128xi32, #tpu.memory_space<hbm>>
          tpu.enqueue_dma source(%dma_start3A_831 : memref<128xi32, #tpu.memory_space<hbm>>) target(%arg11 : memref<128xi32, #tpu.memory_space<vmem>>) target_semaphore(%run_scoped3A : memref<!tpu.dma_semaphore, #tpu.memory_space<semaphore_mem>>)
          %dma_wait3A = tpu.memref_slice %arg4[%mul3A_26] : memref<320000xi32, #tpu.memory_space<hbm>> -> memref<128xi32, #tpu.memory_space<hbm>>
          %dma_wait3A_832 = tpu.memref_slice %arg4[%mul3A_26] : memref<320000xi32, #tpu.memory_space<hbm>> -> memref<128xi32, #tpu.memory_space<hbm>>
          tpu.wait_dma2 semaphore(%run_scoped3A : memref<!tpu.dma_semaphore, #tpu.memory_space<semaphore_mem>>) src(%dma_wait3A_832 : memref<128xi32, #tpu.memory_space<hbm>>) dst(%arg11 : memref<128xi32, #tpu.memory_space<vmem>>)
          tpu.yield
        }) : () -> ()
        "tpu.region"() ({
          %run_scoped3A = tpu.sem_alloc : memref<!tpu.dma_semaphore, #tpu.memory_space<semaphore_mem>>
          %dma_start3A = arith.constant 0 : i32
          %dma_start3A_831 = tpu.memref_slice %arg3[%mul3A_26, %dma_start3A] : memref<320000x16xf32, #tpu.memory_space<hbm>> -> memref<128x16xf32, #tpu.memory_space<hbm>>
          %dma_start3A_832 = arith.constant 0 : i32
          %dma_start3A_833 = tpu.memref_slice %arg3[%mul3A_26, %dma_start3A_832] : memref<320000x16xf32, #tpu.memory_space<hbm>> -> memref<128x16xf32, #tpu.memory_space<hbm>>
          tpu.enqueue_dma source(%dma_start3A_833 : memref<128x16xf32, #tpu.memory_space<hbm>>) target(%arg10 : memref<128x16xf32, #tpu.memory_space<vmem>>) target_semaphore(%run_scoped3A : memref<!tpu.dma_semaphore, #tpu.memory_space<semaphore_mem>>)
          %dma_wait3A = arith.constant 0 : i32
          %dma_wait3A_834 = tpu.memref_slice %arg3[%mul3A_26, %dma_wait3A] : memref<320000x16xf32, #tpu.memory_space<hbm>> -> memref<128x16xf32, #tpu.memory_space<hbm>>
          %dma_wait3A_835 = arith.constant 0 : i32
          %dma_wait3A_836 = tpu.memref_slice %arg3[%mul3A_26, %dma_wait3A_835] : memref<320000x16xf32, #tpu.memory_space<hbm>> -> memref<128x16xf32, #tpu.memory_space<hbm>>
          tpu.wait_dma2 semaphore(%run_scoped3A : memref<!tpu.dma_semaphore, #tpu.memory_space<semaphore_mem>>) src(%dma_wait3A_836 : memref<128x16xf32, #tpu.memory_space<hbm>>) dst(%arg10 : memref<128x16xf32, #tpu.memory_space<vmem>>)
          tpu.yield
        }) : () -> ()
        %get3A = arith.constant 0 : index
        %get3A_27 = tpu.vector_load %arg9[%get3A] {strides = array<i32>} : memref<128xf32, #tpu.memory_space<vmem>>, vector<16xf32>,
        %exp3A = math.exp %get3A_27 : vector<16xf32>
        %swap3A = arith.constant 0 : index
        %swap3A_28 = tpu.vector_load %arg12[%swap3A] {strides = array<i32>} : memref<128xf32, #tpu.memory_space<vmem>>, vector<16xf32>,
        tpu.vector_store %arg12[%swap3A], %exp3A {strides = array<i32>} : memref<128xf32, #tpu.memory_space<vmem>>, vector<16xf32>,
        %get3A_29 = arith.constant 16 : index
        %get3A_30 = tpu.vector_load %arg9[%get3A_29] {strides = array<i32>} : memref<128xf32, #tpu.memory_space<vmem>>, vector<16xf32>,
        %exp3A_31 = math.exp %get3A_30 : vector<16xf32>
        %swap3A_32 = arith.constant 16 : index
        %swap3A_33 = tpu.vector_load %arg12[%swap3A_32] {strides = array<i32>} : memref<128xf32, #tpu.memory_space<vmem>>, vector<16xf32>,
        tpu.vector_store %arg12[%swap3A_32], %exp3A_31 {strides = array<i32>} : memref<128xf32, #tpu.memory_space<vmem>>, vector<16xf32>,
        %get3A_34 = arith.constant 32 : index
        %get3A_35 = tpu.vector_load %arg9[%get3A_34] {strides = array<i32>} : memref<128xf32, #tpu.memory_space<vmem>>, vector<16xf32>,
        %exp3A_36 = math.exp %get3A_35 : vector<16xf32>
        %swap3A_37 = arith.constant 32 : index
        %swap3A_38 = tpu.vector_load %arg12[%swap3A_37] {strides = array<i32>} : memref<128xf32, #tpu.memory_space<vmem>>, vector<16xf32>,
        tpu.vector_store %arg12[%swap3A_37], %exp3A_36 {strides = array<i32>} : memref<128xf32, #tpu.memory_space<vmem>>, vector<16xf32>,
        %get3A_39 = arith.constant 48 : index
        %get3A_40 = tpu.vector_load %arg9[%get3A_39] {strides = array<i32>} : memref<128xf32, #tpu.memory_space<vmem>>, vector<16xf32>,
        %exp3A_41 = math.exp %get3A_40 : vector<16xf32>
        %swap3A_42 = arith.constant 48 : index
        %swap3A_43 = tpu.vector_load %arg12[%swap3A_42] {strides = array<i32>} : memref<128xf32, #tpu.memory_space<vmem>>, vector<16xf32>,
        tpu.vector_store %arg12[%swap3A_42], %exp3A_41 {strides = array<i32>} : memref<128xf32, #tpu.memory_space<vmem>>, vector<16xf32>,
        %get3A_44 = arith.constant 64 : index
        %get3A_45 = tpu.vector_load %arg9[%get3A_44] {strides = array<i32>} : memref<128xf32, #tpu.memory_space<vmem>>, vector<16xf32>,
        %exp3A_46 = math.exp %get3A_45 : vector<16xf32>
        %swap3A_47 = arith.constant 64 : index
        %swap3A_48 = tpu.vector_load %arg12[%swap3A_47] {strides = array<i32>} : memref<128xf32, #tpu.memory_space<vmem>>, vector<16xf32>,
        tpu.vector_store %arg12[%swap3A_47], %exp3A_46 {strides = array<i32>} : memref<128xf32, #tpu.memory_space<vmem>>, vector<16xf32>,
        %get3A_49 = arith.constant 80 : index
        %get3A_50 = tpu.vector_load %arg9[%get3A_49] {strides = array<i32>} : memref<128xf32, #tpu.memory_space<vmem>>, vector<16xf32>,
        %exp3A_51 = math.exp %get3A_50 : vector<16xf32>
        %swap3A_52 = arith.constant 80 : index
        %swap3A_53 = tpu.vector_load %arg12[%swap3A_52] {strides = array<i32>} : memref<128xf32, #tpu.memory_space<vmem>>, vector<16xf32>,
        tpu.vector_store %arg12[%swap3A_52], %exp3A_51 {strides = array<i32>} : memref<128xf32, #tpu.memory_space<vmem>>, vector<16xf32>,
        %get3A_54 = arith.constant 96 : index
        %get3A_55 = tpu.vector_load %arg9[%get3A_54] {strides = array<i32>} : memref<128xf32, #tpu.memory_space<vmem>>, vector<16xf32>,
        %exp3A_56 = math.exp %get3A_55 : vector<16xf32>
        %swap3A_57 = arith.constant 96 : index
        %swap3A_58 = tpu.vector_load %arg12[%swap3A_57] {strides = array<i32>} : memref<128xf32, #tpu.memory_space<vmem>>, vector<16xf32>,
        tpu.vector_store %arg12[%swap3A_57], %exp3A_56 {strides = array<i32>} : memref<128xf32, #tpu.memory_space<vmem>>, vector<16xf32>,
        %get3A_59 = arith.constant 112 : index
        %get3A_60 = tpu.vector_load %arg9[%get3A_59] {strides = array<i32>} : memref<128xf32, #tpu.memory_space<vmem>>, vector<16xf32>,
        %exp3A_61 = math.exp %get3A_60 : vector<16xf32>
        %swap3A_62 = arith.constant 112 : index
        %swap3A_63 = tpu.vector_load %arg12[%swap3A_62] {strides = array<i32>} : memref<128xf32, #tpu.memory_space<vmem>>, vector<16xf32>,
        tpu.vector_store %arg12[%swap3A_62], %exp3A_61 {strides = array<i32>} : memref<128xf32, #tpu.memory_space<vmem>>, vector<16xf32>,
        %add3A_64 = arith.constant 0 : i32
        %add3A_65 = vector.broadcast %add3A_64 : i32 to vector<16xi32>
        %add3A_66 = arith.addi %add3A_65, %convert_element_type3A : vector<16xi32>
        %gather3A = tpu.vector_load_idx %arg11[%add3A_66] : memref<128xi32, #tpu.memory_space<vmem>>[vector<16xi32>], vector<16xi32>,
        %gather3A_67 = tpu.vector_load_idx %arg12[%add3A_66] : memref<128xf32, #tpu.memory_space<vmem>>[vector<16xi32>], vector<16xf32>,
        %gather3A_68 = tpu.vector_load_idx %arg10[%add3A_66, %add3A_11] : memref<128x16xf32, #tpu.memory_space<vmem>>[vector<16xi32>, vector<16xi32>], vector<16xf32>,
        %mul3A_69 = arith.mulf %gather3A_68, %gather3A_67 : vector<16xf32>
        %mul3A_70 = arith.constant 8 : i32
        %mul3A_71 = vector.broadcast %mul3A_70 : i32 to vector<16xi32>
        %mul3A_72 = arith.muli %gather3A, %mul3A_71 : vector<16xi32>
        %add3A_73 = arith.addi %mul3A_72, %sub3A : vector<16xi32>
        tpu.vector_store_idx %arg13[%add3A_73], %mul3A_69 masked %lt3A_5 {add = true} : memref<81920xf32, #tpu.memory_space<vmem>>[vector<16xi32>], vector<16xf32>, vector<16xi1>
        tpu.vector_store_idx %arg13[%add3A_73], %mul3A_69 masked %ge3A_8 {add = true} : memref<81920xf32, #tpu.memory_space<vmem>>[vector<16xi32>], vector<16xf32>, vector<16xi1>
        %add3A_74 = arith.constant 2 : i32
        %add3A_75 = vector.broadcast %add3A_74 : i32 to vector<16xi32>
        %add3A_76 = arith.addi %add3A_75, %convert_element_type3A : vector<16xi32>
        %gather3A_77 = tpu.vector_load_idx %arg11[%add3A_76] : memref<128xi32, #tpu.memory_space<vmem>>[vector<16xi32>], vector<16xi32>,
        %gather3A_78 = tpu.vector_load_idx %arg12[%add3A_76] : memref<128xf32, #tpu.memory_space<vmem>>[vector<16xi32>], vector<16xf32>,
        %gather3A_79 = tpu.vector_load_idx %arg10[%add3A_76, %add3A_11] : memref<128x16xf32, #tpu.memory_space<vmem>>[vector<16xi32>, vector<16xi32>], vector<16xf32>,
        %mul3A_80 = arith.mulf %gather3A_79, %gather3A_78 : vector<16xf32>
        %mul3A_81 = arith.constant 8 : i32
        %mul3A_82 = vector.broadcast %mul3A_81 : i32 to vector<16xi32>
        %mul3A_83 = arith.muli %gather3A_77, %mul3A_82 : vector<16xi32>
        %add3A_84 = arith.addi %mul3A_83, %sub3A : vector<16xi32>
        tpu.vector_store_idx %arg13[%add3A_84], %mul3A_80 masked %lt3A_5 {add = true} : memref<81920xf32, #tpu.memory_space<vmem>>[vector<16xi32>], vector<16xf32>, vector<16xi1>
        tpu.vector_store_idx %arg13[%add3A_84], %mul3A_80 masked %ge3A_8 {add = true} : memref<81920xf32, #tpu.memory_space<vmem>>[vector<16xi32>], vector<16xf32>, vector<16xi1>
        %add3A_85 = arith.constant 4 : i32
        %add3A_86 = vector.broadcast %add3A_85 : i32 to vector<16xi32>
        %add3A_87 = arith.addi %add3A_86, %convert_element_type3A : vector<16xi32>
        %gather3A_88 = tpu.vector_load_idx %arg11[%add3A_87] : memref<128xi32, #tpu.memory_space<vmem>>[vector<16xi32>], vector<16xi32>,
        %gather3A_89 = tpu.vector_load_idx %arg12[%add3A_87] : memref<128xf32, #tpu.memory_space<vmem>>[vector<16xi32>], vector<16xf32>,
        %gather3A_90 = tpu.vector_load_idx %arg10[%add3A_87, %add3A_11] : memref<128x16xf32, #tpu.memory_space<vmem>>[vector<16xi32>, vector<16xi32>], vector<16xf32>,
        %mul3A_91 = arith.mulf %gather3A_90, %gather3A_89 : vector<16xf32>
        %mul3A_92 = arith.constant 8 : i32
        %mul3A_93 = vector.broadcast %mul3A_92 : i32 to vector<16xi32>
        %mul3A_94 = arith.muli %gather3A_88, %mul3A_93 : vector<16xi32>
        %add3A_95 = arith.addi %mul3A_94, %sub3A : vector<16xi32>
        tpu.vector_store_idx %arg13[%add3A_95], %mul3A_91 masked %lt3A_5 {add = true} : memref<81920xf32, #tpu.memory_space<vmem>>[vector<16xi32>], vector<16xf32>, vector<16xi1>
        tpu.vector_store_idx %arg13[%add3A_95], %mul3A_91 masked %ge3A_8 {add = true} : memref<81920xf32, #tpu.memory_space<vmem>>[vector<16xi32>], vector<16xf32>, vector<16xi1>
        %add3A_96 = arith.constant 6 : i32
        %add3A_97 = vector.broadcast %add3A_96 : i32 to vector<16xi32>
        %add3A_98 = arith.addi %add3A_97, %convert_element_type3A : vector<16xi32>
        %gather3A_99 = tpu.vector_load_idx %arg11[%add3A_98] : memref<128xi32, #tpu.memory_space<vmem>>[vector<16xi32>], vector<16xi32>,
        %gather3A_100 = tpu.vector_load_idx %arg12[%add3A_98] : memref<128xf32, #tpu.memory_space<vmem>>[vector<16xi32>], vector<16xf32>,
        %gather3A_101 = tpu.vector_load_idx %arg10[%add3A_98, %add3A_11] : memref<128x16xf32, #tpu.memory_space<vmem>>[vector<16xi32>, vector<16xi32>], vector<16xf32>,
        %mul3A_102 = arith.mulf %gather3A_101, %gather3A_100 : vector<16xf32>
        %mul3A_103 = arith.constant 8 : i32
        %mul3A_104 = vector.broadcast %mul3A_103 : i32 to vector<16xi32>
        %mul3A_105 = arith.muli %gather3A_99, %mul3A_104 : vector<16xi32>
        %add3A_106 = arith.addi %mul3A_105, %sub3A : vector<16xi32>
        tpu.vector_store_idx %arg13[%add3A_106], %mul3A_102 masked %lt3A_5 {add = true} : memref<81920xf32, #tpu.memory_space<vmem>>[vector<16xi32>], vector<16xf32>, vector<16xi1>
        tpu.vector_store_idx %arg13[%add3A_106], %mul3A_102 masked %ge3A_8 {add = true} : memref<81920xf32, #tpu.memory_space<vmem>>[vector<16xi32>], vector<16xf32>, vector<16xi1>
        %add3A_107 = arith.constant 8 : i32
        %add3A_108 = vector.broadcast %add3A_107 : i32 to vector<16xi32>
        %add3A_109 = arith.addi %add3A_108, %convert_element_type3A : vector<16xi32>
        %gather3A_110 = tpu.vector_load_idx %arg11[%add3A_109] : memref<128xi32, #tpu.memory_space<vmem>>[vector<16xi32>], vector<16xi32>,
        %gather3A_111 = tpu.vector_load_idx %arg12[%add3A_109] : memref<128xf32, #tpu.memory_space<vmem>>[vector<16xi32>], vector<16xf32>,
        %gather3A_112 = tpu.vector_load_idx %arg10[%add3A_109, %add3A_11] : memref<128x16xf32, #tpu.memory_space<vmem>>[vector<16xi32>, vector<16xi32>], vector<16xf32>,
        %mul3A_113 = arith.mulf %gather3A_112, %gather3A_111 : vector<16xf32>
        %mul3A_114 = arith.constant 8 : i32
        %mul3A_115 = vector.broadcast %mul3A_114 : i32 to vector<16xi32>
        %mul3A_116 = arith.muli %gather3A_110, %mul3A_115 : vector<16xi32>
        %add3A_117 = arith.addi %mul3A_116, %sub3A : vector<16xi32>
        tpu.vector_store_idx %arg13[%add3A_117], %mul3A_113 masked %lt3A_5 {add = true} : memref<81920xf32, #tpu.memory_space<vmem>>[vector<16xi32>], vector<16xf32>, vector<16xi1>
        tpu.vector_store_idx %arg13[%add3A_117], %mul3A_113 masked %ge3A_8 {add = true} : memref<81920xf32, #tpu.memory_space<vmem>>[vector<16xi32>], vector<16xf32>, vector<16xi1>
        %add3A_118 = arith.constant 10 : i32
        %add3A_119 = vector.broadcast %add3A_118 : i32 to vector<16xi32>
        %add3A_120 = arith.addi %add3A_119, %convert_element_type3A : vector<16xi32>
        %gather3A_121 = tpu.vector_load_idx %arg11[%add3A_120] : memref<128xi32, #tpu.memory_space<vmem>>[vector<16xi32>], vector<16xi32>,
        %gather3A_122 = tpu.vector_load_idx %arg12[%add3A_120] : memref<128xf32, #tpu.memory_space<vmem>>[vector<16xi32>], vector<16xf32>,
        %gather3A_123 = tpu.vector_load_idx %arg10[%add3A_120, %add3A_11] : memref<128x16xf32, #tpu.memory_space<vmem>>[vector<16xi32>, vector<16xi32>], vector<16xf32>,
        %mul3A_124 = arith.mulf %gather3A_123, %gather3A_122 : vector<16xf32>
        %mul3A_125 = arith.constant 8 : i32
        %mul3A_126 = vector.broadcast %mul3A_125 : i32 to vector<16xi32>
        %mul3A_127 = arith.muli %gather3A_121, %mul3A_126 : vector<16xi32>
        %add3A_128 = arith.addi %mul3A_127, %sub3A : vector<16xi32>
        tpu.vector_store_idx %arg13[%add3A_128], %mul3A_124 masked %lt3A_5 {add = true} : memref<81920xf32, #tpu.memory_space<vmem>>[vector<16xi32>], vector<16xf32>, vector<16xi1>
        tpu.vector_store_idx %arg13[%add3A_128], %mul3A_124 masked %ge3A_8 {add = true} : memref<81920xf32, #tpu.memory_space<vmem>>[vector<16xi32>], vector<16xf32>, vector<16xi1>
        %add3A_129 = arith.constant 12 : i32
        %add3A_130 = vector.broadcast %add3A_129 : i32 to vector<16xi32>
        %add3A_131 = arith.addi %add3A_130, %convert_element_type3A : vector<16xi32>
        %gather3A_132 = tpu.vector_load_idx %arg11[%add3A_131] : memref<128xi32, #tpu.memory_space<vmem>>[vector<16xi32>], vector<16xi32>,
        %gather3A_133 = tpu.vector_load_idx %arg12[%add3A_131] : memref<128xf32, #tpu.memory_space<vmem>>[vector<16xi32>], vector<16xf32>,
        %gather3A_134 = tpu.vector_load_idx %arg10[%add3A_131, %add3A_11] : memref<128x16xf32, #tpu.memory_space<vmem>>[vector<16xi32>, vector<16xi32>], vector<16xf32>,
        %mul3A_135 = arith.mulf %gather3A_134, %gather3A_133 : vector<16xf32>
        %mul3A_136 = arith.constant 8 : i32
        %mul3A_137 = vector.broadcast %mul3A_136 : i32 to vector<16xi32>
        %mul3A_138 = arith.muli %gather3A_132, %mul3A_137 : vector<16xi32>
        %add3A_139 = arith.addi %mul3A_138, %sub3A : vector<16xi32>
        tpu.vector_store_idx %arg13[%add3A_139], %mul3A_135 masked %lt3A_5 {add = true} : memref<81920xf32, #tpu.memory_space<vmem>>[vector<16xi32>], vector<16xf32>, vector<16xi1>
        tpu.vector_store_idx %arg13[%add3A_139], %mul3A_135 masked %ge3A_8 {add = true} : memref<81920xf32, #tpu.memory_space<vmem>>[vector<16xi32>], vector<16xf32>, vector<16xi1>
        %add3A_140 = arith.constant 14 : i32
        %add3A_141 = vector.broadcast %add3A_140 : i32 to vector<16xi32>
        %add3A_142 = arith.addi %add3A_141, %convert_element_type3A : vector<16xi32>
        %gather3A_143 = tpu.vector_load_idx %arg11[%add3A_142] : memref<128xi32, #tpu.memory_space<vmem>>[vector<16xi32>], vector<16xi32>,
        %gather3A_144 = tpu.vector_load_idx %arg12[%add3A_142] : memref<128xf32, #tpu.memory_space<vmem>>[vector<16xi32>], vector<16xf32>,
        %gather3A_145 = tpu.vector_load_idx %arg10[%add3A_142, %add3A_11] : memref<128x16xf32, #tpu.memory_space<vmem>>[vector<16xi32>, vector<16xi32>], vector<16xf32>,
        %mul3A_146 = arith.mulf %gather3A_145, %gather3A_144 : vector<16xf32>
        %mul3A_147 = arith.constant 8 : i32
        %mul3A_148 = vector.broadcast %mul3A_147 : i32 to vector<16xi32>
        %mul3A_149 = arith.muli %gather3A_143, %mul3A_148 : vector<16xi32>
        %add3A_150 = arith.addi %mul3A_149, %sub3A : vector<16xi32>
        tpu.vector_store_idx %arg13[%add3A_150], %mul3A_146 masked %lt3A_5 {add = true} : memref<81920xf32, #tpu.memory_space<vmem>>[vector<16xi32>], vector<16xf32>, vector<16xi1>
        tpu.vector_store_idx %arg13[%add3A_150], %mul3A_146 masked %ge3A_8 {add = true} : memref<81920xf32, #tpu.memory_space<vmem>>[vector<16xi32>], vector<16xf32>, vector<16xi1>
        %add3A_151 = arith.constant 16 : i32
        %add3A_152 = vector.broadcast %add3A_151 : i32 to vector<16xi32>
        %add3A_153 = arith.addi %add3A_152, %convert_element_type3A : vector<16xi32>
        %gather3A_154 = tpu.vector_load_idx %arg11[%add3A_153] : memref<128xi32, #tpu.memory_space<vmem>>[vector<16xi32>], vector<16xi32>,
        %gather3A_155 = tpu.vector_load_idx %arg12[%add3A_153] : memref<128xf32, #tpu.memory_space<vmem>>[vector<16xi32>], vector<16xf32>,
        %gather3A_156 = tpu.vector_load_idx %arg10[%add3A_153, %add3A_11] : memref<128x16xf32, #tpu.memory_space<vmem>>[vector<16xi32>, vector<16xi32>], vector<16xf32>,
        %mul3A_157 = arith.mulf %gather3A_156, %gather3A_155 : vector<16xf32>
        %mul3A_158 = arith.constant 8 : i32
        %mul3A_159 = vector.broadcast %mul3A_158 : i32 to vector<16xi32>
        %mul3A_160 = arith.muli %gather3A_154, %mul3A_159 : vector<16xi32>
        %add3A_161 = arith.addi %mul3A_160, %sub3A : vector<16xi32>
        tpu.vector_store_idx %arg13[%add3A_161], %mul3A_157 masked %lt3A_5 {add = true} : memref<81920xf32, #tpu.memory_space<vmem>>[vector<16xi32>], vector<16xf32>, vector<16xi1>
        tpu.vector_store_idx %arg13[%add3A_161], %mul3A_157 masked %ge3A_8 {add = true} : memref<81920xf32, #tpu.memory_space<vmem>>[vector<16xi32>], vector<16xf32>, vector<16xi1>
        %add3A_162 = arith.constant 18 : i32
        %add3A_163 = vector.broadcast %add3A_162 : i32 to vector<16xi32>
        %add3A_164 = arith.addi %add3A_163, %convert_element_type3A : vector<16xi32>
        %gather3A_165 = tpu.vector_load_idx %arg11[%add3A_164] : memref<128xi32, #tpu.memory_space<vmem>>[vector<16xi32>], vector<16xi32>,
        %gather3A_166 = tpu.vector_load_idx %arg12[%add3A_164] : memref<128xf32, #tpu.memory_space<vmem>>[vector<16xi32>], vector<16xf32>,
        %gather3A_167 = tpu.vector_load_idx %arg10[%add3A_164, %add3A_11] : memref<128x16xf32, #tpu.memory_space<vmem>>[vector<16xi32>, vector<16xi32>], vector<16xf32>,
        %mul3A_168 = arith.mulf %gather3A_167, %gather3A_166 : vector<16xf32>
        %mul3A_169 = arith.constant 8 : i32
        %mul3A_170 = vector.broadcast %mul3A_169 : i32 to vector<16xi32>
        %mul3A_171 = arith.muli %gather3A_165, %mul3A_170 : vector<16xi32>
        %add3A_172 = arith.addi %mul3A_171, %sub3A : vector<16xi32>
        tpu.vector_store_idx %arg13[%add3A_172], %mul3A_168 masked %lt3A_5 {add = true} : memref<81920xf32, #tpu.memory_space<vmem>>[vector<16xi32>], vector<16xf32>, vector<16xi1>
        tpu.vector_store_idx %arg13[%add3A_172], %mul3A_168 masked %ge3A_8 {add = true} : memref<81920xf32, #tpu.memory_space<vmem>>[vector<16xi32>], vector<16xf32>, vector<16xi1>
        %add3A_173 = arith.constant 20 : i32
        %add3A_174 = vector.broadcast %add3A_173 : i32 to vector<16xi32>
        %add3A_175 = arith.addi %add3A_174, %convert_element_type3A : vector<16xi32>
        %gather3A_176 = tpu.vector_load_idx %arg11[%add3A_175] : memref<128xi32, #tpu.memory_space<vmem>>[vector<16xi32>], vector<16xi32>,
        %gather3A_177 = tpu.vector_load_idx %arg12[%add3A_175] : memref<128xf32, #tpu.memory_space<vmem>>[vector<16xi32>], vector<16xf32>,
        %gather3A_178 = tpu.vector_load_idx %arg10[%add3A_175, %add3A_11] : memref<128x16xf32, #tpu.memory_space<vmem>>[vector<16xi32>, vector<16xi32>], vector<16xf32>,
        %mul3A_179 = arith.mulf %gather3A_178, %gather3A_177 : vector<16xf32>
        %mul3A_180 = arith.constant 8 : i32
        %mul3A_181 = vector.broadcast %mul3A_180 : i32 to vector<16xi32>
        %mul3A_182 = arith.muli %gather3A_176, %mul3A_181 : vector<16xi32>
        %add3A_183 = arith.addi %mul3A_182, %sub3A : vector<16xi32>
        tpu.vector_store_idx %arg13[%add3A_183], %mul3A_179 masked %lt3A_5 {add = true} : memref<81920xf32, #tpu.memory_space<vmem>>[vector<16xi32>], vector<16xf32>, vector<16xi1>
        tpu.vector_store_idx %arg13[%add3A_183], %mul3A_179 masked %ge3A_8 {add = true} : memref<81920xf32, #tpu.memory_space<vmem>>[vector<16xi32>], vector<16xf32>, vector<16xi1>
        %add3A_184 = arith.constant 22 : i32
        %add3A_185 = vector.broadcast %add3A_184 : i32 to vector<16xi32>
        %add3A_186 = arith.addi %add3A_185, %convert_element_type3A : vector<16xi32>
        %gather3A_187 = tpu.vector_load_idx %arg11[%add3A_186] : memref<128xi32, #tpu.memory_space<vmem>>[vector<16xi32>], vector<16xi32>,
        %gather3A_188 = tpu.vector_load_idx %arg12[%add3A_186] : memref<128xf32, #tpu.memory_space<vmem>>[vector<16xi32>], vector<16xf32>,
        %gather3A_189 = tpu.vector_load_idx %arg10[%add3A_186, %add3A_11] : memref<128x16xf32, #tpu.memory_space<vmem>>[vector<16xi32>, vector<16xi32>], vector<16xf32>,
        %mul3A_190 = arith.mulf %gather3A_189, %gather3A_188 : vector<16xf32>
        %mul3A_191 = arith.constant 8 : i32
        %mul3A_192 = vector.broadcast %mul3A_191 : i32 to vector<16xi32>
        %mul3A_193 = arith.muli %gather3A_187, %mul3A_192 : vector<16xi32>
        %add3A_194 = arith.addi %mul3A_193, %sub3A : vector<16xi32>
        tpu.vector_store_idx %arg13[%add3A_194], %mul3A_190 masked %lt3A_5 {add = true} : memref<81920xf32, #tpu.memory_space<vmem>>[vector<16xi32>], vector<16xf32>, vector<16xi1>
        tpu.vector_store_idx %arg13[%add3A_194], %mul3A_190 masked %ge3A_8 {add = true} : memref<81920xf32, #tpu.memory_space<vmem>>[vector<16xi32>], vector<16xf32>, vector<16xi1>
        %add3A_195 = arith.constant 24 : i32
        %add3A_196 = vector.broadcast %add3A_195 : i32 to vector<16xi32>
        %add3A_197 = arith.addi %add3A_196, %convert_element_type3A : vector<16xi32>
        %gather3A_198 = tpu.vector_load_idx %arg11[%add3A_197] : memref<128xi32, #tpu.memory_space<vmem>>[vector<16xi32>], vector<16xi32>,
        %gather3A_199 = tpu.vector_load_idx %arg12[%add3A_197] : memref<128xf32, #tpu.memory_space<vmem>>[vector<16xi32>], vector<16xf32>,
        %gather3A_200 = tpu.vector_load_idx %arg10[%add3A_197, %add3A_11] : memref<128x16xf32, #tpu.memory_space<vmem>>[vector<16xi32>, vector<16xi32>], vector<16xf32>,
        %mul3A_201 = arith.mulf %gather3A_200, %gather3A_199 : vector<16xf32>
        %mul3A_202 = arith.constant 8 : i32
        %mul3A_203 = vector.broadcast %mul3A_202 : i32 to vector<16xi32>
        %mul3A_204 = arith.muli %gather3A_198, %mul3A_203 : vector<16xi32>
        %add3A_205 = arith.addi %mul3A_204, %sub3A : vector<16xi32>
        tpu.vector_store_idx %arg13[%add3A_205], %mul3A_201 masked %lt3A_5 {add = true} : memref<81920xf32, #tpu.memory_space<vmem>>[vector<16xi32>], vector<16xf32>, vector<16xi1>
        tpu.vector_store_idx %arg13[%add3A_205], %mul3A_201 masked %ge3A_8 {add = true} : memref<81920xf32, #tpu.memory_space<vmem>>[vector<16xi32>], vector<16xf32>, vector<16xi1>
        %add3A_206 = arith.constant 26 : i32
        %add3A_207 = vector.broadcast %add3A_206 : i32 to vector<16xi32>
        %add3A_208 = arith.addi %add3A_207, %convert_element_type3A : vector<16xi32>
        %gather3A_209 = tpu.vector_load_idx %arg11[%add3A_208] : memref<128xi32, #tpu.memory_space<vmem>>[vector<16xi32>], vector<16xi32>,
        %gather3A_210 = tpu.vector_load_idx %arg12[%add3A_208] : memref<128xf32, #tpu.memory_space<vmem>>[vector<16xi32>], vector<16xf32>,
        %gather3A_211 = tpu.vector_load_idx %arg10[%add3A_208, %add3A_11] : memref<128x16xf32, #tpu.memory_space<vmem>>[vector<16xi32>, vector<16xi32>], vector<16xf32>,
        %mul3A_212 = arith.mulf %gather3A_211, %gather3A_210 : vector<16xf32>
        %mul3A_213 = arith.constant 8 : i32
        %mul3A_214 = vector.broadcast %mul3A_213 : i32 to vector<16xi32>
        %mul3A_215 = arith.muli %gather3A_209, %mul3A_214 : vector<16xi32>
        %add3A_216 = arith.addi %mul3A_215, %sub3A : vector<16xi32>
        tpu.vector_store_idx %arg13[%add3A_216], %mul3A_212 masked %lt3A_5 {add = true} : memref<81920xf32, #tpu.memory_space<vmem>>[vector<16xi32>], vector<16xf32>, vector<16xi1>
        tpu.vector_store_idx %arg13[%add3A_216], %mul3A_212 masked %ge3A_8 {add = true} : memref<81920xf32, #tpu.memory_space<vmem>>[vector<16xi32>], vector<16xf32>, vector<16xi1>
        %add3A_217 = arith.constant 28 : i32
        %add3A_218 = vector.broadcast %add3A_217 : i32 to vector<16xi32>
        %add3A_219 = arith.addi %add3A_218, %convert_element_type3A : vector<16xi32>
        %gather3A_220 = tpu.vector_load_idx %arg11[%add3A_219] : memref<128xi32, #tpu.memory_space<vmem>>[vector<16xi32>], vector<16xi32>,
        %gather3A_221 = tpu.vector_load_idx %arg12[%add3A_219] : memref<128xf32, #tpu.memory_space<vmem>>[vector<16xi32>], vector<16xf32>,
        %gather3A_222 = tpu.vector_load_idx %arg10[%add3A_219, %add3A_11] : memref<128x16xf32, #tpu.memory_space<vmem>>[vector<16xi32>, vector<16xi32>], vector<16xf32>,
        %mul3A_223 = arith.mulf %gather3A_222, %gather3A_221 : vector<16xf32>
        %mul3A_224 = arith.constant 8 : i32
        %mul3A_225 = vector.broadcast %mul3A_224 : i32 to vector<16xi32>
        %mul3A_226 = arith.muli %gather3A_220, %mul3A_225 : vector<16xi32>
        %add3A_227 = arith.addi %mul3A_226, %sub3A : vector<16xi32>
        tpu.vector_store_idx %arg13[%add3A_227], %mul3A_223 masked %lt3A_5 {add = true} : memref<81920xf32, #tpu.memory_space<vmem>>[vector<16xi32>], vector<16xf32>, vector<16xi1>
        tpu.vector_store_idx %arg13[%add3A_227], %mul3A_223 masked %ge3A_8 {add = true} : memref<81920xf32, #tpu.memory_space<vmem>>[vector<16xi32>], vector<16xf32>, vector<16xi1>
        %add3A_228 = arith.constant 30 : i32
        %add3A_229 = vector.broadcast %add3A_228 : i32 to vector<16xi32>
        %add3A_230 = arith.addi %add3A_229, %convert_element_type3A : vector<16xi32>
        %gather3A_231 = tpu.vector_load_idx %arg11[%add3A_230] : memref<128xi32, #tpu.memory_space<vmem>>[vector<16xi32>], vector<16xi32>,
        %gather3A_232 = tpu.vector_load_idx %arg12[%add3A_230] : memref<128xf32, #tpu.memory_space<vmem>>[vector<16xi32>], vector<16xf32>,
        %gather3A_233 = tpu.vector_load_idx %arg10[%add3A_230, %add3A_11] : memref<128x16xf32, #tpu.memory_space<vmem>>[vector<16xi32>, vector<16xi32>], vector<16xf32>,
        %mul3A_234 = arith.mulf %gather3A_233, %gather3A_232 : vector<16xf32>
        %mul3A_235 = arith.constant 8 : i32
        %mul3A_236 = vector.broadcast %mul3A_235 : i32 to vector<16xi32>
        %mul3A_237 = arith.muli %gather3A_231, %mul3A_236 : vector<16xi32>
        %add3A_238 = arith.addi %mul3A_237, %sub3A : vector<16xi32>
        tpu.vector_store_idx %arg13[%add3A_238], %mul3A_234 masked %lt3A_5 {add = true} : memref<81920xf32, #tpu.memory_space<vmem>>[vector<16xi32>], vector<16xf32>, vector<16xi1>
        tpu.vector_store_idx %arg13[%add3A_238], %mul3A_234 masked %ge3A_8 {add = true} : memref<81920xf32, #tpu.memory_space<vmem>>[vector<16xi32>], vector<16xf32>, vector<16xi1>
        %add3A_239 = arith.constant 32 : i32
        %add3A_240 = vector.broadcast %add3A_239 : i32 to vector<16xi32>
        %add3A_241 = arith.addi %add3A_240, %convert_element_type3A : vector<16xi32>
        %gather3A_242 = tpu.vector_load_idx %arg11[%add3A_241] : memref<128xi32, #tpu.memory_space<vmem>>[vector<16xi32>], vector<16xi32>,
        %gather3A_243 = tpu.vector_load_idx %arg12[%add3A_241] : memref<128xf32, #tpu.memory_space<vmem>>[vector<16xi32>], vector<16xf32>,
        %gather3A_244 = tpu.vector_load_idx %arg10[%add3A_241, %add3A_11] : memref<128x16xf32, #tpu.memory_space<vmem>>[vector<16xi32>, vector<16xi32>], vector<16xf32>,
        %mul3A_245 = arith.mulf %gather3A_244, %gather3A_243 : vector<16xf32>
        %mul3A_246 = arith.constant 8 : i32
        %mul3A_247 = vector.broadcast %mul3A_246 : i32 to vector<16xi32>
        %mul3A_248 = arith.muli %gather3A_242, %mul3A_247 : vector<16xi32>
        %add3A_249 = arith.addi %mul3A_248, %sub3A : vector<16xi32>
        tpu.vector_store_idx %arg13[%add3A_249], %mul3A_245 masked %lt3A_5 {add = true} : memref<81920xf32, #tpu.memory_space<vmem>>[vector<16xi32>], vector<16xf32>, vector<16xi1>
        tpu.vector_store_idx %arg13[%add3A_249], %mul3A_245 masked %ge3A_8 {add = true} : memref<81920xf32, #tpu.memory_space<vmem>>[vector<16xi32>], vector<16xf32>, vector<16xi1>
        %add3A_250 = arith.constant 34 : i32
        %add3A_251 = vector.broadcast %add3A_250 : i32 to vector<16xi32>
        %add3A_252 = arith.addi %add3A_251, %convert_element_type3A : vector<16xi32>
        %gather3A_253 = tpu.vector_load_idx %arg11[%add3A_252] : memref<128xi32, #tpu.memory_space<vmem>>[vector<16xi32>], vector<16xi32>,
        %gather3A_254 = tpu.vector_load_idx %arg12[%add3A_252] : memref<128xf32, #tpu.memory_space<vmem>>[vector<16xi32>], vector<16xf32>,
        %gather3A_255 = tpu.vector_load_idx %arg10[%add3A_252, %add3A_11] : memref<128x16xf32, #tpu.memory_space<vmem>>[vector<16xi32>, vector<16xi32>], vector<16xf32>,
        %mul3A_256 = arith.mulf %gather3A_255, %gather3A_254 : vector<16xf32>
        %mul3A_257 = arith.constant 8 : i32
        %mul3A_258 = vector.broadcast %mul3A_257 : i32 to vector<16xi32>
        %mul3A_259 = arith.muli %gather3A_253, %mul3A_258 : vector<16xi32>
        %add3A_260 = arith.addi %mul3A_259, %sub3A : vector<16xi32>
        tpu.vector_store_idx %arg13[%add3A_260], %mul3A_256 masked %lt3A_5 {add = true} : memref<81920xf32, #tpu.memory_space<vmem>>[vector<16xi32>], vector<16xf32>, vector<16xi1>
        tpu.vector_store_idx %arg13[%add3A_260], %mul3A_256 masked %ge3A_8 {add = true} : memref<81920xf32, #tpu.memory_space<vmem>>[vector<16xi32>], vector<16xf32>, vector<16xi1>
        %add3A_261 = arith.constant 36 : i32
        %add3A_262 = vector.broadcast %add3A_261 : i32 to vector<16xi32>
        %add3A_263 = arith.addi %add3A_262, %convert_element_type3A : vector<16xi32>
        %gather3A_264 = tpu.vector_load_idx %arg11[%add3A_263] : memref<128xi32, #tpu.memory_space<vmem>>[vector<16xi32>], vector<16xi32>,
        %gather3A_265 = tpu.vector_load_idx %arg12[%add3A_263] : memref<128xf32, #tpu.memory_space<vmem>>[vector<16xi32>], vector<16xf32>,
        %gather3A_266 = tpu.vector_load_idx %arg10[%add3A_263, %add3A_11] : memref<128x16xf32, #tpu.memory_space<vmem>>[vector<16xi32>, vector<16xi32>], vector<16xf32>,
        %mul3A_267 = arith.mulf %gather3A_266, %gather3A_265 : vector<16xf32>
        %mul3A_268 = arith.constant 8 : i32
        %mul3A_269 = vector.broadcast %mul3A_268 : i32 to vector<16xi32>
        %mul3A_270 = arith.muli %gather3A_264, %mul3A_269 : vector<16xi32>
        %add3A_271 = arith.addi %mul3A_270, %sub3A : vector<16xi32>
        tpu.vector_store_idx %arg13[%add3A_271], %mul3A_267 masked %lt3A_5 {add = true} : memref<81920xf32, #tpu.memory_space<vmem>>[vector<16xi32>], vector<16xf32>, vector<16xi1>
        tpu.vector_store_idx %arg13[%add3A_271], %mul3A_267 masked %ge3A_8 {add = true} : memref<81920xf32, #tpu.memory_space<vmem>>[vector<16xi32>], vector<16xf32>, vector<16xi1>
        %add3A_272 = arith.constant 38 : i32
        %add3A_273 = vector.broadcast %add3A_272 : i32 to vector<16xi32>
        %add3A_274 = arith.addi %add3A_273, %convert_element_type3A : vector<16xi32>
        %gather3A_275 = tpu.vector_load_idx %arg11[%add3A_274] : memref<128xi32, #tpu.memory_space<vmem>>[vector<16xi32>], vector<16xi32>,
        %gather3A_276 = tpu.vector_load_idx %arg12[%add3A_274] : memref<128xf32, #tpu.memory_space<vmem>>[vector<16xi32>], vector<16xf32>,
        %gather3A_277 = tpu.vector_load_idx %arg10[%add3A_274, %add3A_11] : memref<128x16xf32, #tpu.memory_space<vmem>>[vector<16xi32>, vector<16xi32>], vector<16xf32>,
        %mul3A_278 = arith.mulf %gather3A_277, %gather3A_276 : vector<16xf32>
        %mul3A_279 = arith.constant 8 : i32
        %mul3A_280 = vector.broadcast %mul3A_279 : i32 to vector<16xi32>
        %mul3A_281 = arith.muli %gather3A_275, %mul3A_280 : vector<16xi32>
        %add3A_282 = arith.addi %mul3A_281, %sub3A : vector<16xi32>
        tpu.vector_store_idx %arg13[%add3A_282], %mul3A_278 masked %lt3A_5 {add = true} : memref<81920xf32, #tpu.memory_space<vmem>>[vector<16xi32>], vector<16xf32>, vector<16xi1>
        tpu.vector_store_idx %arg13[%add3A_282], %mul3A_278 masked %ge3A_8 {add = true} : memref<81920xf32, #tpu.memory_space<vmem>>[vector<16xi32>], vector<16xf32>, vector<16xi1>
        %add3A_283 = arith.constant 40 : i32
        %add3A_284 = vector.broadcast %add3A_283 : i32 to vector<16xi32>
        %add3A_285 = arith.addi %add3A_284, %convert_element_type3A : vector<16xi32>
        %gather3A_286 = tpu.vector_load_idx %arg11[%add3A_285] : memref<128xi32, #tpu.memory_space<vmem>>[vector<16xi32>], vector<16xi32>,
        %gather3A_287 = tpu.vector_load_idx %arg12[%add3A_285] : memref<128xf32, #tpu.memory_space<vmem>>[vector<16xi32>], vector<16xf32>,
        %gather3A_288 = tpu.vector_load_idx %arg10[%add3A_285, %add3A_11] : memref<128x16xf32, #tpu.memory_space<vmem>>[vector<16xi32>, vector<16xi32>], vector<16xf32>,
        %mul3A_289 = arith.mulf %gather3A_288, %gather3A_287 : vector<16xf32>
        %mul3A_290 = arith.constant 8 : i32
        %mul3A_291 = vector.broadcast %mul3A_290 : i32 to vector<16xi32>
        %mul3A_292 = arith.muli %gather3A_286, %mul3A_291 : vector<16xi32>
        %add3A_293 = arith.addi %mul3A_292, %sub3A : vector<16xi32>
        tpu.vector_store_idx %arg13[%add3A_293], %mul3A_289 masked %lt3A_5 {add = true} : memref<81920xf32, #tpu.memory_space<vmem>>[vector<16xi32>], vector<16xf32>, vector<16xi1>
        tpu.vector_store_idx %arg13[%add3A_293], %mul3A_289 masked %ge3A_8 {add = true} : memref<81920xf32, #tpu.memory_space<vmem>>[vector<16xi32>], vector<16xf32>, vector<16xi1>
        %add3A_294 = arith.constant 42 : i32
        %add3A_295 = vector.broadcast %add3A_294 : i32 to vector<16xi32>
        %add3A_296 = arith.addi %add3A_295, %convert_element_type3A : vector<16xi32>
        %gather3A_297 = tpu.vector_load_idx %arg11[%add3A_296] : memref<128xi32, #tpu.memory_space<vmem>>[vector<16xi32>], vector<16xi32>,
        %gather3A_298 = tpu.vector_load_idx %arg12[%add3A_296] : memref<128xf32, #tpu.memory_space<vmem>>[vector<16xi32>], vector<16xf32>,
        %gather3A_299 = tpu.vector_load_idx %arg10[%add3A_296, %add3A_11] : memref<128x16xf32, #tpu.memory_space<vmem>>[vector<16xi32>, vector<16xi32>], vector<16xf32>,
        %mul3A_300 = arith.mulf %gather3A_299, %gather3A_298 : vector<16xf32>
        %mul3A_301 = arith.constant 8 : i32
        %mul3A_302 = vector.broadcast %mul3A_301 : i32 to vector<16xi32>
        %mul3A_303 = arith.muli %gather3A_297, %mul3A_302 : vector<16xi32>
        %add3A_304 = arith.addi %mul3A_303, %sub3A : vector<16xi32>
        tpu.vector_store_idx %arg13[%add3A_304], %mul3A_300 masked %lt3A_5 {add = true} : memref<81920xf32, #tpu.memory_space<vmem>>[vector<16xi32>], vector<16xf32>, vector<16xi1>
        tpu.vector_store_idx %arg13[%add3A_304], %mul3A_300 masked %ge3A_8 {add = true} : memref<81920xf32, #tpu.memory_space<vmem>>[vector<16xi32>], vector<16xf32>, vector<16xi1>
        %add3A_305 = arith.constant 44 : i32
        %add3A_306 = vector.broadcast %add3A_305 : i32 to vector<16xi32>
        %add3A_307 = arith.addi %add3A_306, %convert_element_type3A : vector<16xi32>
        %gather3A_308 = tpu.vector_load_idx %arg11[%add3A_307] : memref<128xi32, #tpu.memory_space<vmem>>[vector<16xi32>], vector<16xi32>,
        %gather3A_309 = tpu.vector_load_idx %arg12[%add3A_307] : memref<128xf32, #tpu.memory_space<vmem>>[vector<16xi32>], vector<16xf32>,
        %gather3A_310 = tpu.vector_load_idx %arg10[%add3A_307, %add3A_11] : memref<128x16xf32, #tpu.memory_space<vmem>>[vector<16xi32>, vector<16xi32>], vector<16xf32>,
        %mul3A_311 = arith.mulf %gather3A_310, %gather3A_309 : vector<16xf32>
        %mul3A_312 = arith.constant 8 : i32
        %mul3A_313 = vector.broadcast %mul3A_312 : i32 to vector<16xi32>
        %mul3A_314 = arith.muli %gather3A_308, %mul3A_313 : vector<16xi32>
        %add3A_315 = arith.addi %mul3A_314, %sub3A : vector<16xi32>
        tpu.vector_store_idx %arg13[%add3A_315], %mul3A_311 masked %lt3A_5 {add = true} : memref<81920xf32, #tpu.memory_space<vmem>>[vector<16xi32>], vector<16xf32>, vector<16xi1>
        tpu.vector_store_idx %arg13[%add3A_315], %mul3A_311 masked %ge3A_8 {add = true} : memref<81920xf32, #tpu.memory_space<vmem>>[vector<16xi32>], vector<16xf32>, vector<16xi1>
        %add3A_316 = arith.constant 46 : i32
        %add3A_317 = vector.broadcast %add3A_316 : i32 to vector<16xi32>
        %add3A_318 = arith.addi %add3A_317, %convert_element_type3A : vector<16xi32>
        %gather3A_319 = tpu.vector_load_idx %arg11[%add3A_318] : memref<128xi32, #tpu.memory_space<vmem>>[vector<16xi32>], vector<16xi32>,
        %gather3A_320 = tpu.vector_load_idx %arg12[%add3A_318] : memref<128xf32, #tpu.memory_space<vmem>>[vector<16xi32>], vector<16xf32>,
        %gather3A_321 = tpu.vector_load_idx %arg10[%add3A_318, %add3A_11] : memref<128x16xf32, #tpu.memory_space<vmem>>[vector<16xi32>, vector<16xi32>], vector<16xf32>,
        %mul3A_322 = arith.mulf %gather3A_321, %gather3A_320 : vector<16xf32>
        %mul3A_323 = arith.constant 8 : i32
        %mul3A_324 = vector.broadcast %mul3A_323 : i32 to vector<16xi32>
        %mul3A_325 = arith.muli %gather3A_319, %mul3A_324 : vector<16xi32>
        %add3A_326 = arith.addi %mul3A_325, %sub3A : vector<16xi32>
        tpu.vector_store_idx %arg13[%add3A_326], %mul3A_322 masked %lt3A_5 {add = true} : memref<81920xf32, #tpu.memory_space<vmem>>[vector<16xi32>], vector<16xf32>, vector<16xi1>
        tpu.vector_store_idx %arg13[%add3A_326], %mul3A_322 masked %ge3A_8 {add = true} : memref<81920xf32, #tpu.memory_space<vmem>>[vector<16xi32>], vector<16xf32>, vector<16xi1>
        %add3A_327 = arith.constant 48 : i32
        %add3A_328 = vector.broadcast %add3A_327 : i32 to vector<16xi32>
        %add3A_329 = arith.addi %add3A_328, %convert_element_type3A : vector<16xi32>
        %gather3A_330 = tpu.vector_load_idx %arg11[%add3A_329] : memref<128xi32, #tpu.memory_space<vmem>>[vector<16xi32>], vector<16xi32>,
        %gather3A_331 = tpu.vector_load_idx %arg12[%add3A_329] : memref<128xf32, #tpu.memory_space<vmem>>[vector<16xi32>], vector<16xf32>,
        %gather3A_332 = tpu.vector_load_idx %arg10[%add3A_329, %add3A_11] : memref<128x16xf32, #tpu.memory_space<vmem>>[vector<16xi32>, vector<16xi32>], vector<16xf32>,
        %mul3A_333 = arith.mulf %gather3A_332, %gather3A_331 : vector<16xf32>
        %mul3A_334 = arith.constant 8 : i32
        %mul3A_335 = vector.broadcast %mul3A_334 : i32 to vector<16xi32>
        %mul3A_336 = arith.muli %gather3A_330, %mul3A_335 : vector<16xi32>
        %add3A_337 = arith.addi %mul3A_336, %sub3A : vector<16xi32>
        tpu.vector_store_idx %arg13[%add3A_337], %mul3A_333 masked %lt3A_5 {add = true} : memref<81920xf32, #tpu.memory_space<vmem>>[vector<16xi32>], vector<16xf32>, vector<16xi1>
        tpu.vector_store_idx %arg13[%add3A_337], %mul3A_333 masked %ge3A_8 {add = true} : memref<81920xf32, #tpu.memory_space<vmem>>[vector<16xi32>], vector<16xf32>, vector<16xi1>
        %add3A_338 = arith.constant 50 : i32
        %add3A_339 = vector.broadcast %add3A_338 : i32 to vector<16xi32>
        %add3A_340 = arith.addi %add3A_339, %convert_element_type3A : vector<16xi32>
        %gather3A_341 = tpu.vector_load_idx %arg11[%add3A_340] : memref<128xi32, #tpu.memory_space<vmem>>[vector<16xi32>], vector<16xi32>,
        %gather3A_342 = tpu.vector_load_idx %arg12[%add3A_340] : memref<128xf32, #tpu.memory_space<vmem>>[vector<16xi32>], vector<16xf32>,
        %gather3A_343 = tpu.vector_load_idx %arg10[%add3A_340, %add3A_11] : memref<128x16xf32, #tpu.memory_space<vmem>>[vector<16xi32>, vector<16xi32>], vector<16xf32>,
        %mul3A_344 = arith.mulf %gather3A_343, %gather3A_342 : vector<16xf32>
        %mul3A_345 = arith.constant 8 : i32
        %mul3A_346 = vector.broadcast %mul3A_345 : i32 to vector<16xi32>
        %mul3A_347 = arith.muli %gather3A_341, %mul3A_346 : vector<16xi32>
        %add3A_348 = arith.addi %mul3A_347, %sub3A : vector<16xi32>
        tpu.vector_store_idx %arg13[%add3A_348], %mul3A_344 masked %lt3A_5 {add = true} : memref<81920xf32, #tpu.memory_space<vmem>>[vector<16xi32>], vector<16xf32>, vector<16xi1>
        tpu.vector_store_idx %arg13[%add3A_348], %mul3A_344 masked %ge3A_8 {add = true} : memref<81920xf32, #tpu.memory_space<vmem>>[vector<16xi32>], vector<16xf32>, vector<16xi1>
        %add3A_349 = arith.constant 52 : i32
        %add3A_350 = vector.broadcast %add3A_349 : i32 to vector<16xi32>
        %add3A_351 = arith.addi %add3A_350, %convert_element_type3A : vector<16xi32>
        %gather3A_352 = tpu.vector_load_idx %arg11[%add3A_351] : memref<128xi32, #tpu.memory_space<vmem>>[vector<16xi32>], vector<16xi32>,
        %gather3A_353 = tpu.vector_load_idx %arg12[%add3A_351] : memref<128xf32, #tpu.memory_space<vmem>>[vector<16xi32>], vector<16xf32>,
        %gather3A_354 = tpu.vector_load_idx %arg10[%add3A_351, %add3A_11] : memref<128x16xf32, #tpu.memory_space<vmem>>[vector<16xi32>, vector<16xi32>], vector<16xf32>,
        %mul3A_355 = arith.mulf %gather3A_354, %gather3A_353 : vector<16xf32>
        %mul3A_356 = arith.constant 8 : i32
        %mul3A_357 = vector.broadcast %mul3A_356 : i32 to vector<16xi32>
        %mul3A_358 = arith.muli %gather3A_352, %mul3A_357 : vector<16xi32>
        %add3A_359 = arith.addi %mul3A_358, %sub3A : vector<16xi32>
        tpu.vector_store_idx %arg13[%add3A_359], %mul3A_355 masked %lt3A_5 {add = true} : memref<81920xf32, #tpu.memory_space<vmem>>[vector<16xi32>], vector<16xf32>, vector<16xi1>
        tpu.vector_store_idx %arg13[%add3A_359], %mul3A_355 masked %ge3A_8 {add = true} : memref<81920xf32, #tpu.memory_space<vmem>>[vector<16xi32>], vector<16xf32>, vector<16xi1>
        %add3A_360 = arith.constant 54 : i32
        %add3A_361 = vector.broadcast %add3A_360 : i32 to vector<16xi32>
        %add3A_362 = arith.addi %add3A_361, %convert_element_type3A : vector<16xi32>
        %gather3A_363 = tpu.vector_load_idx %arg11[%add3A_362] : memref<128xi32, #tpu.memory_space<vmem>>[vector<16xi32>], vector<16xi32>,
        %gather3A_364 = tpu.vector_load_idx %arg12[%add3A_362] : memref<128xf32, #tpu.memory_space<vmem>>[vector<16xi32>], vector<16xf32>,
        %gather3A_365 = tpu.vector_load_idx %arg10[%add3A_362, %add3A_11] : memref<128x16xf32, #tpu.memory_space<vmem>>[vector<16xi32>, vector<16xi32>], vector<16xf32>,
        %mul3A_366 = arith.mulf %gather3A_365, %gather3A_364 : vector<16xf32>
        %mul3A_367 = arith.constant 8 : i32
        %mul3A_368 = vector.broadcast %mul3A_367 : i32 to vector<16xi32>
        %mul3A_369 = arith.muli %gather3A_363, %mul3A_368 : vector<16xi32>
        %add3A_370 = arith.addi %mul3A_369, %sub3A : vector<16xi32>
        tpu.vector_store_idx %arg13[%add3A_370], %mul3A_366 masked %lt3A_5 {add = true} : memref<81920xf32, #tpu.memory_space<vmem>>[vector<16xi32>], vector<16xf32>, vector<16xi1>
        tpu.vector_store_idx %arg13[%add3A_370], %mul3A_366 masked %ge3A_8 {add = true} : memref<81920xf32, #tpu.memory_space<vmem>>[vector<16xi32>], vector<16xf32>, vector<16xi1>
        %add3A_371 = arith.constant 56 : i32
        %add3A_372 = vector.broadcast %add3A_371 : i32 to vector<16xi32>
        %add3A_373 = arith.addi %add3A_372, %convert_element_type3A : vector<16xi32>
        %gather3A_374 = tpu.vector_load_idx %arg11[%add3A_373] : memref<128xi32, #tpu.memory_space<vmem>>[vector<16xi32>], vector<16xi32>,
        %gather3A_375 = tpu.vector_load_idx %arg12[%add3A_373] : memref<128xf32, #tpu.memory_space<vmem>>[vector<16xi32>], vector<16xf32>,
        %gather3A_376 = tpu.vector_load_idx %arg10[%add3A_373, %add3A_11] : memref<128x16xf32, #tpu.memory_space<vmem>>[vector<16xi32>, vector<16xi32>], vector<16xf32>,
        %mul3A_377 = arith.mulf %gather3A_376, %gather3A_375 : vector<16xf32>
        %mul3A_378 = arith.constant 8 : i32
        %mul3A_379 = vector.broadcast %mul3A_378 : i32 to vector<16xi32>
        %mul3A_380 = arith.muli %gather3A_374, %mul3A_379 : vector<16xi32>
        %add3A_381 = arith.addi %mul3A_380, %sub3A : vector<16xi32>
        tpu.vector_store_idx %arg13[%add3A_381], %mul3A_377 masked %lt3A_5 {add = true} : memref<81920xf32, #tpu.memory_space<vmem>>[vector<16xi32>], vector<16xf32>, vector<16xi1>
        tpu.vector_store_idx %arg13[%add3A_381], %mul3A_377 masked %ge3A_8 {add = true} : memref<81920xf32, #tpu.memory_space<vmem>>[vector<16xi32>], vector<16xf32>, vector<16xi1>
        %add3A_382 = arith.constant 58 : i32
        %add3A_383 = vector.broadcast %add3A_382 : i32 to vector<16xi32>
        %add3A_384 = arith.addi %add3A_383, %convert_element_type3A : vector<16xi32>
        %gather3A_385 = tpu.vector_load_idx %arg11[%add3A_384] : memref<128xi32, #tpu.memory_space<vmem>>[vector<16xi32>], vector<16xi32>,
        %gather3A_386 = tpu.vector_load_idx %arg12[%add3A_384] : memref<128xf32, #tpu.memory_space<vmem>>[vector<16xi32>], vector<16xf32>,
        %gather3A_387 = tpu.vector_load_idx %arg10[%add3A_384, %add3A_11] : memref<128x16xf32, #tpu.memory_space<vmem>>[vector<16xi32>, vector<16xi32>], vector<16xf32>,
        %mul3A_388 = arith.mulf %gather3A_387, %gather3A_386 : vector<16xf32>
        %mul3A_389 = arith.constant 8 : i32
        %mul3A_390 = vector.broadcast %mul3A_389 : i32 to vector<16xi32>
        %mul3A_391 = arith.muli %gather3A_385, %mul3A_390 : vector<16xi32>
        %add3A_392 = arith.addi %mul3A_391, %sub3A : vector<16xi32>
        tpu.vector_store_idx %arg13[%add3A_392], %mul3A_388 masked %lt3A_5 {add = true} : memref<81920xf32, #tpu.memory_space<vmem>>[vector<16xi32>], vector<16xf32>, vector<16xi1>
        tpu.vector_store_idx %arg13[%add3A_392], %mul3A_388 masked %ge3A_8 {add = true} : memref<81920xf32, #tpu.memory_space<vmem>>[vector<16xi32>], vector<16xf32>, vector<16xi1>
        %add3A_393 = arith.constant 60 : i32
        %add3A_394 = vector.broadcast %add3A_393 : i32 to vector<16xi32>
        %add3A_395 = arith.addi %add3A_394, %convert_element_type3A : vector<16xi32>
        %gather3A_396 = tpu.vector_load_idx %arg11[%add3A_395] : memref<128xi32, #tpu.memory_space<vmem>>[vector<16xi32>], vector<16xi32>,
        %gather3A_397 = tpu.vector_load_idx %arg12[%add3A_395] : memref<128xf32, #tpu.memory_space<vmem>>[vector<16xi32>], vector<16xf32>,
        %gather3A_398 = tpu.vector_load_idx %arg10[%add3A_395, %add3A_11] : memref<128x16xf32, #tpu.memory_space<vmem>>[vector<16xi32>, vector<16xi32>], vector<16xf32>,
        %mul3A_399 = arith.mulf %gather3A_398, %gather3A_397 : vector<16xf32>
        %mul3A_400 = arith.constant 8 : i32
        %mul3A_401 = vector.broadcast %mul3A_400 : i32 to vector<16xi32>
        %mul3A_402 = arith.muli %gather3A_396, %mul3A_401 : vector<16xi32>
        %add3A_403 = arith.addi %mul3A_402, %sub3A : vector<16xi32>
        tpu.vector_store_idx %arg13[%add3A_403], %mul3A_399 masked %lt3A_5 {add = true} : memref<81920xf32, #tpu.memory_space<vmem>>[vector<16xi32>], vector<16xf32>, vector<16xi1>
        tpu.vector_store_idx %arg13[%add3A_403], %mul3A_399 masked %ge3A_8 {add = true} : memref<81920xf32, #tpu.memory_space<vmem>>[vector<16xi32>], vector<16xf32>, vector<16xi1>
        %add3A_404 = arith.constant 62 : i32
        %add3A_405 = vector.broadcast %add3A_404 : i32 to vector<16xi32>
        %add3A_406 = arith.addi %add3A_405, %convert_element_type3A : vector<16xi32>
        %gather3A_407 = tpu.vector_load_idx %arg11[%add3A_406] : memref<128xi32, #tpu.memory_space<vmem>>[vector<16xi32>], vector<16xi32>,
        %gather3A_408 = tpu.vector_load_idx %arg12[%add3A_406] : memref<128xf32, #tpu.memory_space<vmem>>[vector<16xi32>], vector<16xf32>,
        %gather3A_409 = tpu.vector_load_idx %arg10[%add3A_406, %add3A_11] : memref<128x16xf32, #tpu.memory_space<vmem>>[vector<16xi32>, vector<16xi32>], vector<16xf32>,
        %mul3A_410 = arith.mulf %gather3A_409, %gather3A_408 : vector<16xf32>
        %mul3A_411 = arith.constant 8 : i32
        %mul3A_412 = vector.broadcast %mul3A_411 : i32 to vector<16xi32>
        %mul3A_413 = arith.muli %gather3A_407, %mul3A_412 : vector<16xi32>
        %add3A_414 = arith.addi %mul3A_413, %sub3A : vector<16xi32>
        tpu.vector_store_idx %arg13[%add3A_414], %mul3A_410 masked %lt3A_5 {add = true} : memref<81920xf32, #tpu.memory_space<vmem>>[vector<16xi32>], vector<16xf32>, vector<16xi1>
        tpu.vector_store_idx %arg13[%add3A_414], %mul3A_410 masked %ge3A_8 {add = true} : memref<81920xf32, #tpu.memory_space<vmem>>[vector<16xi32>], vector<16xf32>, vector<16xi1>
        %add3A_415 = arith.constant 64 : i32
        %add3A_416 = vector.broadcast %add3A_415 : i32 to vector<16xi32>
        %add3A_417 = arith.addi %add3A_416, %convert_element_type3A : vector<16xi32>
        %gather3A_418 = tpu.vector_load_idx %arg11[%add3A_417] : memref<128xi32, #tpu.memory_space<vmem>>[vector<16xi32>], vector<16xi32>,
        %gather3A_419 = tpu.vector_load_idx %arg12[%add3A_417] : memref<128xf32, #tpu.memory_space<vmem>>[vector<16xi32>], vector<16xf32>,
        %gather3A_420 = tpu.vector_load_idx %arg10[%add3A_417, %add3A_11] : memref<128x16xf32, #tpu.memory_space<vmem>>[vector<16xi32>, vector<16xi32>], vector<16xf32>,
        %mul3A_421 = arith.mulf %gather3A_420, %gather3A_419 : vector<16xf32>
        %mul3A_422 = arith.constant 8 : i32
        %mul3A_423 = vector.broadcast %mul3A_422 : i32 to vector<16xi32>
        %mul3A_424 = arith.muli %gather3A_418, %mul3A_423 : vector<16xi32>
        %add3A_425 = arith.addi %mul3A_424, %sub3A : vector<16xi32>
        tpu.vector_store_idx %arg13[%add3A_425], %mul3A_421 masked %lt3A_5 {add = true} : memref<81920xf32, #tpu.memory_space<vmem>>[vector<16xi32>], vector<16xf32>, vector<16xi1>
        tpu.vector_store_idx %arg13[%add3A_425], %mul3A_421 masked %ge3A_8 {add = true} : memref<81920xf32, #tpu.memory_space<vmem>>[vector<16xi32>], vector<16xf32>, vector<16xi1>
        %add3A_426 = arith.constant 66 : i32
        %add3A_427 = vector.broadcast %add3A_426 : i32 to vector<16xi32>
        %add3A_428 = arith.addi %add3A_427, %convert_element_type3A : vector<16xi32>
        %gather3A_429 = tpu.vector_load_idx %arg11[%add3A_428] : memref<128xi32, #tpu.memory_space<vmem>>[vector<16xi32>], vector<16xi32>,
        %gather3A_430 = tpu.vector_load_idx %arg12[%add3A_428] : memref<128xf32, #tpu.memory_space<vmem>>[vector<16xi32>], vector<16xf32>,
        %gather3A_431 = tpu.vector_load_idx %arg10[%add3A_428, %add3A_11] : memref<128x16xf32, #tpu.memory_space<vmem>>[vector<16xi32>, vector<16xi32>], vector<16xf32>,
        %mul3A_432 = arith.mulf %gather3A_431, %gather3A_430 : vector<16xf32>
        %mul3A_433 = arith.constant 8 : i32
        %mul3A_434 = vector.broadcast %mul3A_433 : i32 to vector<16xi32>
        %mul3A_435 = arith.muli %gather3A_429, %mul3A_434 : vector<16xi32>
        %add3A_436 = arith.addi %mul3A_435, %sub3A : vector<16xi32>
        tpu.vector_store_idx %arg13[%add3A_436], %mul3A_432 masked %lt3A_5 {add = true} : memref<81920xf32, #tpu.memory_space<vmem>>[vector<16xi32>], vector<16xf32>, vector<16xi1>
        tpu.vector_store_idx %arg13[%add3A_436], %mul3A_432 masked %ge3A_8 {add = true} : memref<81920xf32, #tpu.memory_space<vmem>>[vector<16xi32>], vector<16xf32>, vector<16xi1>
        %add3A_437 = arith.constant 68 : i32
        %add3A_438 = vector.broadcast %add3A_437 : i32 to vector<16xi32>
        %add3A_439 = arith.addi %add3A_438, %convert_element_type3A : vector<16xi32>
        %gather3A_440 = tpu.vector_load_idx %arg11[%add3A_439] : memref<128xi32, #tpu.memory_space<vmem>>[vector<16xi32>], vector<16xi32>,
        %gather3A_441 = tpu.vector_load_idx %arg12[%add3A_439] : memref<128xf32, #tpu.memory_space<vmem>>[vector<16xi32>], vector<16xf32>,
        %gather3A_442 = tpu.vector_load_idx %arg10[%add3A_439, %add3A_11] : memref<128x16xf32, #tpu.memory_space<vmem>>[vector<16xi32>, vector<16xi32>], vector<16xf32>,
        %mul3A_443 = arith.mulf %gather3A_442, %gather3A_441 : vector<16xf32>
        %mul3A_444 = arith.constant 8 : i32
        %mul3A_445 = vector.broadcast %mul3A_444 : i32 to vector<16xi32>
        %mul3A_446 = arith.muli %gather3A_440, %mul3A_445 : vector<16xi32>
        %add3A_447 = arith.addi %mul3A_446, %sub3A : vector<16xi32>
        tpu.vector_store_idx %arg13[%add3A_447], %mul3A_443 masked %lt3A_5 {add = true} : memref<81920xf32, #tpu.memory_space<vmem>>[vector<16xi32>], vector<16xf32>, vector<16xi1>
        tpu.vector_store_idx %arg13[%add3A_447], %mul3A_443 masked %ge3A_8 {add = true} : memref<81920xf32, #tpu.memory_space<vmem>>[vector<16xi32>], vector<16xf32>, vector<16xi1>
        %add3A_448 = arith.constant 70 : i32
        %add3A_449 = vector.broadcast %add3A_448 : i32 to vector<16xi32>
        %add3A_450 = arith.addi %add3A_449, %convert_element_type3A : vector<16xi32>
        %gather3A_451 = tpu.vector_load_idx %arg11[%add3A_450] : memref<128xi32, #tpu.memory_space<vmem>>[vector<16xi32>], vector<16xi32>,
        %gather3A_452 = tpu.vector_load_idx %arg12[%add3A_450] : memref<128xf32, #tpu.memory_space<vmem>>[vector<16xi32>], vector<16xf32>,
        %gather3A_453 = tpu.vector_load_idx %arg10[%add3A_450, %add3A_11] : memref<128x16xf32, #tpu.memory_space<vmem>>[vector<16xi32>, vector<16xi32>], vector<16xf32>,
        %mul3A_454 = arith.mulf %gather3A_453, %gather3A_452 : vector<16xf32>
        %mul3A_455 = arith.constant 8 : i32
        %mul3A_456 = vector.broadcast %mul3A_455 : i32 to vector<16xi32>
        %mul3A_457 = arith.muli %gather3A_451, %mul3A_456 : vector<16xi32>
        %add3A_458 = arith.addi %mul3A_457, %sub3A : vector<16xi32>
        tpu.vector_store_idx %arg13[%add3A_458], %mul3A_454 masked %lt3A_5 {add = true} : memref<81920xf32, #tpu.memory_space<vmem>>[vector<16xi32>], vector<16xf32>, vector<16xi1>
        tpu.vector_store_idx %arg13[%add3A_458], %mul3A_454 masked %ge3A_8 {add = true} : memref<81920xf32, #tpu.memory_space<vmem>>[vector<16xi32>], vector<16xf32>, vector<16xi1>
        %add3A_459 = arith.constant 72 : i32
        %add3A_460 = vector.broadcast %add3A_459 : i32 to vector<16xi32>
        %add3A_461 = arith.addi %add3A_460, %convert_element_type3A : vector<16xi32>
        %gather3A_462 = tpu.vector_load_idx %arg11[%add3A_461] : memref<128xi32, #tpu.memory_space<vmem>>[vector<16xi32>], vector<16xi32>,
        %gather3A_463 = tpu.vector_load_idx %arg12[%add3A_461] : memref<128xf32, #tpu.memory_space<vmem>>[vector<16xi32>], vector<16xf32>,
        %gather3A_464 = tpu.vector_load_idx %arg10[%add3A_461, %add3A_11] : memref<128x16xf32, #tpu.memory_space<vmem>>[vector<16xi32>, vector<16xi32>], vector<16xf32>,
        %mul3A_465 = arith.mulf %gather3A_464, %gather3A_463 : vector<16xf32>
        %mul3A_466 = arith.constant 8 : i32
        %mul3A_467 = vector.broadcast %mul3A_466 : i32 to vector<16xi32>
        %mul3A_468 = arith.muli %gather3A_462, %mul3A_467 : vector<16xi32>
        %add3A_469 = arith.addi %mul3A_468, %sub3A : vector<16xi32>
        tpu.vector_store_idx %arg13[%add3A_469], %mul3A_465 masked %lt3A_5 {add = true} : memref<81920xf32, #tpu.memory_space<vmem>>[vector<16xi32>], vector<16xf32>, vector<16xi1>
        tpu.vector_store_idx %arg13[%add3A_469], %mul3A_465 masked %ge3A_8 {add = true} : memref<81920xf32, #tpu.memory_space<vmem>>[vector<16xi32>], vector<16xf32>, vector<16xi1>
        %add3A_470 = arith.constant 74 : i32
        %add3A_471 = vector.broadcast %add3A_470 : i32 to vector<16xi32>
        %add3A_472 = arith.addi %add3A_471, %convert_element_type3A : vector<16xi32>
        %gather3A_473 = tpu.vector_load_idx %arg11[%add3A_472] : memref<128xi32, #tpu.memory_space<vmem>>[vector<16xi32>], vector<16xi32>,
        %gather3A_474 = tpu.vector_load_idx %arg12[%add3A_472] : memref<128xf32, #tpu.memory_space<vmem>>[vector<16xi32>], vector<16xf32>,
        %gather3A_475 = tpu.vector_load_idx %arg10[%add3A_472, %add3A_11] : memref<128x16xf32, #tpu.memory_space<vmem>>[vector<16xi32>, vector<16xi32>], vector<16xf32>,
        %mul3A_476 = arith.mulf %gather3A_475, %gather3A_474 : vector<16xf32>
        %mul3A_477 = arith.constant 8 : i32
        %mul3A_478 = vector.broadcast %mul3A_477 : i32 to vector<16xi32>
        %mul3A_479 = arith.muli %gather3A_473, %mul3A_478 : vector<16xi32>
        %add3A_480 = arith.addi %mul3A_479, %sub3A : vector<16xi32>
        tpu.vector_store_idx %arg13[%add3A_480], %mul3A_476 masked %lt3A_5 {add = true} : memref<81920xf32, #tpu.memory_space<vmem>>[vector<16xi32>], vector<16xf32>, vector<16xi1>
        tpu.vector_store_idx %arg13[%add3A_480], %mul3A_476 masked %ge3A_8 {add = true} : memref<81920xf32, #tpu.memory_space<vmem>>[vector<16xi32>], vector<16xf32>, vector<16xi1>
        %add3A_481 = arith.constant 76 : i32
        %add3A_482 = vector.broadcast %add3A_481 : i32 to vector<16xi32>
        %add3A_483 = arith.addi %add3A_482, %convert_element_type3A : vector<16xi32>
        %gather3A_484 = tpu.vector_load_idx %arg11[%add3A_483] : memref<128xi32, #tpu.memory_space<vmem>>[vector<16xi32>], vector<16xi32>,
        %gather3A_485 = tpu.vector_load_idx %arg12[%add3A_483] : memref<128xf32, #tpu.memory_space<vmem>>[vector<16xi32>], vector<16xf32>,
        %gather3A_486 = tpu.vector_load_idx %arg10[%add3A_483, %add3A_11] : memref<128x16xf32, #tpu.memory_space<vmem>>[vector<16xi32>, vector<16xi32>], vector<16xf32>,
        %mul3A_487 = arith.mulf %gather3A_486, %gather3A_485 : vector<16xf32>
        %mul3A_488 = arith.constant 8 : i32
        %mul3A_489 = vector.broadcast %mul3A_488 : i32 to vector<16xi32>
        %mul3A_490 = arith.muli %gather3A_484, %mul3A_489 : vector<16xi32>
        %add3A_491 = arith.addi %mul3A_490, %sub3A : vector<16xi32>
        tpu.vector_store_idx %arg13[%add3A_491], %mul3A_487 masked %lt3A_5 {add = true} : memref<81920xf32, #tpu.memory_space<vmem>>[vector<16xi32>], vector<16xf32>, vector<16xi1>
        tpu.vector_store_idx %arg13[%add3A_491], %mul3A_487 masked %ge3A_8 {add = true} : memref<81920xf32, #tpu.memory_space<vmem>>[vector<16xi32>], vector<16xf32>, vector<16xi1>
        %add3A_492 = arith.constant 78 : i32
        %add3A_493 = vector.broadcast %add3A_492 : i32 to vector<16xi32>
        %add3A_494 = arith.addi %add3A_493, %convert_element_type3A : vector<16xi32>
        %gather3A_495 = tpu.vector_load_idx %arg11[%add3A_494] : memref<128xi32, #tpu.memory_space<vmem>>[vector<16xi32>], vector<16xi32>,
        %gather3A_496 = tpu.vector_load_idx %arg12[%add3A_494] : memref<128xf32, #tpu.memory_space<vmem>>[vector<16xi32>], vector<16xf32>,
        %gather3A_497 = tpu.vector_load_idx %arg10[%add3A_494, %add3A_11] : memref<128x16xf32, #tpu.memory_space<vmem>>[vector<16xi32>, vector<16xi32>], vector<16xf32>,
        %mul3A_498 = arith.mulf %gather3A_497, %gather3A_496 : vector<16xf32>
        %mul3A_499 = arith.constant 8 : i32
        %mul3A_500 = vector.broadcast %mul3A_499 : i32 to vector<16xi32>
        %mul3A_501 = arith.muli %gather3A_495, %mul3A_500 : vector<16xi32>
        %add3A_502 = arith.addi %mul3A_501, %sub3A : vector<16xi32>
        tpu.vector_store_idx %arg13[%add3A_502], %mul3A_498 masked %lt3A_5 {add = true} : memref<81920xf32, #tpu.memory_space<vmem>>[vector<16xi32>], vector<16xf32>, vector<16xi1>
        tpu.vector_store_idx %arg13[%add3A_502], %mul3A_498 masked %ge3A_8 {add = true} : memref<81920xf32, #tpu.memory_space<vmem>>[vector<16xi32>], vector<16xf32>, vector<16xi1>
        %add3A_503 = arith.constant 80 : i32
        %add3A_504 = vector.broadcast %add3A_503 : i32 to vector<16xi32>
        %add3A_505 = arith.addi %add3A_504, %convert_element_type3A : vector<16xi32>
        %gather3A_506 = tpu.vector_load_idx %arg11[%add3A_505] : memref<128xi32, #tpu.memory_space<vmem>>[vector<16xi32>], vector<16xi32>,
        %gather3A_507 = tpu.vector_load_idx %arg12[%add3A_505] : memref<128xf32, #tpu.memory_space<vmem>>[vector<16xi32>], vector<16xf32>,
        %gather3A_508 = tpu.vector_load_idx %arg10[%add3A_505, %add3A_11] : memref<128x16xf32, #tpu.memory_space<vmem>>[vector<16xi32>, vector<16xi32>], vector<16xf32>,
        %mul3A_509 = arith.mulf %gather3A_508, %gather3A_507 : vector<16xf32>
        %mul3A_510 = arith.constant 8 : i32
        %mul3A_511 = vector.broadcast %mul3A_510 : i32 to vector<16xi32>
        %mul3A_512 = arith.muli %gather3A_506, %mul3A_511 : vector<16xi32>
        %add3A_513 = arith.addi %mul3A_512, %sub3A : vector<16xi32>
        tpu.vector_store_idx %arg13[%add3A_513], %mul3A_509 masked %lt3A_5 {add = true} : memref<81920xf32, #tpu.memory_space<vmem>>[vector<16xi32>], vector<16xf32>, vector<16xi1>
        tpu.vector_store_idx %arg13[%add3A_513], %mul3A_509 masked %ge3A_8 {add = true} : memref<81920xf32, #tpu.memory_space<vmem>>[vector<16xi32>], vector<16xf32>, vector<16xi1>
        %add3A_514 = arith.constant 82 : i32
        %add3A_515 = vector.broadcast %add3A_514 : i32 to vector<16xi32>
        %add3A_516 = arith.addi %add3A_515, %convert_element_type3A : vector<16xi32>
        %gather3A_517 = tpu.vector_load_idx %arg11[%add3A_516] : memref<128xi32, #tpu.memory_space<vmem>>[vector<16xi32>], vector<16xi32>,
        %gather3A_518 = tpu.vector_load_idx %arg12[%add3A_516] : memref<128xf32, #tpu.memory_space<vmem>>[vector<16xi32>], vector<16xf32>,
        %gather3A_519 = tpu.vector_load_idx %arg10[%add3A_516, %add3A_11] : memref<128x16xf32, #tpu.memory_space<vmem>>[vector<16xi32>, vector<16xi32>], vector<16xf32>,
        %mul3A_520 = arith.mulf %gather3A_519, %gather3A_518 : vector<16xf32>
        %mul3A_521 = arith.constant 8 : i32
        %mul3A_522 = vector.broadcast %mul3A_521 : i32 to vector<16xi32>
        %mul3A_523 = arith.muli %gather3A_517, %mul3A_522 : vector<16xi32>
        %add3A_524 = arith.addi %mul3A_523, %sub3A : vector<16xi32>
        tpu.vector_store_idx %arg13[%add3A_524], %mul3A_520 masked %lt3A_5 {add = true} : memref<81920xf32, #tpu.memory_space<vmem>>[vector<16xi32>], vector<16xf32>, vector<16xi1>
        tpu.vector_store_idx %arg13[%add3A_524], %mul3A_520 masked %ge3A_8 {add = true} : memref<81920xf32, #tpu.memory_space<vmem>>[vector<16xi32>], vector<16xf32>, vector<16xi1>
        %add3A_525 = arith.constant 84 : i32
        %add3A_526 = vector.broadcast %add3A_525 : i32 to vector<16xi32>
        %add3A_527 = arith.addi %add3A_526, %convert_element_type3A : vector<16xi32>
        %gather3A_528 = tpu.vector_load_idx %arg11[%add3A_527] : memref<128xi32, #tpu.memory_space<vmem>>[vector<16xi32>], vector<16xi32>,
        %gather3A_529 = tpu.vector_load_idx %arg12[%add3A_527] : memref<128xf32, #tpu.memory_space<vmem>>[vector<16xi32>], vector<16xf32>,
        %gather3A_530 = tpu.vector_load_idx %arg10[%add3A_527, %add3A_11] : memref<128x16xf32, #tpu.memory_space<vmem>>[vector<16xi32>, vector<16xi32>], vector<16xf32>,
        %mul3A_531 = arith.mulf %gather3A_530, %gather3A_529 : vector<16xf32>
        %mul3A_532 = arith.constant 8 : i32
        %mul3A_533 = vector.broadcast %mul3A_532 : i32 to vector<16xi32>
        %mul3A_534 = arith.muli %gather3A_528, %mul3A_533 : vector<16xi32>
        %add3A_535 = arith.addi %mul3A_534, %sub3A : vector<16xi32>
        tpu.vector_store_idx %arg13[%add3A_535], %mul3A_531 masked %lt3A_5 {add = true} : memref<81920xf32, #tpu.memory_space<vmem>>[vector<16xi32>], vector<16xf32>, vector<16xi1>
        tpu.vector_store_idx %arg13[%add3A_535], %mul3A_531 masked %ge3A_8 {add = true} : memref<81920xf32, #tpu.memory_space<vmem>>[vector<16xi32>], vector<16xf32>, vector<16xi1>
        %add3A_536 = arith.constant 86 : i32
        %add3A_537 = vector.broadcast %add3A_536 : i32 to vector<16xi32>
        %add3A_538 = arith.addi %add3A_537, %convert_element_type3A : vector<16xi32>
        %gather3A_539 = tpu.vector_load_idx %arg11[%add3A_538] : memref<128xi32, #tpu.memory_space<vmem>>[vector<16xi32>], vector<16xi32>,
        %gather3A_540 = tpu.vector_load_idx %arg12[%add3A_538] : memref<128xf32, #tpu.memory_space<vmem>>[vector<16xi32>], vector<16xf32>,
        %gather3A_541 = tpu.vector_load_idx %arg10[%add3A_538, %add3A_11] : memref<128x16xf32, #tpu.memory_space<vmem>>[vector<16xi32>, vector<16xi32>], vector<16xf32>,
        %mul3A_542 = arith.mulf %gather3A_541, %gather3A_540 : vector<16xf32>
        %mul3A_543 = arith.constant 8 : i32
        %mul3A_544 = vector.broadcast %mul3A_543 : i32 to vector<16xi32>
        %mul3A_545 = arith.muli %gather3A_539, %mul3A_544 : vector<16xi32>
        %add3A_546 = arith.addi %mul3A_545, %sub3A : vector<16xi32>
        tpu.vector_store_idx %arg13[%add3A_546], %mul3A_542 masked %lt3A_5 {add = true} : memref<81920xf32, #tpu.memory_space<vmem>>[vector<16xi32>], vector<16xf32>, vector<16xi1>
        tpu.vector_store_idx %arg13[%add3A_546], %mul3A_542 masked %ge3A_8 {add = true} : memref<81920xf32, #tpu.memory_space<vmem>>[vector<16xi32>], vector<16xf32>, vector<16xi1>
        %add3A_547 = arith.constant 88 : i32
        %add3A_548 = vector.broadcast %add3A_547 : i32 to vector<16xi32>
        %add3A_549 = arith.addi %add3A_548, %convert_element_type3A : vector<16xi32>
        %gather3A_550 = tpu.vector_load_idx %arg11[%add3A_549] : memref<128xi32, #tpu.memory_space<vmem>>[vector<16xi32>], vector<16xi32>,
        %gather3A_551 = tpu.vector_load_idx %arg12[%add3A_549] : memref<128xf32, #tpu.memory_space<vmem>>[vector<16xi32>], vector<16xf32>,
        %gather3A_552 = tpu.vector_load_idx %arg10[%add3A_549, %add3A_11] : memref<128x16xf32, #tpu.memory_space<vmem>>[vector<16xi32>, vector<16xi32>], vector<16xf32>,
        %mul3A_553 = arith.mulf %gather3A_552, %gather3A_551 : vector<16xf32>
        %mul3A_554 = arith.constant 8 : i32
        %mul3A_555 = vector.broadcast %mul3A_554 : i32 to vector<16xi32>
        %mul3A_556 = arith.muli %gather3A_550, %mul3A_555 : vector<16xi32>
        %add3A_557 = arith.addi %mul3A_556, %sub3A : vector<16xi32>
        tpu.vector_store_idx %arg13[%add3A_557], %mul3A_553 masked %lt3A_5 {add = true} : memref<81920xf32, #tpu.memory_space<vmem>>[vector<16xi32>], vector<16xf32>, vector<16xi1>
        tpu.vector_store_idx %arg13[%add3A_557], %mul3A_553 masked %ge3A_8 {add = true} : memref<81920xf32, #tpu.memory_space<vmem>>[vector<16xi32>], vector<16xf32>, vector<16xi1>
        %add3A_558 = arith.constant 90 : i32
        %add3A_559 = vector.broadcast %add3A_558 : i32 to vector<16xi32>
        %add3A_560 = arith.addi %add3A_559, %convert_element_type3A : vector<16xi32>
        %gather3A_561 = tpu.vector_load_idx %arg11[%add3A_560] : memref<128xi32, #tpu.memory_space<vmem>>[vector<16xi32>], vector<16xi32>,
        %gather3A_562 = tpu.vector_load_idx %arg12[%add3A_560] : memref<128xf32, #tpu.memory_space<vmem>>[vector<16xi32>], vector<16xf32>,
        %gather3A_563 = tpu.vector_load_idx %arg10[%add3A_560, %add3A_11] : memref<128x16xf32, #tpu.memory_space<vmem>>[vector<16xi32>, vector<16xi32>], vector<16xf32>,
        %mul3A_564 = arith.mulf %gather3A_563, %gather3A_562 : vector<16xf32>
        %mul3A_565 = arith.constant 8 : i32
        %mul3A_566 = vector.broadcast %mul3A_565 : i32 to vector<16xi32>
        %mul3A_567 = arith.muli %gather3A_561, %mul3A_566 : vector<16xi32>
        %add3A_568 = arith.addi %mul3A_567, %sub3A : vector<16xi32>
        tpu.vector_store_idx %arg13[%add3A_568], %mul3A_564 masked %lt3A_5 {add = true} : memref<81920xf32, #tpu.memory_space<vmem>>[vector<16xi32>], vector<16xf32>, vector<16xi1>
        tpu.vector_store_idx %arg13[%add3A_568], %mul3A_564 masked %ge3A_8 {add = true} : memref<81920xf32, #tpu.memory_space<vmem>>[vector<16xi32>], vector<16xf32>, vector<16xi1>
        %add3A_569 = arith.constant 92 : i32
        %add3A_570 = vector.broadcast %add3A_569 : i32 to vector<16xi32>
        %add3A_571 = arith.addi %add3A_570, %convert_element_type3A : vector<16xi32>
        %gather3A_572 = tpu.vector_load_idx %arg11[%add3A_571] : memref<128xi32, #tpu.memory_space<vmem>>[vector<16xi32>], vector<16xi32>,
        %gather3A_573 = tpu.vector_load_idx %arg12[%add3A_571] : memref<128xf32, #tpu.memory_space<vmem>>[vector<16xi32>], vector<16xf32>,
        %gather3A_574 = tpu.vector_load_idx %arg10[%add3A_571, %add3A_11] : memref<128x16xf32, #tpu.memory_space<vmem>>[vector<16xi32>, vector<16xi32>], vector<16xf32>,
        %mul3A_575 = arith.mulf %gather3A_574, %gather3A_573 : vector<16xf32>
        %mul3A_576 = arith.constant 8 : i32
        %mul3A_577 = vector.broadcast %mul3A_576 : i32 to vector<16xi32>
        %mul3A_578 = arith.muli %gather3A_572, %mul3A_577 : vector<16xi32>
        %add3A_579 = arith.addi %mul3A_578, %sub3A : vector<16xi32>
        tpu.vector_store_idx %arg13[%add3A_579], %mul3A_575 masked %lt3A_5 {add = true} : memref<81920xf32, #tpu.memory_space<vmem>>[vector<16xi32>], vector<16xf32>, vector<16xi1>
        tpu.vector_store_idx %arg13[%add3A_579], %mul3A_575 masked %ge3A_8 {add = true} : memref<81920xf32, #tpu.memory_space<vmem>>[vector<16xi32>], vector<16xf32>, vector<16xi1>
        %add3A_580 = arith.constant 94 : i32
        %add3A_581 = vector.broadcast %add3A_580 : i32 to vector<16xi32>
        %add3A_582 = arith.addi %add3A_581, %convert_element_type3A : vector<16xi32>
        %gather3A_583 = tpu.vector_load_idx %arg11[%add3A_582] : memref<128xi32, #tpu.memory_space<vmem>>[vector<16xi32>], vector<16xi32>,
        %gather3A_584 = tpu.vector_load_idx %arg12[%add3A_582] : memref<128xf32, #tpu.memory_space<vmem>>[vector<16xi32>], vector<16xf32>,
        %gather3A_585 = tpu.vector_load_idx %arg10[%add3A_582, %add3A_11] : memref<128x16xf32, #tpu.memory_space<vmem>>[vector<16xi32>, vector<16xi32>], vector<16xf32>,
        %mul3A_586 = arith.mulf %gather3A_585, %gather3A_584 : vector<16xf32>
        %mul3A_587 = arith.constant 8 : i32
        %mul3A_588 = vector.broadcast %mul3A_587 : i32 to vector<16xi32>
        %mul3A_589 = arith.muli %gather3A_583, %mul3A_588 : vector<16xi32>
        %add3A_590 = arith.addi %mul3A_589, %sub3A : vector<16xi32>
        tpu.vector_store_idx %arg13[%add3A_590], %mul3A_586 masked %lt3A_5 {add = true} : memref<81920xf32, #tpu.memory_space<vmem>>[vector<16xi32>], vector<16xf32>, vector<16xi1>
        tpu.vector_store_idx %arg13[%add3A_590], %mul3A_586 masked %ge3A_8 {add = true} : memref<81920xf32, #tpu.memory_space<vmem>>[vector<16xi32>], vector<16xf32>, vector<16xi1>
        %add3A_591 = arith.constant 96 : i32
        %add3A_592 = vector.broadcast %add3A_591 : i32 to vector<16xi32>
        %add3A_593 = arith.addi %add3A_592, %convert_element_type3A : vector<16xi32>
        %gather3A_594 = tpu.vector_load_idx %arg11[%add3A_593] : memref<128xi32, #tpu.memory_space<vmem>>[vector<16xi32>], vector<16xi32>,
        %gather3A_595 = tpu.vector_load_idx %arg12[%add3A_593] : memref<128xf32, #tpu.memory_space<vmem>>[vector<16xi32>], vector<16xf32>,
        %gather3A_596 = tpu.vector_load_idx %arg10[%add3A_593, %add3A_11] : memref<128x16xf32, #tpu.memory_space<vmem>>[vector<16xi32>, vector<16xi32>], vector<16xf32>,
        %mul3A_597 = arith.mulf %gather3A_596, %gather3A_595 : vector<16xf32>
        %mul3A_598 = arith.constant 8 : i32
        %mul3A_599 = vector.broadcast %mul3A_598 : i32 to vector<16xi32>
        %mul3A_600 = arith.muli %gather3A_594, %mul3A_599 : vector<16xi32>
        %add3A_601 = arith.addi %mul3A_600, %sub3A : vector<16xi32>
        tpu.vector_store_idx %arg13[%add3A_601], %mul3A_597 masked %lt3A_5 {add = true} : memref<81920xf32, #tpu.memory_space<vmem>>[vector<16xi32>], vector<16xf32>, vector<16xi1>
        tpu.vector_store_idx %arg13[%add3A_601], %mul3A_597 masked %ge3A_8 {add = true} : memref<81920xf32, #tpu.memory_space<vmem>>[vector<16xi32>], vector<16xf32>, vector<16xi1>
        %add3A_602 = arith.constant 98 : i32
        %add3A_603 = vector.broadcast %add3A_602 : i32 to vector<16xi32>
        %add3A_604 = arith.addi %add3A_603, %convert_element_type3A : vector<16xi32>
        %gather3A_605 = tpu.vector_load_idx %arg11[%add3A_604] : memref<128xi32, #tpu.memory_space<vmem>>[vector<16xi32>], vector<16xi32>,
        %gather3A_606 = tpu.vector_load_idx %arg12[%add3A_604] : memref<128xf32, #tpu.memory_space<vmem>>[vector<16xi32>], vector<16xf32>,
        %gather3A_607 = tpu.vector_load_idx %arg10[%add3A_604, %add3A_11] : memref<128x16xf32, #tpu.memory_space<vmem>>[vector<16xi32>, vector<16xi32>], vector<16xf32>,
        %mul3A_608 = arith.mulf %gather3A_607, %gather3A_606 : vector<16xf32>
        %mul3A_609 = arith.constant 8 : i32
        %mul3A_610 = vector.broadcast %mul3A_609 : i32 to vector<16xi32>
        %mul3A_611 = arith.muli %gather3A_605, %mul3A_610 : vector<16xi32>
        %add3A_612 = arith.addi %mul3A_611, %sub3A : vector<16xi32>
        tpu.vector_store_idx %arg13[%add3A_612], %mul3A_608 masked %lt3A_5 {add = true} : memref<81920xf32, #tpu.memory_space<vmem>>[vector<16xi32>], vector<16xf32>, vector<16xi1>
        tpu.vector_store_idx %arg13[%add3A_612], %mul3A_608 masked %ge3A_8 {add = true} : memref<81920xf32, #tpu.memory_space<vmem>>[vector<16xi32>], vector<16xf32>, vector<16xi1>
        %add3A_613 = arith.constant 100 : i32
        %add3A_614 = vector.broadcast %add3A_613 : i32 to vector<16xi32>
        %add3A_615 = arith.addi %add3A_614, %convert_element_type3A : vector<16xi32>
        %gather3A_616 = tpu.vector_load_idx %arg11[%add3A_615] : memref<128xi32, #tpu.memory_space<vmem>>[vector<16xi32>], vector<16xi32>,
        %gather3A_617 = tpu.vector_load_idx %arg12[%add3A_615] : memref<128xf32, #tpu.memory_space<vmem>>[vector<16xi32>], vector<16xf32>,
        %gather3A_618 = tpu.vector_load_idx %arg10[%add3A_615, %add3A_11] : memref<128x16xf32, #tpu.memory_space<vmem>>[vector<16xi32>, vector<16xi32>], vector<16xf32>,
        %mul3A_619 = arith.mulf %gather3A_618, %gather3A_617 : vector<16xf32>
        %mul3A_620 = arith.constant 8 : i32
        %mul3A_621 = vector.broadcast %mul3A_620 : i32 to vector<16xi32>
        %mul3A_622 = arith.muli %gather3A_616, %mul3A_621 : vector<16xi32>
        %add3A_623 = arith.addi %mul3A_622, %sub3A : vector<16xi32>
        tpu.vector_store_idx %arg13[%add3A_623], %mul3A_619 masked %lt3A_5 {add = true} : memref<81920xf32, #tpu.memory_space<vmem>>[vector<16xi32>], vector<16xf32>, vector<16xi1>
        tpu.vector_store_idx %arg13[%add3A_623], %mul3A_619 masked %ge3A_8 {add = true} : memref<81920xf32, #tpu.memory_space<vmem>>[vector<16xi32>], vector<16xf32>, vector<16xi1>
        %add3A_624 = arith.constant 102 : i32
        %add3A_625 = vector.broadcast %add3A_624 : i32 to vector<16xi32>
        %add3A_626 = arith.addi %add3A_625, %convert_element_type3A : vector<16xi32>
        %gather3A_627 = tpu.vector_load_idx %arg11[%add3A_626] : memref<128xi32, #tpu.memory_space<vmem>>[vector<16xi32>], vector<16xi32>,
        %gather3A_628 = tpu.vector_load_idx %arg12[%add3A_626] : memref<128xf32, #tpu.memory_space<vmem>>[vector<16xi32>], vector<16xf32>,
        %gather3A_629 = tpu.vector_load_idx %arg10[%add3A_626, %add3A_11] : memref<128x16xf32, #tpu.memory_space<vmem>>[vector<16xi32>, vector<16xi32>], vector<16xf32>,
        %mul3A_630 = arith.mulf %gather3A_629, %gather3A_628 : vector<16xf32>
        %mul3A_631 = arith.constant 8 : i32
        %mul3A_632 = vector.broadcast %mul3A_631 : i32 to vector<16xi32>
        %mul3A_633 = arith.muli %gather3A_627, %mul3A_632 : vector<16xi32>
        %add3A_634 = arith.addi %mul3A_633, %sub3A : vector<16xi32>
        tpu.vector_store_idx %arg13[%add3A_634], %mul3A_630 masked %lt3A_5 {add = true} : memref<81920xf32, #tpu.memory_space<vmem>>[vector<16xi32>], vector<16xf32>, vector<16xi1>
        tpu.vector_store_idx %arg13[%add3A_634], %mul3A_630 masked %ge3A_8 {add = true} : memref<81920xf32, #tpu.memory_space<vmem>>[vector<16xi32>], vector<16xf32>, vector<16xi1>
        %add3A_635 = arith.constant 104 : i32
        %add3A_636 = vector.broadcast %add3A_635 : i32 to vector<16xi32>
        %add3A_637 = arith.addi %add3A_636, %convert_element_type3A : vector<16xi32>
        %gather3A_638 = tpu.vector_load_idx %arg11[%add3A_637] : memref<128xi32, #tpu.memory_space<vmem>>[vector<16xi32>], vector<16xi32>,
        %gather3A_639 = tpu.vector_load_idx %arg12[%add3A_637] : memref<128xf32, #tpu.memory_space<vmem>>[vector<16xi32>], vector<16xf32>,
        %gather3A_640 = tpu.vector_load_idx %arg10[%add3A_637, %add3A_11] : memref<128x16xf32, #tpu.memory_space<vmem>>[vector<16xi32>, vector<16xi32>], vector<16xf32>,
        %mul3A_641 = arith.mulf %gather3A_640, %gather3A_639 : vector<16xf32>
        %mul3A_642 = arith.constant 8 : i32
        %mul3A_643 = vector.broadcast %mul3A_642 : i32 to vector<16xi32>
        %mul3A_644 = arith.muli %gather3A_638, %mul3A_643 : vector<16xi32>
        %add3A_645 = arith.addi %mul3A_644, %sub3A : vector<16xi32>
        tpu.vector_store_idx %arg13[%add3A_645], %mul3A_641 masked %lt3A_5 {add = true} : memref<81920xf32, #tpu.memory_space<vmem>>[vector<16xi32>], vector<16xf32>, vector<16xi1>
        tpu.vector_store_idx %arg13[%add3A_645], %mul3A_641 masked %ge3A_8 {add = true} : memref<81920xf32, #tpu.memory_space<vmem>>[vector<16xi32>], vector<16xf32>, vector<16xi1>
        %add3A_646 = arith.constant 106 : i32
        %add3A_647 = vector.broadcast %add3A_646 : i32 to vector<16xi32>
        %add3A_648 = arith.addi %add3A_647, %convert_element_type3A : vector<16xi32>
        %gather3A_649 = tpu.vector_load_idx %arg11[%add3A_648] : memref<128xi32, #tpu.memory_space<vmem>>[vector<16xi32>], vector<16xi32>,
        %gather3A_650 = tpu.vector_load_idx %arg12[%add3A_648] : memref<128xf32, #tpu.memory_space<vmem>>[vector<16xi32>], vector<16xf32>,
        %gather3A_651 = tpu.vector_load_idx %arg10[%add3A_648, %add3A_11] : memref<128x16xf32, #tpu.memory_space<vmem>>[vector<16xi32>, vector<16xi32>], vector<16xf32>,
        %mul3A_652 = arith.mulf %gather3A_651, %gather3A_650 : vector<16xf32>
        %mul3A_653 = arith.constant 8 : i32
        %mul3A_654 = vector.broadcast %mul3A_653 : i32 to vector<16xi32>
        %mul3A_655 = arith.muli %gather3A_649, %mul3A_654 : vector<16xi32>
        %add3A_656 = arith.addi %mul3A_655, %sub3A : vector<16xi32>
        tpu.vector_store_idx %arg13[%add3A_656], %mul3A_652 masked %lt3A_5 {add = true} : memref<81920xf32, #tpu.memory_space<vmem>>[vector<16xi32>], vector<16xf32>, vector<16xi1>
        tpu.vector_store_idx %arg13[%add3A_656], %mul3A_652 masked %ge3A_8 {add = true} : memref<81920xf32, #tpu.memory_space<vmem>>[vector<16xi32>], vector<16xf32>, vector<16xi1>
        %add3A_657 = arith.constant 108 : i32
        %add3A_658 = vector.broadcast %add3A_657 : i32 to vector<16xi32>
        %add3A_659 = arith.addi %add3A_658, %convert_element_type3A : vector<16xi32>
        %gather3A_660 = tpu.vector_load_idx %arg11[%add3A_659] : memref<128xi32, #tpu.memory_space<vmem>>[vector<16xi32>], vector<16xi32>,
        %gather3A_661 = tpu.vector_load_idx %arg12[%add3A_659] : memref<128xf32, #tpu.memory_space<vmem>>[vector<16xi32>], vector<16xf32>,
        %gather3A_662 = tpu.vector_load_idx %arg10[%add3A_659, %add3A_11] : memref<128x16xf32, #tpu.memory_space<vmem>>[vector<16xi32>, vector<16xi32>], vector<16xf32>,
        %mul3A_663 = arith.mulf %gather3A_662, %gather3A_661 : vector<16xf32>
        %mul3A_664 = arith.constant 8 : i32
        %mul3A_665 = vector.broadcast %mul3A_664 : i32 to vector<16xi32>
        %mul3A_666 = arith.muli %gather3A_660, %mul3A_665 : vector<16xi32>
        %add3A_667 = arith.addi %mul3A_666, %sub3A : vector<16xi32>
        tpu.vector_store_idx %arg13[%add3A_667], %mul3A_663 masked %lt3A_5 {add = true} : memref<81920xf32, #tpu.memory_space<vmem>>[vector<16xi32>], vector<16xf32>, vector<16xi1>
        tpu.vector_store_idx %arg13[%add3A_667], %mul3A_663 masked %ge3A_8 {add = true} : memref<81920xf32, #tpu.memory_space<vmem>>[vector<16xi32>], vector<16xf32>, vector<16xi1>
        %add3A_668 = arith.constant 110 : i32
        %add3A_669 = vector.broadcast %add3A_668 : i32 to vector<16xi32>
        %add3A_670 = arith.addi %add3A_669, %convert_element_type3A : vector<16xi32>
        %gather3A_671 = tpu.vector_load_idx %arg11[%add3A_670] : memref<128xi32, #tpu.memory_space<vmem>>[vector<16xi32>], vector<16xi32>,
        %gather3A_672 = tpu.vector_load_idx %arg12[%add3A_670] : memref<128xf32, #tpu.memory_space<vmem>>[vector<16xi32>], vector<16xf32>,
        %gather3A_673 = tpu.vector_load_idx %arg10[%add3A_670, %add3A_11] : memref<128x16xf32, #tpu.memory_space<vmem>>[vector<16xi32>, vector<16xi32>], vector<16xf32>,
        %mul3A_674 = arith.mulf %gather3A_673, %gather3A_672 : vector<16xf32>
        %mul3A_675 = arith.constant 8 : i32
        %mul3A_676 = vector.broadcast %mul3A_675 : i32 to vector<16xi32>
        %mul3A_677 = arith.muli %gather3A_671, %mul3A_676 : vector<16xi32>
        %add3A_678 = arith.addi %mul3A_677, %sub3A : vector<16xi32>
        tpu.vector_store_idx %arg13[%add3A_678], %mul3A_674 masked %lt3A_5 {add = true} : memref<81920xf32, #tpu.memory_space<vmem>>[vector<16xi32>], vector<16xf32>, vector<16xi1>
        tpu.vector_store_idx %arg13[%add3A_678], %mul3A_674 masked %ge3A_8 {add = true} : memref<81920xf32, #tpu.memory_space<vmem>>[vector<16xi32>], vector<16xf32>, vector<16xi1>
        %add3A_679 = arith.constant 112 : i32
        %add3A_680 = vector.broadcast %add3A_679 : i32 to vector<16xi32>
        %add3A_681 = arith.addi %add3A_680, %convert_element_type3A : vector<16xi32>
        %gather3A_682 = tpu.vector_load_idx %arg11[%add3A_681] : memref<128xi32, #tpu.memory_space<vmem>>[vector<16xi32>], vector<16xi32>,
        %gather3A_683 = tpu.vector_load_idx %arg12[%add3A_681] : memref<128xf32, #tpu.memory_space<vmem>>[vector<16xi32>], vector<16xf32>,
        %gather3A_684 = tpu.vector_load_idx %arg10[%add3A_681, %add3A_11] : memref<128x16xf32, #tpu.memory_space<vmem>>[vector<16xi32>, vector<16xi32>], vector<16xf32>,
        %mul3A_685 = arith.mulf %gather3A_684, %gather3A_683 : vector<16xf32>
        %mul3A_686 = arith.constant 8 : i32
        %mul3A_687 = vector.broadcast %mul3A_686 : i32 to vector<16xi32>
        %mul3A_688 = arith.muli %gather3A_682, %mul3A_687 : vector<16xi32>
        %add3A_689 = arith.addi %mul3A_688, %sub3A : vector<16xi32>
        tpu.vector_store_idx %arg13[%add3A_689], %mul3A_685 masked %lt3A_5 {add = true} : memref<81920xf32, #tpu.memory_space<vmem>>[vector<16xi32>], vector<16xf32>, vector<16xi1>
        tpu.vector_store_idx %arg13[%add3A_689], %mul3A_685 masked %ge3A_8 {add = true} : memref<81920xf32, #tpu.memory_space<vmem>>[vector<16xi32>], vector<16xf32>, vector<16xi1>
        %add3A_690 = arith.constant 114 : i32
        %add3A_691 = vector.broadcast %add3A_690 : i32 to vector<16xi32>
        %add3A_692 = arith.addi %add3A_691, %convert_element_type3A : vector<16xi32>
        %gather3A_693 = tpu.vector_load_idx %arg11[%add3A_692] : memref<128xi32, #tpu.memory_space<vmem>>[vector<16xi32>], vector<16xi32>,
        %gather3A_694 = tpu.vector_load_idx %arg12[%add3A_692] : memref<128xf32, #tpu.memory_space<vmem>>[vector<16xi32>], vector<16xf32>,
        %gather3A_695 = tpu.vector_load_idx %arg10[%add3A_692, %add3A_11] : memref<128x16xf32, #tpu.memory_space<vmem>>[vector<16xi32>, vector<16xi32>], vector<16xf32>,
        %mul3A_696 = arith.mulf %gather3A_695, %gather3A_694 : vector<16xf32>
        %mul3A_697 = arith.constant 8 : i32
        %mul3A_698 = vector.broadcast %mul3A_697 : i32 to vector<16xi32>
        %mul3A_699 = arith.muli %gather3A_693, %mul3A_698 : vector<16xi32>
        %add3A_700 = arith.addi %mul3A_699, %sub3A : vector<16xi32>
        tpu.vector_store_idx %arg13[%add3A_700], %mul3A_696 masked %lt3A_5 {add = true} : memref<81920xf32, #tpu.memory_space<vmem>>[vector<16xi32>], vector<16xf32>, vector<16xi1>
        tpu.vector_store_idx %arg13[%add3A_700], %mul3A_696 masked %ge3A_8 {add = true} : memref<81920xf32, #tpu.memory_space<vmem>>[vector<16xi32>], vector<16xf32>, vector<16xi1>
        %add3A_701 = arith.constant 116 : i32
        %add3A_702 = vector.broadcast %add3A_701 : i32 to vector<16xi32>
        %add3A_703 = arith.addi %add3A_702, %convert_element_type3A : vector<16xi32>
        %gather3A_704 = tpu.vector_load_idx %arg11[%add3A_703] : memref<128xi32, #tpu.memory_space<vmem>>[vector<16xi32>], vector<16xi32>,
        %gather3A_705 = tpu.vector_load_idx %arg12[%add3A_703] : memref<128xf32, #tpu.memory_space<vmem>>[vector<16xi32>], vector<16xf32>,
        %gather3A_706 = tpu.vector_load_idx %arg10[%add3A_703, %add3A_11] : memref<128x16xf32, #tpu.memory_space<vmem>>[vector<16xi32>, vector<16xi32>], vector<16xf32>,
        %mul3A_707 = arith.mulf %gather3A_706, %gather3A_705 : vector<16xf32>
        %mul3A_708 = arith.constant 8 : i32
        %mul3A_709 = vector.broadcast %mul3A_708 : i32 to vector<16xi32>
        %mul3A_710 = arith.muli %gather3A_704, %mul3A_709 : vector<16xi32>
        %add3A_711 = arith.addi %mul3A_710, %sub3A : vector<16xi32>
        tpu.vector_store_idx %arg13[%add3A_711], %mul3A_707 masked %lt3A_5 {add = true} : memref<81920xf32, #tpu.memory_space<vmem>>[vector<16xi32>], vector<16xf32>, vector<16xi1>
        tpu.vector_store_idx %arg13[%add3A_711], %mul3A_707 masked %ge3A_8 {add = true} : memref<81920xf32, #tpu.memory_space<vmem>>[vector<16xi32>], vector<16xf32>, vector<16xi1>
        %add3A_712 = arith.constant 118 : i32
        %add3A_713 = vector.broadcast %add3A_712 : i32 to vector<16xi32>
        %add3A_714 = arith.addi %add3A_713, %convert_element_type3A : vector<16xi32>
        %gather3A_715 = tpu.vector_load_idx %arg11[%add3A_714] : memref<128xi32, #tpu.memory_space<vmem>>[vector<16xi32>], vector<16xi32>,
        %gather3A_716 = tpu.vector_load_idx %arg12[%add3A_714] : memref<128xf32, #tpu.memory_space<vmem>>[vector<16xi32>], vector<16xf32>,
        %gather3A_717 = tpu.vector_load_idx %arg10[%add3A_714, %add3A_11] : memref<128x16xf32, #tpu.memory_space<vmem>>[vector<16xi32>, vector<16xi32>], vector<16xf32>,
        %mul3A_718 = arith.mulf %gather3A_717, %gather3A_716 : vector<16xf32>
        %mul3A_719 = arith.constant 8 : i32
        %mul3A_720 = vector.broadcast %mul3A_719 : i32 to vector<16xi32>
        %mul3A_721 = arith.muli %gather3A_715, %mul3A_720 : vector<16xi32>
        %add3A_722 = arith.addi %mul3A_721, %sub3A : vector<16xi32>
        tpu.vector_store_idx %arg13[%add3A_722], %mul3A_718 masked %lt3A_5 {add = true} : memref<81920xf32, #tpu.memory_space<vmem>>[vector<16xi32>], vector<16xf32>, vector<16xi1>
        tpu.vector_store_idx %arg13[%add3A_722], %mul3A_718 masked %ge3A_8 {add = true} : memref<81920xf32, #tpu.memory_space<vmem>>[vector<16xi32>], vector<16xf32>, vector<16xi1>
        %add3A_723 = arith.constant 120 : i32
        %add3A_724 = vector.broadcast %add3A_723 : i32 to vector<16xi32>
        %add3A_725 = arith.addi %add3A_724, %convert_element_type3A : vector<16xi32>
        %gather3A_726 = tpu.vector_load_idx %arg11[%add3A_725] : memref<128xi32, #tpu.memory_space<vmem>>[vector<16xi32>], vector<16xi32>,
        %gather3A_727 = tpu.vector_load_idx %arg12[%add3A_725] : memref<128xf32, #tpu.memory_space<vmem>>[vector<16xi32>], vector<16xf32>,
        %gather3A_728 = tpu.vector_load_idx %arg10[%add3A_725, %add3A_11] : memref<128x16xf32, #tpu.memory_space<vmem>>[vector<16xi32>, vector<16xi32>], vector<16xf32>,
        %mul3A_729 = arith.mulf %gather3A_728, %gather3A_727 : vector<16xf32>
        %mul3A_730 = arith.constant 8 : i32
        %mul3A_731 = vector.broadcast %mul3A_730 : i32 to vector<16xi32>
        %mul3A_732 = arith.muli %gather3A_726, %mul3A_731 : vector<16xi32>
        %add3A_733 = arith.addi %mul3A_732, %sub3A : vector<16xi32>
        tpu.vector_store_idx %arg13[%add3A_733], %mul3A_729 masked %lt3A_5 {add = true} : memref<81920xf32, #tpu.memory_space<vmem>>[vector<16xi32>], vector<16xf32>, vector<16xi1>
        tpu.vector_store_idx %arg13[%add3A_733], %mul3A_729 masked %ge3A_8 {add = true} : memref<81920xf32, #tpu.memory_space<vmem>>[vector<16xi32>], vector<16xf32>, vector<16xi1>
        %add3A_734 = arith.constant 122 : i32
        %add3A_735 = vector.broadcast %add3A_734 : i32 to vector<16xi32>
        %add3A_736 = arith.addi %add3A_735, %convert_element_type3A : vector<16xi32>
        %gather3A_737 = tpu.vector_load_idx %arg11[%add3A_736] : memref<128xi32, #tpu.memory_space<vmem>>[vector<16xi32>], vector<16xi32>,
        %gather3A_738 = tpu.vector_load_idx %arg12[%add3A_736] : memref<128xf32, #tpu.memory_space<vmem>>[vector<16xi32>], vector<16xf32>,
        %gather3A_739 = tpu.vector_load_idx %arg10[%add3A_736, %add3A_11] : memref<128x16xf32, #tpu.memory_space<vmem>>[vector<16xi32>, vector<16xi32>], vector<16xf32>,
        %mul3A_740 = arith.mulf %gather3A_739, %gather3A_738 : vector<16xf32>
        %mul3A_741 = arith.constant 8 : i32
        %mul3A_742 = vector.broadcast %mul3A_741 : i32 to vector<16xi32>
        %mul3A_743 = arith.muli %gather3A_737, %mul3A_742 : vector<16xi32>
        %add3A_744 = arith.addi %mul3A_743, %sub3A : vector<16xi32>
        tpu.vector_store_idx %arg13[%add3A_744], %mul3A_740 masked %lt3A_5 {add = true} : memref<81920xf32, #tpu.memory_space<vmem>>[vector<16xi32>], vector<16xf32>, vector<16xi1>
        tpu.vector_store_idx %arg13[%add3A_744], %mul3A_740 masked %ge3A_8 {add = true} : memref<81920xf32, #tpu.memory_space<vmem>>[vector<16xi32>], vector<16xf32>, vector<16xi1>
        %add3A_745 = arith.constant 124 : i32
        %add3A_746 = vector.broadcast %add3A_745 : i32 to vector<16xi32>
        %add3A_747 = arith.addi %add3A_746, %convert_element_type3A : vector<16xi32>
        %gather3A_748 = tpu.vector_load_idx %arg11[%add3A_747] : memref<128xi32, #tpu.memory_space<vmem>>[vector<16xi32>], vector<16xi32>,
        %gather3A_749 = tpu.vector_load_idx %arg12[%add3A_747] : memref<128xf32, #tpu.memory_space<vmem>>[vector<16xi32>], vector<16xf32>,
        %gather3A_750 = tpu.vector_load_idx %arg10[%add3A_747, %add3A_11] : memref<128x16xf32, #tpu.memory_space<vmem>>[vector<16xi32>, vector<16xi32>], vector<16xf32>,
        %mul3A_751 = arith.mulf %gather3A_750, %gather3A_749 : vector<16xf32>
        %mul3A_752 = arith.constant 8 : i32
        %mul3A_753 = vector.broadcast %mul3A_752 : i32 to vector<16xi32>
        %mul3A_754 = arith.muli %gather3A_748, %mul3A_753 : vector<16xi32>
        %add3A_755 = arith.addi %mul3A_754, %sub3A : vector<16xi32>
        tpu.vector_store_idx %arg13[%add3A_755], %mul3A_751 masked %lt3A_5 {add = true} : memref<81920xf32, #tpu.memory_space<vmem>>[vector<16xi32>], vector<16xf32>, vector<16xi1>
        tpu.vector_store_idx %arg13[%add3A_755], %mul3A_751 masked %ge3A_8 {add = true} : memref<81920xf32, #tpu.memory_space<vmem>>[vector<16xi32>], vector<16xf32>, vector<16xi1>
        %add3A_756 = arith.constant 126 : i32
        %add3A_757 = vector.broadcast %add3A_756 : i32 to vector<16xi32>
        %add3A_758 = arith.addi %add3A_757, %convert_element_type3A : vector<16xi32>
        %gather3A_759 = tpu.vector_load_idx %arg11[%add3A_758] : memref<128xi32, #tpu.memory_space<vmem>>[vector<16xi32>], vector<16xi32>,
        %gather3A_760 = tpu.vector_load_idx %arg12[%add3A_758] : memref<128xf32, #tpu.memory_space<vmem>>[vector<16xi32>], vector<16xf32>,
        %gather3A_761 = tpu.vector_load_idx %arg10[%add3A_758, %add3A_11] : memref<128x16xf32, #tpu.memory_space<vmem>>[vector<16xi32>, vector<16xi32>], vector<16xf32>,
        %mul3A_762 = arith.mulf %gather3A_761, %gather3A_760 : vector<16xf32>
        %mul3A_763 = arith.constant 8 : i32
        %mul3A_764 = vector.broadcast %mul3A_763 : i32 to vector<16xi32>
        %mul3A_765 = arith.muli %gather3A_759, %mul3A_764 : vector<16xi32>
        %add3A_766 = arith.addi %mul3A_765, %sub3A : vector<16xi32>
        tpu.vector_store_idx %arg13[%add3A_766], %mul3A_762 masked %lt3A_5 {add = true} : memref<81920xf32, #tpu.memory_space<vmem>>[vector<16xi32>], vector<16xf32>, vector<16xi1>
        tpu.vector_store_idx %arg13[%add3A_766], %mul3A_762 masked %ge3A_8 {add = true} : memref<81920xf32, #tpu.memory_space<vmem>>[vector<16xi32>], vector<16xf32>, vector<16xi1>
        %get3A_767 = arith.constant 0 : index
        %get3A_768 = tpu.vector_load %arg11[%get3A_767] {strides = array<i32>} : memref<128xi32, #tpu.memory_space<vmem>>, vector<16xi32>,
        %get3A_769 = arith.constant 0 : index
        %get3A_770 = tpu.vector_load %arg12[%get3A_769] {strides = array<i32>} : memref<128xf32, #tpu.memory_space<vmem>>, vector<16xf32>,
        %mul3A_771 = arith.constant 2 : i32
        %mul3A_772 = vector.broadcast %mul3A_771 : i32 to vector<16xi32>
        %mul3A_773 = arith.muli %get3A_768, %mul3A_772 : vector<16xi32>
        %add3A_774 = arith.addi %mul3A_773, %convert_element_type3A : vector<16xi32>
        tpu.vector_store_idx %arg14[%add3A_774], %get3A_770 {add = true} : memref<20480xf32, #tpu.memory_space<vmem>>[vector<16xi32>], vector<16xf32>,
        %get3A_775 = arith.constant 16 : index
        %get3A_776 = tpu.vector_load %arg11[%get3A_775] {strides = array<i32>} : memref<128xi32, #tpu.memory_space<vmem>>, vector<16xi32>,
        %get3A_777 = arith.constant 16 : index
        %get3A_778 = tpu.vector_load %arg12[%get3A_777] {strides = array<i32>} : memref<128xf32, #tpu.memory_space<vmem>>, vector<16xf32>,
        %mul3A_779 = arith.constant 2 : i32
        %mul3A_780 = vector.broadcast %mul3A_779 : i32 to vector<16xi32>
        %mul3A_781 = arith.muli %get3A_776, %mul3A_780 : vector<16xi32>
        %add3A_782 = arith.addi %mul3A_781, %convert_element_type3A : vector<16xi32>
        tpu.vector_store_idx %arg14[%add3A_782], %get3A_778 {add = true} : memref<20480xf32, #tpu.memory_space<vmem>>[vector<16xi32>], vector<16xf32>,
        %get3A_783 = arith.constant 32 : index
        %get3A_784 = tpu.vector_load %arg11[%get3A_783] {strides = array<i32>} : memref<128xi32, #tpu.memory_space<vmem>>, vector<16xi32>,
        %get3A_785 = arith.constant 32 : index
        %get3A_786 = tpu.vector_load %arg12[%get3A_785] {strides = array<i32>} : memref<128xf32, #tpu.memory_space<vmem>>, vector<16xf32>,
        %mul3A_787 = arith.constant 2 : i32
        %mul3A_788 = vector.broadcast %mul3A_787 : i32 to vector<16xi32>
        %mul3A_789 = arith.muli %get3A_784, %mul3A_788 : vector<16xi32>
        %add3A_790 = arith.addi %mul3A_789, %convert_element_type3A : vector<16xi32>
        tpu.vector_store_idx %arg14[%add3A_790], %get3A_786 {add = true} : memref<20480xf32, #tpu.memory_space<vmem>>[vector<16xi32>], vector<16xf32>,
        %get3A_791 = arith.constant 48 : index
        %get3A_792 = tpu.vector_load %arg11[%get3A_791] {strides = array<i32>} : memref<128xi32, #tpu.memory_space<vmem>>, vector<16xi32>,
        %get3A_793 = arith.constant 48 : index
        %get3A_794 = tpu.vector_load %arg12[%get3A_793] {strides = array<i32>} : memref<128xf32, #tpu.memory_space<vmem>>, vector<16xf32>,
        %mul3A_795 = arith.constant 2 : i32
        %mul3A_796 = vector.broadcast %mul3A_795 : i32 to vector<16xi32>
        %mul3A_797 = arith.muli %get3A_792, %mul3A_796 : vector<16xi32>
        %add3A_798 = arith.addi %mul3A_797, %convert_element_type3A : vector<16xi32>
        tpu.vector_store_idx %arg14[%add3A_798], %get3A_794 {add = true} : memref<20480xf32, #tpu.memory_space<vmem>>[vector<16xi32>], vector<16xf32>,
        %get3A_799 = arith.constant 64 : index
        %get3A_800 = tpu.vector_load %arg11[%get3A_799] {strides = array<i32>} : memref<128xi32, #tpu.memory_space<vmem>>, vector<16xi32>,
        %get3A_801 = arith.constant 64 : index
        %get3A_802 = tpu.vector_load %arg12[%get3A_801] {strides = array<i32>} : memref<128xf32, #tpu.memory_space<vmem>>, vector<16xf32>,
        %mul3A_803 = arith.constant 2 : i32
        %mul3A_804 = vector.broadcast %mul3A_803 : i32 to vector<16xi32>
        %mul3A_805 = arith.muli %get3A_800, %mul3A_804 : vector<16xi32>
        %add3A_806 = arith.addi %mul3A_805, %convert_element_type3A : vector<16xi32>
        tpu.vector_store_idx %arg14[%add3A_806], %get3A_802 {add = true} : memref<20480xf32, #tpu.memory_space<vmem>>[vector<16xi32>], vector<16xf32>,
        %get3A_807 = arith.constant 80 : index
        %get3A_808 = tpu.vector_load %arg11[%get3A_807] {strides = array<i32>} : memref<128xi32, #tpu.memory_space<vmem>>, vector<16xi32>,
        %get3A_809 = arith.constant 80 : index
        %get3A_810 = tpu.vector_load %arg12[%get3A_809] {strides = array<i32>} : memref<128xf32, #tpu.memory_space<vmem>>, vector<16xf32>,
        %mul3A_811 = arith.constant 2 : i32
        %mul3A_812 = vector.broadcast %mul3A_811 : i32 to vector<16xi32>
        %mul3A_813 = arith.muli %get3A_808, %mul3A_812 : vector<16xi32>
        %add3A_814 = arith.addi %mul3A_813, %convert_element_type3A : vector<16xi32>
        tpu.vector_store_idx %arg14[%add3A_814], %get3A_810 {add = true} : memref<20480xf32, #tpu.memory_space<vmem>>[vector<16xi32>], vector<16xf32>,
        %get3A_815 = arith.constant 96 : index
        %get3A_816 = tpu.vector_load %arg11[%get3A_815] {strides = array<i32>} : memref<128xi32, #tpu.memory_space<vmem>>, vector<16xi32>,
        %get3A_817 = arith.constant 96 : index
        %get3A_818 = tpu.vector_load %arg12[%get3A_817] {strides = array<i32>} : memref<128xf32, #tpu.memory_space<vmem>>, vector<16xf32>,
        %mul3A_819 = arith.constant 2 : i32
        %mul3A_820 = vector.broadcast %mul3A_819 : i32 to vector<16xi32>
        %mul3A_821 = arith.muli %get3A_816, %mul3A_820 : vector<16xi32>
        %add3A_822 = arith.addi %mul3A_821, %convert_element_type3A : vector<16xi32>
        tpu.vector_store_idx %arg14[%add3A_822], %get3A_818 {add = true} : memref<20480xf32, #tpu.memory_space<vmem>>[vector<16xi32>], vector<16xf32>,
        %get3A_823 = arith.constant 112 : index
        %get3A_824 = tpu.vector_load %arg11[%get3A_823] {strides = array<i32>} : memref<128xi32, #tpu.memory_space<vmem>>, vector<16xi32>,
        %get3A_825 = arith.constant 112 : index
        %get3A_826 = tpu.vector_load %arg12[%get3A_825] {strides = array<i32>} : memref<128xf32, #tpu.memory_space<vmem>>, vector<16xf32>,
        %mul3A_827 = arith.constant 2 : i32
        %mul3A_828 = vector.broadcast %mul3A_827 : i32 to vector<16xi32>
        %mul3A_829 = arith.muli %get3A_824, %mul3A_828 : vector<16xi32>
        %add3A_830 = arith.addi %mul3A_829, %convert_element_type3A : vector<16xi32>
        tpu.vector_store_idx %arg14[%add3A_830], %get3A_826 {add = true} : memref<20480xf32, #tpu.memory_space<vmem>>[vector<16xi32>], vector<16xf32>,
      } else {
      }
    }
    %scan3A_16 = arith.constant 157 : i32
    "tpu.region"() ({
      %run_scoped3A = tpu.sem_alloc : memref<!tpu.dma_semaphore, #tpu.memory_space<semaphore_mem>>
      %dma_start3A = arith.constant 0 : i32
      %dma_start3A_17 = tpu.memref_slice %arg7[%arg0, %arg1, %dma_start3A] : memref<2x16x81920xf32, #tpu.memory_space<hbm>> -> memref<1x1x81920xf32, #tpu.memory_space<hbm>>
      %dma_start3A_18 = tpu.memref_squeeze %dma_start3A_17 : memref<1x1x81920xf32, #tpu.memory_space<hbm>> -> memref<81920xf32, #tpu.memory_space<hbm>>
      %dma_start3A_19 = arith.constant 0 : i32
      %dma_start3A_20 = tpu.memref_slice %arg7[%arg0, %arg1, %dma_start3A_19] : memref<2x16x81920xf32, #tpu.memory_space<hbm>> -> memref<1x1x81920xf32, #tpu.memory_space<hbm>>
      %dma_start3A_21 = tpu.memref_squeeze %dma_start3A_20 : memref<1x1x81920xf32, #tpu.memory_space<hbm>> -> memref<81920xf32, #tpu.memory_space<hbm>>
      tpu.enqueue_dma source(%arg13 : memref<81920xf32, #tpu.memory_space<vmem>>) target(%dma_start3A_21 : memref<81920xf32, #tpu.memory_space<hbm>>) target_semaphore(%run_scoped3A : memref<!tpu.dma_semaphore, #tpu.memory_space<semaphore_mem>>)
      %dma_wait3A = arith.constant 0 : i32
      %dma_wait3A_22 = tpu.memref_slice %arg7[%arg0, %arg1, %dma_wait3A] : memref<2x16x81920xf32, #tpu.memory_space<hbm>> -> memref<1x1x81920xf32, #tpu.memory_space<hbm>>
      %dma_wait3A_23 = tpu.memref_squeeze %dma_wait3A_22 : memref<1x1x81920xf32, #tpu.memory_space<hbm>> -> memref<81920xf32, #tpu.memory_space<hbm>>
      %dma_wait3A_24 = arith.constant 0 : i32
      %dma_wait3A_25 = tpu.memref_slice %arg7[%arg0, %arg1, %dma_wait3A_24] : memref<2x16x81920xf32, #tpu.memory_space<hbm>> -> memref<1x1x81920xf32, #tpu.memory_space<hbm>>
      %dma_wait3A_26 = tpu.memref_squeeze %dma_wait3A_25 : memref<1x1x81920xf32, #tpu.memory_space<hbm>> -> memref<81920xf32, #tpu.memory_space<hbm>>
      tpu.wait_dma2 semaphore(%run_scoped3A : memref<!tpu.dma_semaphore, #tpu.memory_space<semaphore_mem>>) src(%arg13 : memref<81920xf32, #tpu.memory_space<vmem>>) dst(%dma_wait3A_26 : memref<81920xf32, #tpu.memory_space<hbm>>)
      tpu.yield
    }) : () -> ()
    "tpu.region"() ({
      %run_scoped3A = tpu.sem_alloc : memref<!tpu.dma_semaphore, #tpu.memory_space<semaphore_mem>>
      %dma_start3A = arith.constant 0 : i32
      %dma_start3A_17 = tpu.memref_slice %arg8[%arg0, %arg1, %dma_start3A] : memref<2x16x20480xf32, #tpu.memory_space<hbm>> -> memref<1x1x20480xf32, #tpu.memory_space<hbm>>
      %dma_start3A_18 = tpu.memref_squeeze %dma_start3A_17 : memref<1x1x20480xf32, #tpu.memory_space<hbm>> -> memref<20480xf32, #tpu.memory_space<hbm>>
      %dma_start3A_19 = arith.constant 0 : i32
      %dma_start3A_20 = tpu.memref_slice %arg8[%arg0, %arg1, %dma_start3A_19] : memref<2x16x20480xf32, #tpu.memory_space<hbm>> -> memref<1x1x20480xf32, #tpu.memory_space<hbm>>
      %dma_start3A_21 = tpu.memref_squeeze %dma_start3A_20 : memref<1x1x20480xf32, #tpu.memory_space<hbm>> -> memref<20480xf32, #tpu.memory_space<hbm>>
      tpu.enqueue_dma source(%arg14 : memref<20480xf32, #tpu.memory_space<vmem>>) target(%dma_start3A_21 : memref<20480xf32, #tpu.memory_space<hbm>>) target_semaphore(%run_scoped3A : memref<!tpu.dma_semaphore, #tpu.memory_space<semaphore_mem>>)
      %dma_wait3A = arith.constant 0 : i32
      %dma_wait3A_22 = tpu.memref_slice %arg8[%arg0, %arg1, %dma_wait3A] : memref<2x16x20480xf32, #tpu.memory_space<hbm>> -> memref<1x1x20480xf32, #tpu.memory_space<hbm>>
      %dma_wait3A_23 = tpu.memref_squeeze %dma_wait3A_22 : memref<1x1x20480xf32, #tpu.memory_space<hbm>> -> memref<20480xf32, #tpu.memory_space<hbm>>
      %dma_wait3A_24 = arith.constant 0 : i32
      %dma_wait3A_25 = tpu.memref_slice %arg8[%arg0, %arg1, %dma_wait3A_24] : memref<2x16x20480xf32, #tpu.memory_space<hbm>> -> memref<1x1x20480xf32, #tpu.memory_space<hbm>>
      %dma_wait3A_26 = tpu.memref_squeeze %dma_wait3A_25 : memref<1x1x20480xf32, #tpu.memory_space<hbm>> -> memref<20480xf32, #tpu.memory_space<hbm>>
      tpu.wait_dma2 semaphore(%run_scoped3A : memref<!tpu.dma_semaphore, #tpu.memory_space<semaphore_mem>>) src(%arg14 : memref<20480xf32, #tpu.memory_space<vmem>>) dst(%dma_wait3A_26 : memref<20480xf32, #tpu.memory_space<hbm>>)
      tpu.yield
    }) : () -> ()
    return
  }
}

module attributes {stable_mosaic.version = 14 : i64} {
  func.func @_dense_body(%arg0: i32, %arg1: memref<2x16x400x8xf32, #tpu.memory_space<vmem>>, %arg2: memref<2x16x400x2xf32, #tpu.memory_space<vmem>>, %arg3: memref<400x128xf32, #tpu.memory_space<vmem>>, %arg4: memref<128x16xf32, #tpu.memory_space<vmem>>, %arg5: memref<1x128xf32, #tpu.memory_space<vmem>>, %arg6: memref<384x128xf32, #tpu.memory_space<vmem>>, %arg7: memref<384x128xf32, #tpu.memory_space<vmem>>, %arg8: memref<1x384xf32, #tpu.memory_space<vmem>>, %arg9: memref<1x384xf32, #tpu.memory_space<vmem>>, %arg10: memref<400x128xf32, #tpu.memory_space<vmem>>) attributes {dimension_semantics = [#tpu.dimension_semantics<arbitrary>], iteration_bounds = array<i64: 25>, scalar_prefetch = 0 : i64, scratch_operands = 0 : i64, tpu.core_type = #tpu.core_type<tc>, window_params = [{transform_indices = @transform_0, window_bounds = array<i64: 2, 16, 400, 8>}, {transform_indices = @transform_1, window_bounds = array<i64: 2, 16, 400, 2>}, {transform_indices = @transform_2, window_bounds = array<i64: 400, 128>}, {pipeline_mode = #tpu.pipeline_mode<synchronous>, transform_indices = @transform_3, window_bounds = array<i64: 128, 16>}, {pipeline_mode = #tpu.pipeline_mode<synchronous>, transform_indices = @transform_4, window_bounds = array<i64: 1, 128>}, {pipeline_mode = #tpu.pipeline_mode<synchronous>, transform_indices = @transform_5, window_bounds = array<i64: 384, 128>}, {pipeline_mode = #tpu.pipeline_mode<synchronous>, transform_indices = @transform_6, window_bounds = array<i64: 384, 128>}, {pipeline_mode = #tpu.pipeline_mode<synchronous>, transform_indices = @transform_7, window_bounds = array<i64: 1, 384>}, {pipeline_mode = #tpu.pipeline_mode<synchronous>, transform_indices = @transform_8, window_bounds = array<i64: 1, 384>}, {transform_indices = @transform_9, window_bounds = array<i64: 400, 128>}]} {
    %get3A = arith.constant 0 : index
    %get3A_0 = arith.constant 0 : index
    %get3A_1 = arith.constant 0 : index
    %get3A_2 = arith.constant 0 : index
    %get3A_3 = vector.load %arg1[%get3A, %get3A_0, %get3A_1, %get3A_2] : memref<2x16x400x8xf32, #tpu.memory_space<vmem>>, vector<2x16x400x8xf32>
    %slice3A = vector.extract_strided_slice %get3A_3 {offsets = [0, 0, 0, 0], sizes = [1, 16, 400, 8], strides = [1, 1, 1, 1]} : vector<2x16x400x8xf32> to vector<1x16x400x8xf32>
    %squeeze3A = vector.shape_cast %slice3A : vector<1x16x400x8xf32> to vector<16x400x8xf32>
    %reduce_sum3A = arith.constant dense<0.000000e+00> : vector<400x8xf32>
    %reduce_sum3A_4 = vector.multi_reduction <add>, %squeeze3A, %reduce_sum3A [0] : vector<16x400x8xf32> to vector<400x8xf32>
    %slice3A_5 = vector.extract_strided_slice %get3A_3 {offsets = [1, 0, 0, 0], sizes = [1, 16, 400, 8], strides = [1, 1, 1, 1]} : vector<2x16x400x8xf32> to vector<1x16x400x8xf32>
    %squeeze3A_6 = vector.shape_cast %slice3A_5 : vector<1x16x400x8xf32> to vector<16x400x8xf32>
    %reduce_sum3A_7 = arith.constant dense<0.000000e+00> : vector<400x8xf32>
    %reduce_sum3A_8 = vector.multi_reduction <add>, %squeeze3A_6, %reduce_sum3A_7 [0] : vector<16x400x8xf32> to vector<400x8xf32>
    %concatenate3A = tpu.concatenate %reduce_sum3A_4, %reduce_sum3A_8 in 1 : vector<400x8xf32>, vector<400x8xf32> -> vector<400x16xf32>
    %get3A_9 = arith.constant 0 : index
    %get3A_10 = arith.constant 0 : index
    %get3A_11 = arith.constant 0 : index
    %get3A_12 = arith.constant 0 : index
    %get3A_13 = vector.load %arg2[%get3A_9, %get3A_10, %get3A_11, %get3A_12] : memref<2x16x400x2xf32, #tpu.memory_space<vmem>>, vector<2x16x400x2xf32>
    %reduce_sum3A_14 = arith.constant dense<0.000000e+00> : vector<400xf32>
    %reduce_sum3A_15 = vector.multi_reduction <add>, %get3A_13, %reduce_sum3A_14 [0, 1, 3] : vector<2x16x400x2xf32> to vector<400xf32>
    %broadcast_in_dim3A = vector.shape_cast %reduce_sum3A_15 : vector<400xf32> to vector<400x1xf32>
    %mul3A = arith.constant 5.000000e-01 : f32
    %mul3A_16 = vector.broadcast %mul3A : f32 to vector<400x1xf32>
    %mul3A_17 = arith.mulf %mul3A_16, %broadcast_in_dim3A : vector<400x1xf32>
    %gt3A = arith.constant 0.000000e+00 : f32
    %gt3A_18 = vector.broadcast %gt3A : f32 to vector<400x1xf32>
    %gt3A_19 = arith.cmpf ogt, %mul3A_17, %gt3A_18 : vector<400x1xf32>
    %jit3A = arith.constant 1.000000e+00 : f32
    %broadcast_in_dim3A_20 = vector.broadcast %jit3A : f32 to vector<400x1xf32>
    %select_n3A = arith.select %gt3A_19, %mul3A_17, %broadcast_in_dim3A_20 : vector<400x1xi1>, vector<400x1xf32>
    %div3A = arith.constant 1.000000e+00 : f32
    %div3A_21 = vector.broadcast %div3A : f32 to vector<400x1xf32>
    %div3A_22 = arith.divf %div3A_21, %select_n3A : vector<400x1xf32>
    %jit3A_23 = arith.constant 0.000000e+00 : f32
    %broadcast_in_dim3A_24 = vector.broadcast %jit3A_23 : f32 to vector<400x1xf32>
    %select_n3A_25 = arith.select %gt3A_19, %div3A_22, %broadcast_in_dim3A_24 : vector<400x1xi1>, vector<400x1xf32>
    %mul3A_26 = vector.broadcast %select_n3A_25 : vector<400x1xf32> to vector<400x16xf32>
    %mul3A_27 = arith.mulf %concatenate3A, %mul3A_26 : vector<400x16xf32>
    %get3A_28 = arith.constant 0 : index
    %get3A_29 = arith.constant 0 : index
    %get3A_30 = vector.load %arg4[%get3A_28, %get3A_29] : memref<128x16xf32, #tpu.memory_space<vmem>>, vector<128x16xf32>
    %dot_general3A = arith.constant dense<0.000000e+00> : vector<400x128xf32>
    %dot_general3A_31 = tpu.matmul %mul3A_27, %get3A_30, %dot_general3A {dimension_numbers = #tpu.dot_dimension_numbers<[1], [1], [0], [0], [0, 0, 1, 0], [], []>, transpose_lhs_hint = false} : vector<400x16xf32>, vector<128x16xf32>, vector<400x128xf32> -> vector<400x128xf32>
    %jit3A_32 = arith.constant 1.000000e+00 : f32
    %jit3A_33 = arith.constant 0.000000e+00 : f32
    %broadcast_in_dim3A_34 = vector.broadcast %jit3A_32 : f32 to vector<400x1xf32>
    %broadcast_in_dim3A_35 = vector.broadcast %jit3A_33 : f32 to vector<400x1xf32>
    %select_n3A_36 = arith.select %gt3A_19, %broadcast_in_dim3A_34, %broadcast_in_dim3A_35 : vector<400x1xi1>, vector<400x1xf32>
    %get3A_37 = arith.constant 0 : index
    %get3A_38 = arith.constant 0 : index
    %get3A_39 = vector.load %arg5[%get3A_37, %get3A_38] : memref<1x128xf32, #tpu.memory_space<vmem>>, vector<1x128xf32>
    %mul3A_40 = vector.broadcast %select_n3A_36 : vector<400x1xf32> to vector<400x128xf32>
    %mul3A_41 = vector.broadcast %get3A_39 : vector<1x128xf32> to vector<400x128xf32>
    %mul3A_42 = arith.mulf %mul3A_40, %mul3A_41 : vector<400x128xf32>
    %add3A = arith.addf %dot_general3A_31, %mul3A_42 : vector<400x128xf32>
    %gt3A_43 = arith.constant 0.000000e+00 : f32
    %gt3A_44 = vector.broadcast %gt3A_43 : f32 to vector<400x128xf32>
    %gt3A_45 = arith.cmpf ogt, %add3A, %gt3A_44 : vector<400x128xf32>
    %min3A = arith.constant 0.000000e+00 : f32
    %min3A_46 = vector.broadcast %min3A : f32 to vector<400x128xf32>
    %min3A_47 = arith.minimumf %add3A, %min3A_46 : vector<400x128xf32>
    %exp3A = math.exp %min3A_47 : vector<400x128xf32>
    %sub3A = arith.constant 1.000000e+00 : f32
    %sub3A_48 = vector.broadcast %sub3A : f32 to vector<400x128xf32>
    %sub3A_49 = arith.subf %exp3A, %sub3A_48 : vector<400x128xf32>
    %select_n3A_50 = arith.select %gt3A_45, %add3A, %sub3A_49 : vector<400x128xi1>, vector<400x128xf32>
    %get3A_51 = arith.constant 0 : index
    %get3A_52 = arith.constant 0 : index
    %get3A_53 = vector.load %arg3[%get3A_51, %get3A_52] : memref<400x128xf32, #tpu.memory_space<vmem>>, vector<400x128xf32>
    %get3A_54 = arith.constant 0 : index
    %get3A_55 = arith.constant 0 : index
    %get3A_56 = vector.load %arg6[%get3A_54, %get3A_55] : memref<384x128xf32, #tpu.memory_space<vmem>>, vector<384x128xf32>
    %dot_general3A_57 = arith.constant dense<0.000000e+00> : vector<400x384xf32>
    %dot_general3A_58 = tpu.matmul %select_n3A_50, %get3A_56, %dot_general3A_57 {dimension_numbers = #tpu.dot_dimension_numbers<[1], [1], [0], [0], [0, 0, 1, 0], [], []>, transpose_lhs_hint = false} : vector<400x128xf32>, vector<384x128xf32>, vector<400x384xf32> -> vector<400x384xf32>
    %get3A_59 = arith.constant 0 : index
    %get3A_60 = arith.constant 0 : index
    %get3A_61 = vector.load %arg8[%get3A_59, %get3A_60] : memref<1x384xf32, #tpu.memory_space<vmem>>, vector<1x384xf32>
    %add3A_62 = vector.broadcast %get3A_61 : vector<1x384xf32> to vector<400x384xf32>
    %add3A_63 = arith.addf %dot_general3A_58, %add3A_62 : vector<400x384xf32>
    %get3A_64 = arith.constant 0 : index
    %get3A_65 = arith.constant 0 : index
    %get3A_66 = vector.load %arg7[%get3A_64, %get3A_65] : memref<384x128xf32, #tpu.memory_space<vmem>>, vector<384x128xf32>
    %dot_general3A_67 = arith.constant dense<0.000000e+00> : vector<400x384xf32>
    %dot_general3A_68 = tpu.matmul %get3A_53, %get3A_66, %dot_general3A_67 {dimension_numbers = #tpu.dot_dimension_numbers<[1], [1], [0], [0], [0, 0, 1, 0], [], []>, transpose_lhs_hint = false} : vector<400x128xf32>, vector<384x128xf32>, vector<400x384xf32> -> vector<400x384xf32>
    %get3A_69 = arith.constant 0 : index
    %get3A_70 = arith.constant 0 : index
    %get3A_71 = vector.load %arg9[%get3A_69, %get3A_70] : memref<1x384xf32, #tpu.memory_space<vmem>>, vector<1x384xf32>
    %add3A_72 = vector.broadcast %get3A_71 : vector<1x384xf32> to vector<400x384xf32>
    %add3A_73 = arith.addf %dot_general3A_68, %add3A_72 : vector<400x384xf32>
    %slice3A_74 = vector.extract_strided_slice %add3A_63 {offsets = [0, 0], sizes = [400, 128], strides = [1, 1]} : vector<400x384xf32> to vector<400x128xf32>
    %slice3A_75 = vector.extract_strided_slice %add3A_73 {offsets = [0, 0], sizes = [400, 128], strides = [1, 1]} : vector<400x384xf32> to vector<400x128xf32>
    %add3A_76 = arith.addf %slice3A_74, %slice3A_75 : vector<400x128xf32>
    %logistic3A = arith.negf %add3A_76 : vector<400x128xf32>
    %logistic3A_77 = math.exp %logistic3A : vector<400x128xf32>
    %logistic3A_78 = arith.constant 1.000000e+00 : f32
    %logistic3A_79 = vector.broadcast %logistic3A_78 : f32 to vector<400x128xf32>
    %logistic3A_80 = arith.addf %logistic3A_79, %logistic3A_77 : vector<400x128xf32>
    %logistic3A_81 = arith.divf %logistic3A_79, %logistic3A_80 : vector<400x128xf32>
    %slice3A_82 = vector.extract_strided_slice %add3A_63 {offsets = [0, 128], sizes = [400, 128], strides = [1, 1]} : vector<400x384xf32> to vector<400x128xf32>
    %slice3A_83 = vector.extract_strided_slice %add3A_73 {offsets = [0, 128], sizes = [400, 128], strides = [1, 1]} : vector<400x384xf32> to vector<400x128xf32>
    %add3A_84 = arith.addf %slice3A_82, %slice3A_83 : vector<400x128xf32>
    %logistic3A_85 = arith.negf %add3A_84 : vector<400x128xf32>
    %logistic3A_86 = math.exp %logistic3A_85 : vector<400x128xf32>
    %logistic3A_87 = arith.constant 1.000000e+00 : f32
    %logistic3A_88 = vector.broadcast %logistic3A_87 : f32 to vector<400x128xf32>
    %logistic3A_89 = arith.addf %logistic3A_88, %logistic3A_86 : vector<400x128xf32>
    %logistic3A_90 = arith.divf %logistic3A_88, %logistic3A_89 : vector<400x128xf32>
    %slice3A_91 = vector.extract_strided_slice %add3A_63 {offsets = [0, 256], sizes = [400, 128], strides = [1, 1]} : vector<400x384xf32> to vector<400x128xf32>
    %slice3A_92 = vector.extract_strided_slice %add3A_73 {offsets = [0, 256], sizes = [400, 128], strides = [1, 1]} : vector<400x384xf32> to vector<400x128xf32>
    %mul3A_93 = arith.mulf %logistic3A_81, %slice3A_92 : vector<400x128xf32>
    %add3A_94 = arith.addf %slice3A_91, %mul3A_93 : vector<400x128xf32>
    %tanh3A = math.tanh %add3A_94 : vector<400x128xf32>
    %sub3A_95 = arith.constant 1.000000e+00 : f32
    %sub3A_96 = vector.broadcast %sub3A_95 : f32 to vector<400x128xf32>
    %sub3A_97 = arith.subf %sub3A_96, %logistic3A_90 : vector<400x128xf32>
    %mul3A_98 = arith.mulf %sub3A_97, %tanh3A : vector<400x128xf32>
    %mul3A_99 = arith.mulf %logistic3A_90, %get3A_53 : vector<400x128xf32>
    %add3A_100 = arith.addf %mul3A_98, %mul3A_99 : vector<400x128xf32>
    %max3A = arith.constant 0.000000e+00 : f32
    %max3A_101 = vector.broadcast %max3A : f32 to vector<400x128xf32>
    %max3A_102 = arith.maximumf %add3A_100, %max3A_101 : vector<400x128xf32>
    %swap3A = arith.constant 0 : index
    %swap3A_103 = arith.constant 0 : index
    %swap3A_104 = vector.load %arg10[%swap3A, %swap3A_103] : memref<400x128xf32, #tpu.memory_space<vmem>>, vector<400x128xf32>
    tpu.vector_store %arg10[%swap3A, %swap3A_103], %max3A_102 {strides = array<i32>} : memref<400x128xf32, #tpu.memory_space<vmem>>, vector<400x128xf32>,
    return
  }
  func.func @transform_0(%arg0: i32) -> (i32, i32, i32, i32) {
    %c0_i32 = arith.constant 0 : i32
    %c0_i32_0 = arith.constant 0 : i32
    %c0_i32_1 = arith.constant 0 : i32
    %c0_i32_2 = arith.constant 0 : i32
    return %c0_i32, %c0_i32_0, %arg0, %c0_i32_1 : i32, i32, i32, i32
  }
  func.func @transform_1(%arg0: i32) -> (i32, i32, i32, i32) {
    %c0_i32 = arith.constant 0 : i32
    %c0_i32_0 = arith.constant 0 : i32
    %c0_i32_1 = arith.constant 0 : i32
    %c0_i32_2 = arith.constant 0 : i32
    return %c0_i32, %c0_i32_0, %arg0, %c0_i32_1 : i32, i32, i32, i32
  }
  func.func @transform_2(%arg0: i32) -> (i32, i32) {
    %c0_i32 = arith.constant 0 : i32
    %c0_i32_0 = arith.constant 0 : i32
    return %arg0, %c0_i32 : i32, i32
  }
  func.func @transform_3(%arg0: i32) -> (i32, i32) {
    %c0_i32 = arith.constant 0 : i32
    %c0_i32_0 = arith.constant 0 : i32
    %c0_i32_1 = arith.constant 0 : i32
    return %c0_i32, %c0_i32_0 : i32, i32
  }
  func.func @transform_4(%arg0: i32) -> (i32, i32) {
    %c0_i32 = arith.constant 0 : i32
    %c0_i32_0 = arith.constant 0 : i32
    %c0_i32_1 = arith.constant 0 : i32
    return %c0_i32, %c0_i32_0 : i32, i32
  }
  func.func @transform_5(%arg0: i32) -> (i32, i32) {
    %c0_i32 = arith.constant 0 : i32
    %c0_i32_0 = arith.constant 0 : i32
    %c0_i32_1 = arith.constant 0 : i32
    return %c0_i32, %c0_i32_0 : i32, i32
  }
  func.func @transform_6(%arg0: i32) -> (i32, i32) {
    %c0_i32 = arith.constant 0 : i32
    %c0_i32_0 = arith.constant 0 : i32
    %c0_i32_1 = arith.constant 0 : i32
    return %c0_i32, %c0_i32_0 : i32, i32
  }
  func.func @transform_7(%arg0: i32) -> (i32, i32) {
    %c0_i32 = arith.constant 0 : i32
    %c0_i32_0 = arith.constant 0 : i32
    %c0_i32_1 = arith.constant 0 : i32
    return %c0_i32, %c0_i32_0 : i32, i32
  }
  func.func @transform_8(%arg0: i32) -> (i32, i32) {
    %c0_i32 = arith.constant 0 : i32
    %c0_i32_0 = arith.constant 0 : i32
    %c0_i32_1 = arith.constant 0 : i32
    return %c0_i32, %c0_i32_0 : i32, i32
  }
  func.func @transform_9(%arg0: i32) -> (i32, i32) {
    %c0_i32 = arith.constant 0 : i32
    %c0_i32_0 = arith.constant 0 : i32
    return %arg0, %c0_i32 : i32, i32
  }
}

</mosaic_0001>

<sc_bundles>
// kernel: kernel.4.cloned.1.call-start
scs
__scs_entry_jumppad:
0x0: {  	(pc) =	sbr.rel $0x88, $3  }
0x1: {  	(tag) =	ssettag $0x0;
	lr =	simm.s32 $0x1  }
0x2: {  	[smem:$0x3F97] =	sst lr;
	_ =	strace $0xD0000000  }
0x3: {  	_ = 	snop  }
0x4: {  	_ = 	snop  }
0x5: {  	_ = 	snop  }
0x6: {  	_ = 	snop  }
0x7: {  	_ = 	snop  }
__scs_overlays_trampoline_lowered:
0x8: {  	[smem:$0x3FA6] =	sst s0  }
0x9: {  	[smem:$0x3FA7] =	sst s1  }
0xa: {  	[smem:$0x3FA8] =	sst s2  }
0xb: {  	[smem:$0x3FA9] =	sst s3  }
0xc: {  	[smem:$0x3FAA] =	sst s4  }
0xd: {  	[smem:$0x3FAB] =	sst s5  }
0xe: {  	[smem:$0x3FAC] =	sst s6  }
0xf: {  	[smem:$0x3FAD] =	sst s7  }
0x10: {  	[smem:$0x3FAE] =	sst s8  }
0x11: {  	[smem:$0x3FAF] =	sst s9;
	s0 =	simm.s32 @!p0 $0x0  }
0x12: {  	s1 =	sld [smem:$0x3F95];
	s0 =	simm.s32 @p0 $0x1  }
0x13: {  	[smem:$0x3FB0] =	sst s0;
	s0 =	simm.s32 @!p1 $0x0  }
0x14: {  	s2 =	sld [smem:$0x3F94];
	s0 =	simm.s32 @p1 $0x1  }
0x15: {  	[smem:$0x3FB1] =	sst s0;
	s0 =	simm.s32 @!p2 $0x0  }
0x16: {  	s3 =	sld [smem:$0x3FDB];
	s0 =	simm.s32 @p2 $0x1  }
0x17: {  	s4 =	simm.s32 $0x1BF5;
	[smem:$0x3FB3] =	sst s0  }
0x18: {  	s0 =	sld [smem:$0x3F96];
	_ =	swait.ge [sflag:s4], $0x0  }
0x19: {  	s7 =	sld [smem:$0x3F97]  }
0x1a: {  	s8 =	sadd.s32 $0xFFFFE003, lr  }
0x1b: {  	s9 =	sadd.s32 $0xFFFFFEF7, lr;
	s5 =	simm.s32 $0xFFFFFFFF;
	p2 =	slt.u32 s8, $0xFFFFF086  }
0x1c: {  	p1 =	slt.u32 s9, $0xF7A;
	s5 =	simm.s32 @!p2 $0x0  }
0x1d: {  	s5 =	simm.s32 @p1 $0x1;
	p0 =	seq.s32 s7, s2  }
0x1e: {  	s7 =	smul.u32 @!p0 $0xF7A, s2;
	p2 =	seq.s32 @!p0 s5, $0x0  }
0x1f: {  	s9 =	smul.u32 $0xF7A, s1;
	s8 =	simm.s32 @!p0 $0x1BF5;
	p2 =	por !p2, p0  }
0x20: {  	[sflag:s8] =	ssyncset.s32 @!p0 $0xFFFFF086;
	s6 =	sadd.s32 @!p0 s3, s7;
	s7 =	simm.s32 @!p0 $0x108  }
0x21: {  	s3 =	sadd.s32 s3, s9;
	s6 =	sadd.s32 @!p0 $0x88, s6;
	s7 =	simm.s32 @p2 $0x1082  }
0x22: {  	[simem:s7], [sflag:s8] =	dma.local @!p0 [hbm:s6], $0xF7A  }
0x23: {  	s9 =	sor.u32 $0xD0000000, s2;
	s6 =	simm.s32 $0x108;
	_ =	swait.ge @!p0 [sflag:s8], $0x0  }
0x24: {  	s3 =	sadd.s32 $0x88, s3;
	s6 =	simm.s32 @!p1 $0x1082;
	[sflag:s4] =	ssyncset.s32 $0xFFFFF086  }
0x25: {  	[simem:s6], [sflag:s4] =	dma.local [hbm:s3], $0xF7A  }
0x26: {  	[smem:$0x3F97] =	sst s1;
	(tag) =	ssettag s2;
	_ =	strace s9  }
0x27: {  	s1 =	sld [smem:$0x3FA7]  }
0x28: {  	s2 =	sld [smem:$0x3FA8]  }
0x29: {  	s4 =	sld [smem:$0x3FAA]  }
0x2a: {  	p0 =	seq.s32 s5, $0x0;
	s5 =	sld [smem:$0x3FAB]  }
0x2b: {  	s6 =	sld [smem:$0x3FAC]  }
0x2c: {  	s7 =	sld [smem:$0x3FAD]  }
0x2d: {  	s3 =	simm.s32 $0x108;
	s8 =	sld [smem:$0x3FAE]  }
0x2e: {  	s3 =	simm.s32 @!p0 $0x1082;
	s9 =	sld [smem:$0x3FAF]  }
0x2f: {  	lr =	sadd.s32 s0, s3;
	s0 =	sld [smem:$0x3FA6]  }
0x30: {  	s3 =	sld [smem:$0x3FA9]  }
0x31: {  	[smem:$0x3FB2] =	sst s10  }
0x32: {  	s10 =	sld [smem:$0x3FB0];
	_ =	sdelay $0x3  }
0x33: {  	p0 =	seq.s32 s10, $0x1;
	s10 =	sld [smem:$0x3FB2];
	_ =	sdelay $0x3  }
0x34: {  	[smem:$0x3FB2] =	sst s10  }
0x35: {  	s10 =	sld [smem:$0x3FB1];
	_ =	sdelay $0x3  }
0x36: {  	p1 =	seq.s32 s10, $0x1;
	s10 =	sld [smem:$0x3FB2];
	_ =	sdelay $0x3  }
0x37: {  	[smem:$0x3FB2] =	sst s10  }
0x38: {  	s10 =	sld [smem:$0x3FB3]  }
0x39: {  	_ = 	snop;
	(pc) =	sbr.ind lr, $3  }
0x3a: {  	_ = 	snop  }
0x3b: {  	_ = 	snop  }
0x3c: {  	p2 =	seq.s32 s10, $0x1;
	s10 =	sld [smem:$0x3FB2]  }
0x3d: {  	_ =	shalt  }
0x3e: {  	_ =	shalt  }
0x3f: {  	_ =	shalt  }
0x40: {  	_ =	shalt  }
0x41: {  	_ =	shalt  }
0x42: {  	_ =	shalt  }
0x43: {  	_ =	shalt  }
0x44: {  	_ =	shalt  }
0x45: {  	_ =	shalt  }
0x46: {  	_ =	shalt  }
0x47: {  	_ =	shalt  }
0x48: {  	_ =	shalt  }
0x49: {  	_ =	shalt  }
0x4a: {  	_ =	shalt  }
0x4b: {  	_ =	shalt  }
0x4c: {  	_ =	shalt  }
0x4d: {  	_ =	shalt  }
0x4e: {  	_ =	shalt  }
0x4f: {  	_ =	shalt  }
0x50: {  	_ =	shalt  }
0x51: {  	_ =	shalt  }
0x52: {  	_ =	shalt  }
0x53: {  	_ =	shalt  }
0x54: {  	_ =	shalt  }
0x55: {  	_ =	shalt  }
0x56: {  	_ =	shalt  }
0x57: {  	_ =	shalt  }
0x58: {  	_ =	shalt  }
0x59: {  	_ =	shalt  }
0x5a: {  	_ =	shalt  }
0x5b: {  	_ =	shalt  }
0x5c: {  	_ =	shalt  }
0x5d: {  	_ =	shalt  }
0x5e: {  	_ =	shalt  }
0x5f: {  	_ =	shalt  }
0x60: {  	_ =	shalt  }
0x61: {  	_ =	shalt  }
0x62: {  	_ =	shalt  }
0x63: {  	_ =	shalt  }
0x64: {  	_ =	shalt  }
0x65: {  	_ =	shalt  }
0x66: {  	_ =	shalt  }
0x67: {  	_ =	shalt  }
0x68: {  	_ =	shalt  }
0x69: {  	_ =	shalt  }
0x6a: {  	_ =	shalt  }
0x6b: {  	_ =	shalt  }
0x6c: {  	_ =	shalt  }
0x6d: {  	_ =	shalt  }
0x6e: {  	_ =	shalt  }
0x6f: {  	_ =	shalt  }
0x70: {  	_ =	shalt  }
0x71: {  	_ =	shalt  }
0x72: {  	_ =	shalt  }
0x73: {  	_ =	shalt  }
0x74: {  	_ =	shalt  }
0x75: {  	_ =	shalt  }
0x76: {  	_ =	shalt  }
0x77: {  	_ =	shalt  }
0x78: {  	_ =	shalt  }
0x79: {  	_ =	shalt  }
0x7a: {  	_ =	shalt  }
0x7b: {  	_ =	shalt  }
0x7c: {  	_ =	shalt  }
0x7d: {  	_ =	shalt  }
0x7e: {  	_ =	shalt  }
0x7f: {  	_ =	shalt  }
0x80: {  	_ =	shalt  }
0x81: {  	_ =	shalt  }
0x82: {  	_ =	shalt  }
0x83: {  	_ =	shalt  }
0x84: {  	_ =	shalt  }
0x85: {  	_ =	shalt  }
0x86: {  	_ =	shalt  }
0x87: {  	_ =	shalt  }
.Lfunc_end0:
.L_simem_size_0:
called_computation_lowered:
.L_overlay_start_0:
0x88: {  	s2 =	sld [smem:$0x3FD9]  }
0x89: {  	s3 =	sld [smem:$0x3FFE];
	_ =	sdelay $0x1  }
0x8a: {  	s1 =	srdreg.scid  }
0x8b: {  	s0 =	sand.u32 $0x1, s1  }
0x8c: {  	s17 =	sshll.u32 s0, $0xA;
	s2 =	sadd.s32 s3, s2  }
0x8d: {  	s2 =	sadd.s32 s2, s17  }
0x8e: {  	[smem:$0x3FBE] =	sst s2  }
0x8f: {  	_ = 	snop  }
0x90: {  	s2 =	sld [smem:$0x3FD0];
	(tm) =	ssettm $0x1  }
0x91: {  	s18 =	sld [smem:$0x3FFB];
	_ =	sdelay $0x3  }
0x92: {  	_ =	strace s18  }
0x93: {  	s3 =	sld [smem:$0x3FFC];
	_ =	sdelay $0x3  }
0x94: {  	_ =	strace s3  }
0x95: {  	s3 =	sld [smem:$0x3FFD];
	_ =	sdelay $0x3  }
0x96: {  	_ =	strace s3  }
0x97: {  	_ =	strace $0x8FFFFFFF  }
0x98: {  	s19 =	sld [smem:$0x3FDB];
	_ =	sdelay $0x1  }
0x99: {  	s4 =	simm.s32 $_scs_section_size  }
0x9a: {  	s5 =	simm.s32 $_size__tile_overlayer_lowered;
	s6 =	simm.s32 $_tile_overlayer_lowered  }
0x9b: {  	s22 =	simm.s32 $0x1BFF;
	s21 =	sshll.u32 s6, $0x1;
	s3 =	sadd.s32 s4, s19  }
0x9c: {  	s7 =	simm.s32 $0x0;
	s20 =	sshll.u32 s5, $0x1;
	s5 =	sadd.s32 s21, s3  }
0x9d: {  	[timem:s7], [sflag:s22] =	dma.local [hbm:s5], s20  }
0x9e: {  	_ =	swait.ge [sflag:s22], s20  }
0x9f: {  	s4 =	ssub.s32 $0x0, s20;
	[sflag:s22] =	ssyncset.done $0x0  }
0xa0: {  	[sflag:s22] =	ssyncadd.s32 s4;
	_ =	sdelay $0x1  }
0xa1: {  	s23 =	simm.s32 $0x1B8B  }
0xa2: {  	_ =	swait.ge [sflag:s23], $0x1  }
0xa3: {  	[sflag:s23] =	ssyncset.done $0x0  }
0xa4: {  	s25 =	simm.s32 $0x1B8E;
	s24 =	sld [smem:$0x3FFE];
	[sflag:s23] =	ssyncadd.s32 $0xFFFFFFFF  }
0xa5: {  	s26 =	simm.s32 $execute0_lowered;
	[smem:$0x3FD2] =	sst s25  }
0xa6: {  	s5 =	sshll.u32 s26, $0x1;
	_ =	strace $0x80000046;
	[dreg:$0x1] =	wrdreg $0xFFFFFFFF  }
0xa7: {  	s28 =	simm.s32 $_size_execute0_lowered;
	s3 =	sadd.s32 s3, s5;
	[dreg:$0x0] =	wrdreg $0x0  }
0xa8: {  	s5 =	sshll.u32 s28, $0x1;
	[dreg:$0x2] =	wrdreg s3  }
0xa9: {  	[dreg:$0x3] =	wrdreg s5  }
0xaa: {  	[dreg:$0x4] =	wrdreg $0xC0  }
0xab: {  	_ =	task [dreg:s7], $0x5FFFF  }
0xac: {  	[dreg:$0x1] =	wrdreg $0xFFFFFFFF  }
0xad: {  	[dreg:$0x0] =	wrdreg $0x60  }
0xae: {  	[dreg:$0x2] =	wrdreg s24  }
0xaf: {  	[dreg:$0x3] =	wrdreg s2  }
0xb0: {  	[dreg:$0x4] =	wrdreg $0x9  }
0xb1: {  	_ =	task.clear_ibuf [dreg:s7], $0x5FFFF;
	_ =	strace $0x90000046  }
0xb2: {  	s29 =	simm.s32 $0x9;
	_ =	strace $0x80000048  }
0xb3: {  	_ =	swait.ge [sflag:s29], $0x1  }
0xb4: {  	[sflag:s29] =	ssyncadd.s32 $0xFFFFFFFF  }
0xb5: {  	_ =	strace $0x90000048  }
0xb6: {  	_ =	sfence  }
0xb7: {  	s30 =	sld [smem:$0x0];
	_ =	sdelay $0x2  }
0xb8: {  	s31 =	sshll.u32 s1, $0xD;
	s1 =	sshrl.u32 s1, $0x2  }
0xb9: {  	s3 =	sand.u32 $0x4000, s31;
	s1 =	sadd.s32 s1, s30  }
0xba: {  	s0 =	sor.u32 s3, s0;
	s1 =	sshll.u32 s1, $0x11  }
0xbb: {  	s0 =	sor.u32 s1, s0  }
0xbc: {  	s0 =	sadd.s32 $0x8F2B, s0  }
0xbd: {  	[sflag:s0] =	ssyncadd.remote.s32 $0x1  }
0xbe: {  	_ =	sfence.sel $0xFFFF  }
0xbf: {  	[dreg:$0x0] =	wrdreg $0xFFFFFFFF;
	(pc) =	sbr.abs _section_cstart, $3  }
0xc0: {  	[dreg:$0x1] =	wrdreg $0xFFFFFFFF  }
0xc1: {  	_ =	task.clear_ibuf [dreg:s7], $0x2FFFF;
	_ =	strace $0x9FFFFFFF  }
0xc2: {  	(tm) =	ssettm $0x7FFFFFFF  }
0xc3: {  	_ =	shalt  }
tec
execute0_lowered:
.L_overlay_start_1:
0x0: {  	(tag) =	ssettag $0x1  }
0x1: {  	v0 =	vimm.s32 $0x83828180;
	v2 =	vimm.s32 $0x76543210  }
0x2: {  	v1 =	vimm.s32 $0x87868584;
	vm0 =	vcmask $0x1F10;
	v2 =	vunpack.c.l.s4.s8 v2  }
0x3: {  	v3 =	vimm.s32 $0x187;
	v0 =	vunpack.c.0.s8.s32 v0;
	v1 =	vunpack.c.0.s8.s32 v1  }
0x4: {  	vm14 =	vcmask $0x300;
	vm13 =	vcmask $0x704;
	v2 =	vunpack.c.0.s8.s32 v2  }
0x5: {  	vm12 =	vcmask $0xB08;
	v3 =	vsel vm14, $0x100, v3;
	v0 =	vsel vm0, v1, v0  }
0x6: {  	s0 =	srdreg.scid;
	vm11 =	vcmask $0xF0C;
	v1 =	vsel vm13, $0x101, v3;
	v0 =	vcombine.low v2, v0  }
0x7: {  	vm10 =	vcmask $0x1310;
	vm9 =	vcmask $0x1714;
	s1 =	sand.u32 $0x1, s0;
	v1 =	vsel vm12, $0x102, v1  }
0x8: {  	vm8 =	vcmask $0x1B18;
	s0 =	sshll.u32 s1, $0x3;
	v1 =	vsel vm11, $0x103, v1;
	v0 =	vand.u32 $0xFF, v0  }
0x9: {  	vm7 =	vcmask $0x1F1C;
	v1 =	vsel vm10, $0x104, v1;
	v0 =	vor.u32 s0, v0  }
0xa: {  	vm2 =	vcmask $0x2320;
	[tilespmem:$0x1FF80] =	vst v0;
	v0 =	vsel vm9, $0x105, v1;
	v1 =	vimm.s32 $0x287  }
0xb: {  	vm1 =	vcmask $0x2B28;
	vm3 =	vcmask $0x2F2C;
	v1 =	vsel vm14, $0x200, v1  }
0xc: {  	vm4 =	vcmask $0x3330;
	vm5 =	vcmask $0x3734;
	v1 =	vsel vm13, $0x201, v1  }
0xd: {  	vm6 =	vcmask $0x3B38;
	v2 =	vimm.s32 $0x387;
	v1 =	vsel vm12, $0x202, v1  }
0xe: {  	vm0 =	vcmask $0x2724;
	v2 =	vsel vm14, $0x300, v2;
	v1 =	vsel vm11, $0x203, v1  }
0xf: {  	v2 =	vsel vm13, $0x301, v2;
	v0 =	vsel vm8, $0x106, v0;
	v1 =	vsel vm10, $0x204, v1  }
0x10: {  	v2 =	vsel vm12, $0x302, v2;
	v0 =	vsel vm7, $0x107, v0;
	v1 =	vsel vm9, $0x205, v1  }
0x11: {  	v2 =	vsel vm11, $0x303, v2;
	v0 =	vsel vm2, $0x180, v0;
	v1 =	vsel vm8, $0x206, v1  }
0x12: {  	v2 =	vsel vm10, $0x304, v2;
	v0 =	vsel vm0, $0x181, v0;
	v1 =	vsel vm7, $0x207, v1  }
0x13: {  	v2 =	vsel vm9, $0x305, v2;
	v0 =	vsel vm1, $0x182, v0;
	v1 =	vsel vm2, $0x280, v1  }
0x14: {  	v2 =	vsel vm8, $0x306, v2;
	v0 =	vsel vm3, $0x183, v0;
	v1 =	vsel vm0, $0x281, v1  }
0x15: {  	v2 =	vsel vm7, $0x307, v2;
	v0 =	vsel vm4, $0x184, v0;
	v1 =	vsel vm1, $0x282, v1  }
0x16: {  	v2 =	vsel vm2, $0x380, v2;
	v0 =	vsel vm5, $0x185, v0;
	v1 =	vsel vm3, $0x283, v1  }
0x17: {  	v2 =	vsel vm0, $0x381, v2;
	v0 =	vsel vm6, $0x186, v0;
	v1 =	vsel vm4, $0x284, v1  }
0x18: {  	v2 =	vsel vm1, $0x382, v2;
	v0 =	vor.u32 s0, v0;
	v1 =	vsel vm5, $0x285, v1  }
0x19: {  	v2 =	vsel vm3, $0x383, v2;
	[tilespmem:$0x1FF90] =	vst v0;
	v0 =	vsel vm6, $0x286, v1  }
0x1a: {  	v1 =	vsel vm4, $0x384, v2;
	v0 =	vor.u32 s0, v0  }
0x1b: {  	[tilespmem:$0x1FFA0] =	vst v0;
	v0 =	vsel vm5, $0x385, v1  }
0x1c: {  	v1 =	vimm.s32 $0x487;
	v0 =	vsel vm6, $0x386, v0  }
0x1d: {  	v1 =	vsel vm14, $0x400, v1;
	v0 =	vor.u32 s0, v0  }
0x1e: {  	v2 =	vimm.s32 $0x587;
	[tilespmem:$0x1FFB0] =	vst v0;
	v0 =	vsel vm13, $0x401, v1  }
0x1f: {  	v1 =	vsel vm14, $0x500, v2;
	v0 =	vsel vm12, $0x402, v0  }
0x20: {  	v1 =	vsel vm13, $0x501, v1;
	v0 =	vsel vm11, $0x403, v0  }
0x21: {  	v2 =	vimm.s32 $0x687;
	v1 =	vsel vm12, $0x502, v1;
	v0 =	vsel vm10, $0x404, v0  }
0x22: {  	v2 =	vsel vm14, $0x600, v2;
	v1 =	vsel vm11, $0x503, v1;
	v0 =	vsel vm9, $0x405, v0  }
0x23: {  	v2 =	vsel vm13, $0x601, v2;
	v1 =	vsel vm10, $0x504, v1;
	v0 =	vsel vm8, $0x406, v0  }
0x24: {  	v2 =	vsel vm12, $0x602, v2;
	v1 =	vsel vm9, $0x505, v1;
	v0 =	vsel vm7, $0x407, v0  }
0x25: {  	v2 =	vsel vm11, $0x603, v2;
	v1 =	vsel vm8, $0x506, v1;
	v0 =	vsel vm2, $0x480, v0  }
0x26: {  	v2 =	vsel vm10, $0x604, v2;
	v1 =	vsel vm7, $0x507, v1;
	v0 =	vsel vm0, $0x481, v0  }
0x27: {  	v2 =	vsel vm9, $0x605, v2;
	v1 =	vsel vm2, $0x580, v1;
	v0 =	vsel vm1, $0x482, v0  }
0x28: {  	v2 =	vsel vm8, $0x606, v2;
	v1 =	vsel vm0, $0x581, v1;
	v0 =	vsel vm3, $0x483, v0  }
0x29: {  	v2 =	vsel vm7, $0x607, v2;
	v1 =	vsel vm1, $0x582, v1;
	v0 =	vsel vm4, $0x484, v0  }
0x2a: {  	v2 =	vsel vm2, $0x680, v2;
	v1 =	vsel vm3, $0x583, v1;
	v0 =	vsel vm5, $0x485, v0  }
0x2b: {  	v2 =	vsel vm0, $0x681, v2;
	v1 =	vsel vm4, $0x584, v1;
	v0 =	vsel vm6, $0x486, v0  }
0x2c: {  	v2 =	vsel vm1, $0x682, v2;
	v1 =	vsel vm5, $0x585, v1;
	v0 =	vor.u32 s0, v0  }
0x2d: {  	v2 =	vsel vm3, $0x683, v2;
	[tilespmem:$0x1FFC0] =	vst v0;
	v0 =	vsel vm6, $0x586, v1  }
0x2e: {  	v1 =	vsel vm4, $0x684, v2;
	v0 =	vor.u32 s0, v0  }
0x2f: {  	[tilespmem:$0x1FFD0] =	vst v0;
	v0 =	vsel vm5, $0x685, v1  }
0x30: {  	v1 =	vimm.s32 $0x787;
	v0 =	vsel vm6, $0x686, v0  }
0x31: {  	v1 =	vsel vm14, $0x700, v1;
	v0 =	vor.u32 s0, v0  }
0x32: {  	v60 =	vimm.s32 $0x3F87;
	v2 =	vimm.s32 $0x887;
	[tilespmem:$0x1FFE0] =	vst v0;
	v0 =	vsel vm13, $0x701, v1  }
0x33: {  	v60 =	vsel vm14, $0x3F00, v60;
	v1 =	vsel vm14, $0x800, v2;
	v0 =	vsel vm12, $0x702, v0  }
0x34: {  	v2 =	vimm.s32 $0x987;
	v1 =	vsel vm13, $0x801, v1;
	v0 =	vsel vm11, $0x703, v0  }
0x35: {  	v2 =	vsel vm14, $0x900, v2;
	v1 =	vsel vm12, $0x802, v1;
	v0 =	vsel vm10, $0x704, v0  }
0x36: {  	v2 =	vsel vm13, $0x901, v2;
	v1 =	vsel vm11, $0x803, v1;
	v0 =	vsel vm9, $0x705, v0  }
0x37: {  	v2 =	vsel vm12, $0x902, v2;
	v1 =	vsel vm10, $0x804, v1;
	v0 =	vsel vm8, $0x706, v0  }
0x38: {  	v2 =	vsel vm11, $0x903, v2;
	v1 =	vsel vm9, $0x805, v1;
	v0 =	vsel vm7, $0x707, v0  }
0x39: {  	v2 =	vsel vm10, $0x904, v2;
	v1 =	vsel vm8, $0x806, v1;
	v0 =	vsel vm2, $0x780, v0  }
0x3a: {  	v2 =	vsel vm9, $0x905, v2;
	v1 =	vsel vm7, $0x807, v1;
	v0 =	vsel vm0, $0x781, v0  }
0x3b: {  	v2 =	vsel vm8, $0x906, v2;
	v1 =	vsel vm2, $0x880, v1;
	v0 =	vsel vm1, $0x782, v0  }
0x3c: {  	v2 =	vsel vm7, $0x907, v2;
	v1 =	vsel vm0, $0x881, v1;
	v0 =	vsel vm3, $0x783, v0  }
0x3d: {  	v2 =	vsel vm2, $0x980, v2;
	v1 =	vsel vm1, $0x882, v1;
	v0 =	vsel vm4, $0x784, v0  }
0x3e: {  	v2 =	vsel vm0, $0x981, v2;
	v1 =	vsel vm3, $0x883, v1;
	v0 =	vsel vm5, $0x785, v0  }
0x3f: {  	v2 =	vsel vm1, $0x982, v2;
	v1 =	vsel vm4, $0x884, v1;
	v0 =	vsel vm6, $0x786, v0  }
0x40: {  	v2 =	vsel vm3, $0x983, v2;
	v1 =	vsel vm5, $0x885, v1;
	v0 =	vor.u32 s0, v0  }
0x41: {  	v60 =	vsel vm13, $0x3F01, v60;
	[tilespmem:$0x1FFF0] =	vst v0;
	v0 =	vsel vm6, $0x886, v1;
	v1 =	vsel vm4, $0x984, v2  }
0x42: {  	v8 =	vor.u32 s0, v0;
	v0 =	vsel vm5, $0x985, v1;
	v1 =	vimm.s32 $0xA87  }
0x43: {  	v2 =	vimm.s32 $0xB87;
	v0 =	vsel vm6, $0x986, v0;
	v1 =	vsel vm14, $0xA00, v1  }
0x44: {  	v9 =	vor.u32 s0, v0;
	v0 =	vsel vm13, $0xA01, v1;
	v1 =	vsel vm14, $0xB00, v2  }
0x45: {  	v2 =	vimm.s32 $0xC87;
	v0 =	vsel vm12, $0xA02, v0;
	v1 =	vsel vm13, $0xB01, v1  }
0x46: {  	v2 =	vsel vm14, $0xC00, v2;
	v0 =	vsel vm11, $0xA03, v0;
	v1 =	vsel vm12, $0xB02, v1  }
0x47: {  	v2 =	vsel vm13, $0xC01, v2;
	v0 =	vsel vm10, $0xA04, v0;
	v1 =	vsel vm11, $0xB03, v1  }
0x48: {  	v2 =	vsel vm12, $0xC02, v2;
	v0 =	vsel vm9, $0xA05, v0;
	v1 =	vsel vm10, $0xB04, v1  }
0x49: {  	v2 =	vsel vm11, $0xC03, v2;
	v0 =	vsel vm8, $0xA06, v0;
	v1 =	vsel vm9, $0xB05, v1  }
0x4a: {  	v2 =	vsel vm10, $0xC04, v2;
	v0 =	vsel vm7, $0xA07, v0;
	v1 =	vsel vm8, $0xB06, v1  }
0x4b: {  	v2 =	vsel vm9, $0xC05, v2;
	v0 =	vsel vm2, $0xA80, v0;
	v1 =	vsel vm7, $0xB07, v1  }
0x4c: {  	v2 =	vsel vm8, $0xC06, v2;
	v0 =	vsel vm0, $0xA81, v0;
	v1 =	vsel vm2, $0xB80, v1  }
0x4d: {  	v2 =	vsel vm7, $0xC07, v2;
	v0 =	vsel vm1, $0xA82, v0;
	v1 =	vsel vm0, $0xB81, v1  }
0x4e: {  	v2 =	vsel vm2, $0xC80, v2;
	v0 =	vsel vm3, $0xA83, v0;
	v1 =	vsel vm1, $0xB82, v1  }
0x4f: {  	v2 =	vsel vm0, $0xC81, v2;
	v0 =	vsel vm4, $0xA84, v0;
	v1 =	vsel vm3, $0xB83, v1  }
0x50: {  	v2 =	vsel vm1, $0xC82, v2;
	v0 =	vsel vm5, $0xA85, v0;
	v1 =	vsel vm4, $0xB84, v1  }
0x51: {  	v2 =	vsel vm3, $0xC83, v2;
	v0 =	vsel vm6, $0xA86, v0;
	v1 =	vsel vm5, $0xB85, v1  }
0x52: {  	v10 =	vor.u32 s0, v0;
	v0 =	vsel vm6, $0xB86, v1;
	v1 =	vsel vm4, $0xC84, v2  }
0x53: {  	v11 =	vor.u32 s0, v0;
	v0 =	vsel vm5, $0xC85, v1;
	v1 =	vimm.s32 $0xD87  }
0x54: {  	v2 =	vimm.s32 $0xE87;
	v0 =	vsel vm6, $0xC86, v0;
	v1 =	vsel vm14, $0xD00, v1  }
0x55: {  	v12 =	vor.u32 s0, v0;
	v0 =	vsel vm13, $0xD01, v1;
	v1 =	vsel vm14, $0xE00, v2  }
0x56: {  	v2 =	vimm.s32 $0xF87;
	v0 =	vsel vm12, $0xD02, v0;
	v1 =	vsel vm13, $0xE01, v1  }
0x57: {  	v2 =	vsel vm14, $0xF00, v2;
	v0 =	vsel vm11, $0xD03, v0;
	v1 =	vsel vm12, $0xE02, v1  }
0x58: {  	v2 =	vsel vm13, $0xF01, v2;
	v0 =	vsel vm10, $0xD04, v0;
	v1 =	vsel vm11, $0xE03, v1  }
0x59: {  	v2 =	vsel vm12, $0xF02, v2;
	v0 =	vsel vm9, $0xD05, v0;
	v1 =	vsel vm10, $0xE04, v1  }
0x5a: {  	v2 =	vsel vm11, $0xF03, v2;
	v0 =	vsel vm8, $0xD06, v0;
	v1 =	vsel vm9, $0xE05, v1  }
0x5b: {  	v2 =	vsel vm10, $0xF04, v2;
	v0 =	vsel vm7, $0xD07, v0;
	v1 =	vsel vm8, $0xE06, v1  }
0x5c: {  	v2 =	vsel vm9, $0xF05, v2;
	v0 =	vsel vm2, $0xD80, v0;
	v1 =	vsel vm7, $0xE07, v1  }
0x5d: {  	v2 =	vsel vm8, $0xF06, v2;
	v0 =	vsel vm0, $0xD81, v0;
	v1 =	vsel vm2, $0xE80, v1  }
0x5e: {  	v2 =	vsel vm7, $0xF07, v2;
	v0 =	vsel vm1, $0xD82, v0;
	v1 =	vsel vm0, $0xE81, v1  }
0x5f: {  	v2 =	vsel vm2, $0xF80, v2;
	v0 =	vsel vm3, $0xD83, v0;
	v1 =	vsel vm1, $0xE82, v1  }
0x60: {  	v2 =	vsel vm0, $0xF81, v2;
	v0 =	vsel vm4, $0xD84, v0;
	v1 =	vsel vm3, $0xE83, v1  }
0x61: {  	v2 =	vsel vm1, $0xF82, v2;
	v0 =	vsel vm5, $0xD85, v0;
	v1 =	vsel vm4, $0xE84, v1  }
0x62: {  	v2 =	vsel vm3, $0xF83, v2;
	v0 =	vsel vm6, $0xD86, v0;
	v1 =	vsel vm5, $0xE85, v1  }
0x63: {  	v13 =	vor.u32 s0, v0;
	v0 =	vsel vm6, $0xE86, v1;
	v1 =	vsel vm4, $0xF84, v2  }
0x64: {  	v14 =	vor.u32 s0, v0;
	v0 =	vsel vm5, $0xF85, v1;
	v1 =	vimm.s32 $0x1087  }
0x65: {  	v2 =	vimm.s32 $0x1187;
	v0 =	vsel vm6, $0xF86, v0;
	v1 =	vsel vm14, $0x1000, v1  }
0x66: {  	v15 =	vor.u32 s0, v0;
	v0 =	vsel vm13, $0x1001, v1;
	v1 =	vsel vm14, $0x1100, v2  }
0x67: {  	v2 =	vimm.s32 $0x1287;
	v0 =	vsel vm12, $0x1002, v0;
	v1 =	vsel vm13, $0x1101, v1  }
0x68: {  	v2 =	vsel vm14, $0x1200, v2;
	v0 =	vsel vm11, $0x1003, v0;
	v1 =	vsel vm12, $0x1102, v1  }
0x69: {  	v2 =	vsel vm13, $0x1201, v2;
	v0 =	vsel vm10, $0x1004, v0;
	v1 =	vsel vm11, $0x1103, v1  }
0x6a: {  	v2 =	vsel vm12, $0x1202, v2;
	v0 =	vsel vm9, $0x1005, v0;
	v1 =	vsel vm10, $0x1104, v1  }
0x6b: {  	v2 =	vsel vm11, $0x1203, v2;
	v0 =	vsel vm8, $0x1006, v0;
	v1 =	vsel vm9, $0x1105, v1  }
0x6c: {  	v2 =	vsel vm10, $0x1204, v2;
	v0 =	vsel vm7, $0x1007, v0;
	v1 =	vsel vm8, $0x1106, v1  }
0x6d: {  	v2 =	vsel vm9, $0x1205, v2;
	v0 =	vsel vm2, $0x1080, v0;
	v1 =	vsel vm7, $0x1107, v1  }
0x6e: {  	v2 =	vsel vm8, $0x1206, v2;
	v0 =	vsel vm0, $0x1081, v0;
	v1 =	vsel vm2, $0x1180, v1  }
0x6f: {  	v2 =	vsel vm7, $0x1207, v2;
	v0 =	vsel vm1, $0x1082, v0;
	v1 =	vsel vm0, $0x1181, v1  }
0x70: {  	v2 =	vsel vm2, $0x1280, v2;
	v0 =	vsel vm3, $0x1083, v0;
	v1 =	vsel vm1, $0x1182, v1  }
0x71: {  	v2 =	vsel vm0, $0x1281, v2;
	v0 =	vsel vm4, $0x1084, v0;
	v1 =	vsel vm3, $0x1183, v1  }
0x72: {  	v2 =	vsel vm1, $0x1282, v2;
	v0 =	vsel vm5, $0x1085, v0;
	v1 =	vsel vm4, $0x1184, v1  }
0x73: {  	v2 =	vsel vm3, $0x1283, v2;
	v0 =	vsel vm6, $0x1086, v0;
	v1 =	vsel vm5, $0x1185, v1  }
0x74: {  	v16 =	vor.u32 s0, v0;
	v0 =	vsel vm6, $0x1186, v1;
	v1 =	vsel vm4, $0x1284, v2  }
0x75: {  	v17 =	vor.u32 s0, v0;
	v0 =	vsel vm5, $0x1285, v1;
	v1 =	vimm.s32 $0x1387  }
0x76: {  	v2 =	vimm.s32 $0x1487;
	v0 =	vsel vm6, $0x1286, v0;
	v1 =	vsel vm14, $0x1300, v1  }
0x77: {  	v18 =	vor.u32 s0, v0;
	v0 =	vsel vm13, $0x1301, v1;
	v1 =	vsel vm14, $0x1400, v2  }
0x78: {  	v2 =	vimm.s32 $0x1587;
	v0 =	vsel vm12, $0x1302, v0;
	v1 =	vsel vm13, $0x1401, v1  }
0x79: {  	v2 =	vsel vm14, $0x1500, v2;
	v0 =	vsel vm11, $0x1303, v0;
	v1 =	vsel vm12, $0x1402, v1  }
0x7a: {  	v2 =	vsel vm13, $0x1501, v2;
	v0 =	vsel vm10, $0x1304, v0;
	v1 =	vsel vm11, $0x1403, v1  }
0x7b: {  	v2 =	vsel vm12, $0x1502, v2;
	v0 =	vsel vm9, $0x1305, v0;
	v1 =	vsel vm10, $0x1404, v1  }
0x7c: {  	v2 =	vsel vm11, $0x1503, v2;
	v0 =	vsel vm8, $0x1306, v0;
	v1 =	vsel vm9, $0x1405, v1  }
0x7d: {  	v2 =	vsel vm10, $0x1504, v2;
	v0 =	vsel vm7, $0x1307, v0;
	v1 =	vsel vm8, $0x1406, v1  }
0x7e: {  	v2 =	vsel vm9, $0x1505, v2;
	v0 =	vsel vm2, $0x1380, v0;
	v1 =	vsel vm7, $0x1407, v1  }
0x7f: {  	v2 =	vsel vm8, $0x1506, v2;
	v0 =	vsel vm0, $0x1381, v0;
	v1 =	vsel vm2, $0x1480, v1  }
0x80: {  	v2 =	vsel vm7, $0x1507, v2;
	v0 =	vsel vm1, $0x1382, v0;
	v1 =	vsel vm0, $0x1481, v1  }
0x81: {  	v2 =	vsel vm2, $0x1580, v2;
	v0 =	vsel vm3, $0x1383, v0;
	v1 =	vsel vm1, $0x1482, v1  }
0x82: {  	v2 =	vsel vm0, $0x1581, v2;
	v0 =	vsel vm4, $0x1384, v0;
	v1 =	vsel vm3, $0x1483, v1  }
0x83: {  	v2 =	vsel vm1, $0x1582, v2;
	v0 =	vsel vm5, $0x1385, v0;
	v1 =	vsel vm4, $0x1484, v1  }
0x84: {  	v2 =	vsel vm3, $0x1583, v2;
	v0 =	vsel vm6, $0x1386, v0;
	v1 =	vsel vm5, $0x1485, v1  }
0x85: {  	v19 =	vor.u32 s0, v0;
	v0 =	vsel vm6, $0x1486, v1;
	v1 =	vsel vm4, $0x1584, v2  }
0x86: {  	v20 =	vor.u32 s0, v0;
	v0 =	vsel vm5, $0x1585, v1;
	v1 =	vimm.s32 $0x1687  }
0x87: {  	v2 =	vimm.s32 $0x1787;
	v0 =	vsel vm6, $0x1586, v0;
	v1 =	vsel vm14, $0x1600, v1  }
0x88: {  	v21 =	vor.u32 s0, v0;
	v0 =	vsel vm13, $0x1601, v1;
	v1 =	vsel vm14, $0x1700, v2  }
0x89: {  	v2 =	vimm.s32 $0x1887;
	v0 =	vsel vm12, $0x1602, v0;
	v1 =	vsel vm13, $0x1701, v1  }
0x8a: {  	v2 =	vsel vm14, $0x1800, v2;
	v0 =	vsel vm11, $0x1603, v0;
	v1 =	vsel vm12, $0x1702, v1  }
0x8b: {  	v2 =	vsel vm13, $0x1801, v2;
	v0 =	vsel vm10, $0x1604, v0;
	v1 =	vsel vm11, $0x1703, v1  }
0x8c: {  	v2 =	vsel vm12, $0x1802, v2;
	v0 =	vsel vm9, $0x1605, v0;
	v1 =	vsel vm10, $0x1704, v1  }
0x8d: {  	v2 =	vsel vm11, $0x1803, v2;
	v0 =	vsel vm8, $0x1606, v0;
	v1 =	vsel vm9, $0x1705, v1  }
0x8e: {  	v2 =	vsel vm10, $0x1804, v2;
	v0 =	vsel vm7, $0x1607, v0;
	v1 =	vsel vm8, $0x1706, v1  }
0x8f: {  	v2 =	vsel vm9, $0x1805, v2;
	v0 =	vsel vm2, $0x1680, v0;
	v1 =	vsel vm7, $0x1707, v1  }
0x90: {  	v2 =	vsel vm8, $0x1806, v2;
	v0 =	vsel vm0, $0x1681, v0;
	v1 =	vsel vm2, $0x1780, v1  }
0x91: {  	v2 =	vsel vm7, $0x1807, v2;
	v0 =	vsel vm1, $0x1682, v0;
	v1 =	vsel vm0, $0x1781, v1  }
0x92: {  	v2 =	vsel vm2, $0x1880, v2;
	v0 =	vsel vm3, $0x1683, v0;
	v1 =	vsel vm1, $0x1782, v1  }
0x93: {  	v2 =	vsel vm0, $0x1881, v2;
	v0 =	vsel vm4, $0x1684, v0;
	v1 =	vsel vm3, $0x1783, v1  }
0x94: {  	v2 =	vsel vm1, $0x1882, v2;
	v0 =	vsel vm5, $0x1685, v0;
	v1 =	vsel vm4, $0x1784, v1  }
0x95: {  	v2 =	vsel vm3, $0x1883, v2;
	v0 =	vsel vm6, $0x1686, v0;
	v1 =	vsel vm5, $0x1785, v1  }
0x96: {  	v22 =	vor.u32 s0, v0;
	v0 =	vsel vm6, $0x1786, v1;
	v1 =	vsel vm4, $0x1884, v2  }
0x97: {  	v23 =	vor.u32 s0, v0;
	v0 =	vsel vm5, $0x1885, v1;
	v1 =	vimm.s32 $0x1987  }
0x98: {  	v2 =	vimm.s32 $0x1A87;
	v0 =	vsel vm6, $0x1886, v0;
	v1 =	vsel vm14, $0x1900, v1  }
0x99: {  	v24 =	vor.u32 s0, v0;
	v0 =	vsel vm13, $0x1901, v1;
	v1 =	vsel vm14, $0x1A00, v2  }
0x9a: {  	v2 =	vimm.s32 $0x1B87;
	v0 =	vsel vm12, $0x1902, v0;
	v1 =	vsel vm13, $0x1A01, v1  }
0x9b: {  	v2 =	vsel vm14, $0x1B00, v2;
	v0 =	vsel vm11, $0x1903, v0;
	v1 =	vsel vm12, $0x1A02, v1  }
0x9c: {  	v2 =	vsel vm13, $0x1B01, v2;
	v0 =	vsel vm10, $0x1904, v0;
	v1 =	vsel vm11, $0x1A03, v1  }
0x9d: {  	v2 =	vsel vm12, $0x1B02, v2;
	v0 =	vsel vm9, $0x1905, v0;
	v1 =	vsel vm10, $0x1A04, v1  }
0x9e: {  	v2 =	vsel vm11, $0x1B03, v2;
	v0 =	vsel vm8, $0x1906, v0;
	v1 =	vsel vm9, $0x1A05, v1  }
0x9f: {  	v2 =	vsel vm10, $0x1B04, v2;
	v0 =	vsel vm7, $0x1907, v0;
	v1 =	vsel vm8, $0x1A06, v1  }
0xa0: {  	v2 =	vsel vm9, $0x1B05, v2;
	v0 =	vsel vm2, $0x1980, v0;
	v1 =	vsel vm7, $0x1A07, v1  }
0xa1: {  	v2 =	vsel vm8, $0x1B06, v2;
	v0 =	vsel vm0, $0x1981, v0;
	v1 =	vsel vm2, $0x1A80, v1  }
0xa2: {  	v2 =	vsel vm7, $0x1B07, v2;
	v0 =	vsel vm1, $0x1982, v0;
	v1 =	vsel vm0, $0x1A81, v1  }
0xa3: {  	v2 =	vsel vm2, $0x1B80, v2;
	v0 =	vsel vm3, $0x1983, v0;
	v1 =	vsel vm1, $0x1A82, v1  }
0xa4: {  	v2 =	vsel vm0, $0x1B81, v2;
	v0 =	vsel vm4, $0x1984, v0;
	v1 =	vsel vm3, $0x1A83, v1  }
0xa5: {  	v2 =	vsel vm1, $0x1B82, v2;
	v0 =	vsel vm5, $0x1985, v0;
	v1 =	vsel vm4, $0x1A84, v1  }
0xa6: {  	v2 =	vsel vm3, $0x1B83, v2;
	v0 =	vsel vm6, $0x1986, v0;
	v1 =	vsel vm5, $0x1A85, v1  }
0xa7: {  	v25 =	vor.u32 s0, v0;
	v0 =	vsel vm6, $0x1A86, v1;
	v1 =	vsel vm4, $0x1B84, v2  }
0xa8: {  	v26 =	vor.u32 s0, v0;
	v0 =	vsel vm5, $0x1B85, v1;
	v1 =	vimm.s32 $0x1C87  }
0xa9: {  	v2 =	vimm.s32 $0x1D87;
	v0 =	vsel vm6, $0x1B86, v0;
	v1 =	vsel vm14, $0x1C00, v1  }
0xaa: {  	v27 =	vor.u32 s0, v0;
	v0 =	vsel vm13, $0x1C01, v1;
	v1 =	vsel vm14, $0x1D00, v2  }
0xab: {  	v2 =	vimm.s32 $0x1E87;
	v0 =	vsel vm12, $0x1C02, v0;
	v1 =	vsel vm13, $0x1D01, v1  }
0xac: {  	v2 =	vsel vm14, $0x1E00, v2;
	v0 =	vsel vm11, $0x1C03, v0;
	v1 =	vsel vm12, $0x1D02, v1  }
0xad: {  	v2 =	vsel vm13, $0x1E01, v2;
	v0 =	vsel vm10, $0x1C04, v0;
	v1 =	vsel vm11, $0x1D03, v1  }
0xae: {  	v2 =	vsel vm12, $0x1E02, v2;
	v0 =	vsel vm9, $0x1C05, v0;
	v1 =	vsel vm10, $0x1D04, v1  }
0xaf: {  	v2 =	vsel vm11, $0x1E03, v2;
	v0 =	vsel vm8, $0x1C06, v0;
	v1 =	vsel vm9, $0x1D05, v1  }
0xb0: {  	v2 =	vsel vm10, $0x1E04, v2;
	v0 =	vsel vm7, $0x1C07, v0;
	v1 =	vsel vm8, $0x1D06, v1  }
0xb1: {  	v2 =	vsel vm9, $0x1E05, v2;
	v0 =	vsel vm2, $0x1C80, v0;
	v1 =	vsel vm7, $0x1D07, v1  }
0xb2: {  	v2 =	vsel vm8, $0x1E06, v2;
	v0 =	vsel vm0, $0x1C81, v0;
	v1 =	vsel vm2, $0x1D80, v1  }
0xb3: {  	v2 =	vsel vm7, $0x1E07, v2;
	v0 =	vsel vm1, $0x1C82, v0;
	v1 =	vsel vm0, $0x1D81, v1  }
0xb4: {  	v2 =	vsel vm2, $0x1E80, v2;
	v0 =	vsel vm3, $0x1C83, v0;
	v1 =	vsel vm1, $0x1D82, v1  }
0xb5: {  	v2 =	vsel vm0, $0x1E81, v2;
	v0 =	vsel vm4, $0x1C84, v0;
	v1 =	vsel vm3, $0x1D83, v1  }
0xb6: {  	v2 =	vsel vm1, $0x1E82, v2;
	v0 =	vsel vm5, $0x1C85, v0;
	v1 =	vsel vm4, $0x1D84, v1  }
0xb7: {  	v2 =	vsel vm3, $0x1E83, v2;
	v0 =	vsel vm6, $0x1C86, v0;
	v1 =	vsel vm5, $0x1D85, v1  }
0xb8: {  	v28 =	vor.u32 s0, v0;
	v0 =	vsel vm6, $0x1D86, v1;
	v1 =	vsel vm4, $0x1E84, v2  }
0xb9: {  	v29 =	vor.u32 s0, v0;
	v0 =	vsel vm5, $0x1E85, v1;
	v1 =	vimm.s32 $0x1F87  }
0xba: {  	v2 =	vimm.s32 $0x2087;
	v0 =	vsel vm6, $0x1E86, v0;
	v1 =	vsel vm14, $0x1F00, v1  }
0xbb: {  	v30 =	vor.u32 s0, v0;
	v0 =	vsel vm13, $0x1F01, v1;
	v1 =	vsel vm14, $0x2000, v2  }
0xbc: {  	v2 =	vimm.s32 $0x2187;
	v0 =	vsel vm12, $0x1F02, v0;
	v1 =	vsel vm13, $0x2001, v1  }
0xbd: {  	v2 =	vsel vm14, $0x2100, v2;
	v0 =	vsel vm11, $0x1F03, v0;
	v1 =	vsel vm12, $0x2002, v1  }
0xbe: {  	v2 =	vsel vm13, $0x2101, v2;
	v0 =	vsel vm10, $0x1F04, v0;
	v1 =	vsel vm11, $0x2003, v1  }
0xbf: {  	v2 =	vsel vm12, $0x2102, v2;
	v0 =	vsel vm9, $0x1F05, v0;
	v1 =	vsel vm10, $0x2004, v1  }
0xc0: {  	v2 =	vsel vm11, $0x2103, v2;
	v0 =	vsel vm8, $0x1F06, v0;
	v1 =	vsel vm9, $0x2005, v1  }
0xc1: {  	v2 =	vsel vm10, $0x2104, v2;
	v0 =	vsel vm7, $0x1F07, v0;
	v1 =	vsel vm8, $0x2006, v1  }
0xc2: {  	v2 =	vsel vm9, $0x2105, v2;
	v0 =	vsel vm2, $0x1F80, v0;
	v1 =	vsel vm7, $0x2007, v1  }
0xc3: {  	v2 =	vsel vm8, $0x2106, v2;
	v0 =	vsel vm0, $0x1F81, v0;
	v1 =	vsel vm2, $0x2080, v1  }
0xc4: {  	v2 =	vsel vm7, $0x2107, v2;
	v0 =	vsel vm1, $0x1F82, v0;
	v1 =	vsel vm0, $0x2081, v1  }
0xc5: {  	v2 =	vsel vm2, $0x2180, v2;
	v0 =	vsel vm3, $0x1F83, v0;
	v1 =	vsel vm1, $0x2082, v1  }
0xc6: {  	v2 =	vsel vm0, $0x2181, v2;
	v0 =	vsel vm4, $0x1F84, v0;
	v1 =	vsel vm3, $0x2083, v1  }
0xc7: {  	v2 =	vsel vm1, $0x2182, v2;
	v0 =	vsel vm5, $0x1F85, v0;
	v1 =	vsel vm4, $0x2084, v1  }
0xc8: {  	v2 =	vsel vm3, $0x2183, v2;
	v0 =	vsel vm6, $0x1F86, v0;
	v1 =	vsel vm5, $0x2085, v1  }
0xc9: {  	v31 =	vor.u32 s0, v0;
	v0 =	vsel vm6, $0x2086, v1;
	v1 =	vsel vm4, $0x2184, v2  }
0xca: {  	v32 =	vor.u32 s0, v0;
	v0 =	vsel vm5, $0x2185, v1;
	v1 =	vimm.s32 $0x2287  }
0xcb: {  	v2 =	vimm.s32 $0x2387;
	v0 =	vsel vm6, $0x2186, v0;
	v1 =	vsel vm14, $0x2200, v1  }
0xcc: {  	v33 =	vor.u32 s0, v0;
	v0 =	vsel vm13, $0x2201, v1;
	v1 =	vsel vm14, $0x2300, v2  }
0xcd: {  	v2 =	vimm.s32 $0x2487;
	v0 =	vsel vm12, $0x2202, v0;
	v1 =	vsel vm13, $0x2301, v1  }
0xce: {  	v2 =	vsel vm14, $0x2400, v2;
	v0 =	vsel vm11, $0x2203, v0;
	v1 =	vsel vm12, $0x2302, v1  }
0xcf: {  	v2 =	vsel vm13, $0x2401, v2;
	v0 =	vsel vm10, $0x2204, v0;
	v1 =	vsel vm11, $0x2303, v1  }
0xd0: {  	v2 =	vsel vm12, $0x2402, v2;
	v0 =	vsel vm9, $0x2205, v0;
	v1 =	vsel vm10, $0x2304, v1  }
0xd1: {  	v2 =	vsel vm11, $0x2403, v2;
	v0 =	vsel vm8, $0x2206, v0;
	v1 =	vsel vm9, $0x2305, v1  }
0xd2: {  	v2 =	vsel vm10, $0x2404, v2;
	v0 =	vsel vm7, $0x2207, v0;
	v1 =	vsel vm8, $0x2306, v1  }
0xd3: {  	v2 =	vsel vm9, $0x2405, v2;
	v0 =	vsel vm2, $0x2280, v0;
	v1 =	vsel vm7, $0x2307, v1  }
0xd4: {  	v2 =	vsel vm8, $0x2406, v2;
	v0 =	vsel vm0, $0x2281, v0;
	v1 =	vsel vm2, $0x2380, v1  }
0xd5: {  	v2 =	vsel vm7, $0x2407, v2;
	v0 =	vsel vm1, $0x2282, v0;
	v1 =	vsel vm0, $0x2381, v1  }
0xd6: {  	v2 =	vsel vm2, $0x2480, v2;
	v0 =	vsel vm3, $0x2283, v0;
	v1 =	vsel vm1, $0x2382, v1  }
0xd7: {  	v2 =	vsel vm0, $0x2481, v2;
	v0 =	vsel vm4, $0x2284, v0;
	v1 =	vsel vm3, $0x2383, v1  }
0xd8: {  	v2 =	vsel vm1, $0x2482, v2;
	v0 =	vsel vm5, $0x2285, v0;
	v1 =	vsel vm4, $0x2384, v1  }
0xd9: {  	v2 =	vsel vm3, $0x2483, v2;
	v0 =	vsel vm6, $0x2286, v0;
	v1 =	vsel vm5, $0x2385, v1  }
0xda: {  	v34 =	vor.u32 s0, v0;
	v0 =	vsel vm6, $0x2386, v1;
	v1 =	vsel vm4, $0x2484, v2  }
0xdb: {  	v35 =	vor.u32 s0, v0;
	v0 =	vsel vm5, $0x2485, v1;
	v1 =	vimm.s32 $0x2587  }
0xdc: {  	v2 =	vimm.s32 $0x2687;
	v0 =	vsel vm6, $0x2486, v0;
	v1 =	vsel vm14, $0x2500, v1  }
0xdd: {  	v36 =	vor.u32 s0, v0;
	v0 =	vsel vm13, $0x2501, v1;
	v1 =	vsel vm14, $0x2600, v2  }
0xde: {  	v2 =	vimm.s32 $0x2787;
	v0 =	vsel vm12, $0x2502, v0;
	v1 =	vsel vm13, $0x2601, v1  }
0xdf: {  	v2 =	vsel vm14, $0x2700, v2;
	v0 =	vsel vm11, $0x2503, v0;
	v1 =	vsel vm12, $0x2602, v1  }
0xe0: {  	v2 =	vsel vm13, $0x2701, v2;
	v0 =	vsel vm10, $0x2504, v0;
	v1 =	vsel vm11, $0x2603, v1  }
0xe1: {  	v2 =	vsel vm12, $0x2702, v2;
	v0 =	vsel vm9, $0x2505, v0;
	v1 =	vsel vm10, $0x2604, v1  }
0xe2: {  	v2 =	vsel vm11, $0x2703, v2;
	v0 =	vsel vm8, $0x2506, v0;
	v1 =	vsel vm9, $0x2605, v1  }
0xe3: {  	v2 =	vsel vm10, $0x2704, v2;
	v0 =	vsel vm7, $0x2507, v0;
	v1 =	vsel vm8, $0x2606, v1  }
0xe4: {  	v2 =	vsel vm9, $0x2705, v2;
	v0 =	vsel vm2, $0x2580, v0;
	v1 =	vsel vm7, $0x2607, v1  }
0xe5: {  	v2 =	vsel vm8, $0x2706, v2;
	v0 =	vsel vm0, $0x2581, v0;
	v1 =	vsel vm2, $0x2680, v1  }
0xe6: {  	v2 =	vsel vm7, $0x2707, v2;
	v0 =	vsel vm1, $0x2582, v0;
	v1 =	vsel vm0, $0x2681, v1  }
0xe7: {  	v2 =	vsel vm2, $0x2780, v2;
	v0 =	vsel vm3, $0x2583, v0;
	v1 =	vsel vm1, $0x2682, v1  }
0xe8: {  	v2 =	vsel vm0, $0x2781, v2;
	v0 =	vsel vm4, $0x2584, v0;
	v1 =	vsel vm3, $0x2683, v1  }
0xe9: {  	v2 =	vsel vm1, $0x2782, v2;
	v0 =	vsel vm5, $0x2585, v0;
	v1 =	vsel vm4, $0x2684, v1  }
0xea: {  	v2 =	vsel vm3, $0x2783, v2;
	v0 =	vsel vm6, $0x2586, v0;
	v1 =	vsel vm5, $0x2685, v1  }
0xeb: {  	v37 =	vor.u32 s0, v0;
	v0 =	vsel vm6, $0x2686, v1;
	v1 =	vsel vm4, $0x2784, v2  }
0xec: {  	v38 =	vor.u32 s0, v0;
	v0 =	vsel vm5, $0x2785, v1;
	v1 =	vimm.s32 $0x2887  }
0xed: {  	v2 =	vimm.s32 $0x2987;
	v0 =	vsel vm6, $0x2786, v0;
	v1 =	vsel vm14, $0x2800, v1  }
0xee: {  	v39 =	vor.u32 s0, v0;
	v0 =	vsel vm13, $0x2801, v1;
	v1 =	vsel vm14, $0x2900, v2  }
0xef: {  	v2 =	vimm.s32 $0x2A87;
	v0 =	vsel vm12, $0x2802, v0;
	v1 =	vsel vm13, $0x2901, v1  }
0xf0: {  	v2 =	vsel vm14, $0x2A00, v2;
	v0 =	vsel vm11, $0x2803, v0;
	v1 =	vsel vm12, $0x2902, v1  }
0xf1: {  	v2 =	vsel vm13, $0x2A01, v2;
	v0 =	vsel vm10, $0x2804, v0;
	v1 =	vsel vm11, $0x2903, v1  }
0xf2: {  	v2 =	vsel vm12, $0x2A02, v2;
	v0 =	vsel vm9, $0x2805, v0;
	v1 =	vsel vm10, $0x2904, v1  }
0xf3: {  	v2 =	vsel vm11, $0x2A03, v2;
	v0 =	vsel vm8, $0x2806, v0;
	v1 =	vsel vm9, $0x2905, v1  }
0xf4: {  	v2 =	vsel vm10, $0x2A04, v2;
	v0 =	vsel vm7, $0x2807, v0;
	v1 =	vsel vm8, $0x2906, v1  }
0xf5: {  	v2 =	vsel vm9, $0x2A05, v2;
	v0 =	vsel vm2, $0x2880, v0;
	v1 =	vsel vm7, $0x2907, v1  }
0xf6: {  	v2 =	vsel vm8, $0x2A06, v2;
	v0 =	vsel vm0, $0x2881, v0;
	v1 =	vsel vm2, $0x2980, v1  }
0xf7: {  	v2 =	vsel vm7, $0x2A07, v2;
	v0 =	vsel vm1, $0x2882, v0;
	v1 =	vsel vm0, $0x2981, v1  }
0xf8: {  	v2 =	vsel vm2, $0x2A80, v2;
	v0 =	vsel vm3, $0x2883, v0;
	v1 =	vsel vm1, $0x2982, v1  }
0xf9: {  	v2 =	vsel vm0, $0x2A81, v2;
	v0 =	vsel vm4, $0x2884, v0;
	v1 =	vsel vm3, $0x2983, v1  }
0xfa: {  	v2 =	vsel vm1, $0x2A82, v2;
	v0 =	vsel vm5, $0x2885, v0;
	v1 =	vsel vm4, $0x2984, v1  }
0xfb: {  	v2 =	vsel vm3, $0x2A83, v2;
	v0 =	vsel vm6, $0x2886, v0;
	v1 =	vsel vm5, $0x2985, v1  }
0xfc: {  	v40 =	vor.u32 s0, v0;
	v0 =	vsel vm6, $0x2986, v1;
	v1 =	vsel vm4, $0x2A84, v2  }
0xfd: {  	v41 =	vor.u32 s0, v0;
	v0 =	vsel vm5, $0x2A85, v1;
	v1 =	vimm.s32 $0x2B87  }
0xfe: {  	v2 =	vimm.s32 $0x2C87;
	v0 =	vsel vm6, $0x2A86, v0;
	v1 =	vsel vm14, $0x2B00, v1  }
0xff: {  	v42 =	vor.u32 s0, v0;
	v0 =	vsel vm13, $0x2B01, v1;
	v1 =	vsel vm14, $0x2C00, v2  }
0x100: {  	v2 =	vimm.s32 $0x2D87;
	v0 =	vsel vm12, $0x2B02, v0;
	v1 =	vsel vm13, $0x2C01, v1  }
0x101: {  	v2 =	vsel vm14, $0x2D00, v2;
	v0 =	vsel vm11, $0x2B03, v0;
	v1 =	vsel vm12, $0x2C02, v1  }
0x102: {  	v2 =	vsel vm13, $0x2D01, v2;
	v0 =	vsel vm10, $0x2B04, v0;
	v1 =	vsel vm11, $0x2C03, v1  }
0x103: {  	v2 =	vsel vm12, $0x2D02, v2;
	v0 =	vsel vm9, $0x2B05, v0;
	v1 =	vsel vm10, $0x2C04, v1  }
0x104: {  	v2 =	vsel vm11, $0x2D03, v2;
	v0 =	vsel vm8, $0x2B06, v0;
	v1 =	vsel vm9, $0x2C05, v1  }
0x105: {  	v2 =	vsel vm10, $0x2D04, v2;
	v0 =	vsel vm7, $0x2B07, v0;
	v1 =	vsel vm8, $0x2C06, v1  }
0x106: {  	v2 =	vsel vm9, $0x2D05, v2;
	v0 =	vsel vm2, $0x2B80, v0;
	v1 =	vsel vm7, $0x2C07, v1  }
0x107: {  	v2 =	vsel vm8, $0x2D06, v2;
	v0 =	vsel vm0, $0x2B81, v0;
	v1 =	vsel vm2, $0x2C80, v1  }
0x108: {  	v2 =	vsel vm7, $0x2D07, v2;
	v0 =	vsel vm1, $0x2B82, v0;
	v1 =	vsel vm0, $0x2C81, v1  }
0x109: {  	v2 =	vsel vm2, $0x2D80, v2;
	v0 =	vsel vm3, $0x2B83, v0;
	v1 =	vsel vm1, $0x2C82, v1  }
0x10a: {  	v2 =	vsel vm0, $0x2D81, v2;
	v0 =	vsel vm4, $0x2B84, v0;
	v1 =	vsel vm3, $0x2C83, v1  }
0x10b: {  	v2 =	vsel vm1, $0x2D82, v2;
	v0 =	vsel vm5, $0x2B85, v0;
	v1 =	vsel vm4, $0x2C84, v1  }
0x10c: {  	v2 =	vsel vm3, $0x2D83, v2;
	v0 =	vsel vm6, $0x2B86, v0;
	v1 =	vsel vm5, $0x2C85, v1  }
0x10d: {  	v43 =	vor.u32 s0, v0;
	v0 =	vsel vm6, $0x2C86, v1;
	v1 =	vsel vm4, $0x2D84, v2  }
0x10e: {  	v44 =	vor.u32 s0, v0;
	v0 =	vsel vm5, $0x2D85, v1;
	v1 =	vimm.s32 $0x2E87  }
0x10f: {  	v2 =	vimm.s32 $0x2F87;
	v0 =	vsel vm6, $0x2D86, v0;
	v1 =	vsel vm14, $0x2E00, v1  }
0x110: {  	v45 =	vor.u32 s0, v0;
	v0 =	vsel vm13, $0x2E01, v1;
	v1 =	vsel vm14, $0x2F00, v2  }
0x111: {  	v2 =	vimm.s32 $0x3087;
	v0 =	vsel vm12, $0x2E02, v0;
	v1 =	vsel vm13, $0x2F01, v1  }
0x112: {  	v2 =	vsel vm14, $0x3000, v2;
	v0 =	vsel vm11, $0x2E03, v0;
	v1 =	vsel vm12, $0x2F02, v1  }
0x113: {  	v2 =	vsel vm13, $0x3001, v2;
	v0 =	vsel vm10, $0x2E04, v0;
	v1 =	vsel vm11, $0x2F03, v1  }
0x114: {  	v2 =	vsel vm12, $0x3002, v2;
	v0 =	vsel vm9, $0x2E05, v0;
	v1 =	vsel vm10, $0x2F04, v1  }
0x115: {  	v2 =	vsel vm11, $0x3003, v2;
	v0 =	vsel vm8, $0x2E06, v0;
	v1 =	vsel vm9, $0x2F05, v1  }
0x116: {  	v2 =	vsel vm10, $0x3004, v2;
	v0 =	vsel vm7, $0x2E07, v0;
	v1 =	vsel vm8, $0x2F06, v1  }
0x117: {  	v2 =	vsel vm9, $0x3005, v2;
	v0 =	vsel vm2, $0x2E80, v0;
	v1 =	vsel vm7, $0x2F07, v1  }
0x118: {  	v2 =	vsel vm8, $0x3006, v2;
	v0 =	vsel vm0, $0x2E81, v0;
	v1 =	vsel vm2, $0x2F80, v1  }
0x119: {  	v2 =	vsel vm7, $0x3007, v2;
	v0 =	vsel vm1, $0x2E82, v0;
	v1 =	vsel vm0, $0x2F81, v1  }
0x11a: {  	v2 =	vsel vm2, $0x3080, v2;
	v0 =	vsel vm3, $0x2E83, v0;
	v1 =	vsel vm1, $0x2F82, v1  }
0x11b: {  	v2 =	vsel vm0, $0x3081, v2;
	v0 =	vsel vm4, $0x2E84, v0;
	v1 =	vsel vm3, $0x2F83, v1  }
0x11c: {  	v2 =	vsel vm1, $0x3082, v2;
	v0 =	vsel vm5, $0x2E85, v0;
	v1 =	vsel vm4, $0x2F84, v1  }
0x11d: {  	v2 =	vsel vm3, $0x3083, v2;
	v0 =	vsel vm6, $0x2E86, v0;
	v1 =	vsel vm5, $0x2F85, v1  }
0x11e: {  	v46 =	vor.u32 s0, v0;
	v0 =	vsel vm6, $0x2F86, v1;
	v1 =	vsel vm4, $0x3084, v2  }
0x11f: {  	v47 =	vor.u32 s0, v0;
	v0 =	vsel vm5, $0x3085, v1;
	v1 =	vimm.s32 $0x3187  }
0x120: {  	v2 =	vimm.s32 $0x3287;
	v0 =	vsel vm6, $0x3086, v0;
	v1 =	vsel vm14, $0x3100, v1  }
0x121: {  	v48 =	vor.u32 s0, v0;
	v0 =	vsel vm13, $0x3101, v1;
	v1 =	vsel vm14, $0x3200, v2  }
0x122: {  	v2 =	vimm.s32 $0x3387;
	v0 =	vsel vm12, $0x3102, v0;
	v1 =	vsel vm13, $0x3201, v1  }
0x123: {  	v2 =	vsel vm14, $0x3300, v2;
	v0 =	vsel vm11, $0x3103, v0;
	v1 =	vsel vm12, $0x3202, v1  }
0x124: {  	v2 =	vsel vm13, $0x3301, v2;
	v0 =	vsel vm10, $0x3104, v0;
	v1 =	vsel vm11, $0x3203, v1  }
0x125: {  	v2 =	vsel vm12, $0x3302, v2;
	v0 =	vsel vm9, $0x3105, v0;
	v1 =	vsel vm10, $0x3204, v1  }
0x126: {  	v2 =	vsel vm11, $0x3303, v2;
	v0 =	vsel vm8, $0x3106, v0;
	v1 =	vsel vm9, $0x3205, v1  }
0x127: {  	v2 =	vsel vm10, $0x3304, v2;
	v0 =	vsel vm7, $0x3107, v0;
	v1 =	vsel vm8, $0x3206, v1  }
0x128: {  	v2 =	vsel vm9, $0x3305, v2;
	v0 =	vsel vm2, $0x3180, v0;
	v1 =	vsel vm7, $0x3207, v1  }
0x129: {  	v2 =	vsel vm8, $0x3306, v2;
	v0 =	vsel vm0, $0x3181, v0;
	v1 =	vsel vm2, $0x3280, v1  }
0x12a: {  	v2 =	vsel vm7, $0x3307, v2;
	v0 =	vsel vm1, $0x3182, v0;
	v1 =	vsel vm0, $0x3281, v1  }
0x12b: {  	v2 =	vsel vm2, $0x3380, v2;
	v0 =	vsel vm3, $0x3183, v0;
	v1 =	vsel vm1, $0x3282, v1  }
0x12c: {  	v2 =	vsel vm0, $0x3381, v2;
	v0 =	vsel vm4, $0x3184, v0;
	v1 =	vsel vm3, $0x3283, v1  }
0x12d: {  	v2 =	vsel vm1, $0x3382, v2;
	v0 =	vsel vm5, $0x3185, v0;
	v1 =	vsel vm4, $0x3284, v1  }
0x12e: {  	v2 =	vsel vm3, $0x3383, v2;
	v0 =	vsel vm6, $0x3186, v0;
	v1 =	vsel vm5, $0x3285, v1  }
0x12f: {  	v49 =	vor.u32 s0, v0;
	v0 =	vsel vm6, $0x3286, v1;
	v1 =	vsel vm4, $0x3384, v2  }
0x130: {  	v50 =	vor.u32 s0, v0;
	v0 =	vsel vm5, $0x3385, v1;
	v1 =	vimm.s32 $0x3487  }
0x131: {  	v2 =	vimm.s32 $0x3587;
	v0 =	vsel vm6, $0x3386, v0;
	v1 =	vsel vm14, $0x3400, v1  }
0x132: {  	v51 =	vor.u32 s0, v0;
	v0 =	vsel vm13, $0x3401, v1;
	v1 =	vsel vm14, $0x3500, v2  }
0x133: {  	v2 =	vimm.s32 $0x3687;
	v0 =	vsel vm12, $0x3402, v0;
	v1 =	vsel vm13, $0x3501, v1  }
0x134: {  	v2 =	vsel vm14, $0x3600, v2;
	v0 =	vsel vm11, $0x3403, v0;
	v1 =	vsel vm12, $0x3502, v1  }
0x135: {  	v2 =	vsel vm13, $0x3601, v2;
	v0 =	vsel vm10, $0x3404, v0;
	v1 =	vsel vm11, $0x3503, v1  }
0x136: {  	v2 =	vsel vm12, $0x3602, v2;
	v0 =	vsel vm9, $0x3405, v0;
	v1 =	vsel vm10, $0x3504, v1  }
0x137: {  	v2 =	vsel vm11, $0x3603, v2;
	v0 =	vsel vm8, $0x3406, v0;
	v1 =	vsel vm9, $0x3505, v1  }
0x138: {  	v2 =	vsel vm10, $0x3604, v2;
	v0 =	vsel vm7, $0x3407, v0;
	v1 =	vsel vm8, $0x3506, v1  }
0x139: {  	v2 =	vsel vm9, $0x3605, v2;
	v0 =	vsel vm2, $0x3480, v0;
	v1 =	vsel vm7, $0x3507, v1  }
0x13a: {  	v2 =	vsel vm8, $0x3606, v2;
	v0 =	vsel vm0, $0x3481, v0;
	v1 =	vsel vm2, $0x3580, v1  }
0x13b: {  	v2 =	vsel vm7, $0x3607, v2;
	v0 =	vsel vm1, $0x3482, v0;
	v1 =	vsel vm0, $0x3581, v1  }
0x13c: {  	v2 =	vsel vm2, $0x3680, v2;
	v0 =	vsel vm3, $0x3483, v0;
	v1 =	vsel vm1, $0x3582, v1  }
0x13d: {  	v2 =	vsel vm0, $0x3681, v2;
	v0 =	vsel vm4, $0x3484, v0;
	v1 =	vsel vm3, $0x3583, v1  }
0x13e: {  	v2 =	vsel vm1, $0x3682, v2;
	v0 =	vsel vm5, $0x3485, v0;
	v1 =	vsel vm4, $0x3584, v1  }
0x13f: {  	v2 =	vsel vm3, $0x3683, v2;
	v0 =	vsel vm6, $0x3486, v0;
	v1 =	vsel vm5, $0x3585, v1  }
0x140: {  	v52 =	vor.u32 s0, v0;
	v0 =	vsel vm6, $0x3586, v1;
	v1 =	vsel vm4, $0x3684, v2  }
0x141: {  	v53 =	vor.u32 s0, v0;
	v0 =	vsel vm5, $0x3685, v1;
	v1 =	vimm.s32 $0x3787  }
0x142: {  	v2 =	vimm.s32 $0x3887;
	v0 =	vsel vm6, $0x3686, v0;
	v1 =	vsel vm14, $0x3700, v1  }
0x143: {  	v54 =	vor.u32 s0, v0;
	v0 =	vsel vm13, $0x3701, v1;
	v1 =	vsel vm14, $0x3800, v2  }
0x144: {  	v2 =	vimm.s32 $0x3987;
	v0 =	vsel vm12, $0x3702, v0;
	v1 =	vsel vm13, $0x3801, v1  }
0x145: {  	v2 =	vsel vm14, $0x3900, v2;
	v0 =	vsel vm11, $0x3703, v0;
	v1 =	vsel vm12, $0x3802, v1  }
0x146: {  	v2 =	vsel vm13, $0x3901, v2;
	v0 =	vsel vm10, $0x3704, v0;
	v1 =	vsel vm11, $0x3803, v1  }
0x147: {  	v2 =	vsel vm12, $0x3902, v2;
	v0 =	vsel vm9, $0x3705, v0;
	v1 =	vsel vm10, $0x3804, v1  }
0x148: {  	v2 =	vsel vm11, $0x3903, v2;
	v0 =	vsel vm8, $0x3706, v0;
	v1 =	vsel vm9, $0x3805, v1  }
0x149: {  	v2 =	vsel vm10, $0x3904, v2;
	v0 =	vsel vm7, $0x3707, v0;
	v1 =	vsel vm8, $0x3806, v1  }
0x14a: {  	v2 =	vsel vm9, $0x3905, v2;
	v0 =	vsel vm2, $0x3780, v0;
	v1 =	vsel vm7, $0x3807, v1  }
0x14b: {  	v2 =	vsel vm8, $0x3906, v2;
	v0 =	vsel vm0, $0x3781, v0;
	v1 =	vsel vm2, $0x3880, v1  }
0x14c: {  	v2 =	vsel vm7, $0x3907, v2;
	v0 =	vsel vm1, $0x3782, v0;
	v1 =	vsel vm0, $0x3881, v1  }
0x14d: {  	v2 =	vsel vm2, $0x3980, v2;
	v0 =	vsel vm3, $0x3783, v0;
	v1 =	vsel vm1, $0x3882, v1  }
0x14e: {  	v2 =	vsel vm0, $0x3981, v2;
	v0 =	vsel vm4, $0x3784, v0;
	v1 =	vsel vm3, $0x3883, v1  }
0x14f: {  	v2 =	vsel vm1, $0x3982, v2;
	v0 =	vsel vm5, $0x3785, v0;
	v1 =	vsel vm4, $0x3884, v1  }
0x150: {  	v2 =	vsel vm3, $0x3983, v2;
	v0 =	vsel vm6, $0x3786, v0;
	v1 =	vsel vm5, $0x3885, v1  }
0x151: {  	v55 =	vor.u32 s0, v0;
	v0 =	vsel vm6, $0x3886, v1;
	v1 =	vsel vm4, $0x3984, v2  }
0x152: {  	v56 =	vor.u32 s0, v0;
	v0 =	vsel vm5, $0x3985, v1;
	v1 =	vimm.s32 $0x3A87  }
0x153: {  	v2 =	vimm.s32 $0x3B87;
	v0 =	vsel vm6, $0x3986, v0;
	v1 =	vsel vm14, $0x3A00, v1  }
0x154: {  	v57 =	vor.u32 s0, v0;
	v0 =	vsel vm13, $0x3A01, v1;
	v1 =	vsel vm14, $0x3B00, v2  }
0x155: {  	v60 =	vsel vm12, $0x3F02, v60;
	v0 =	vsel vm12, $0x3A02, v0;
	v1 =	vsel vm13, $0x3B01, v1  }
0x156: {  	v2 =	vimm.s32 $0x3C87;
	v0 =	vsel vm11, $0x3A03, v0;
	v1 =	vsel vm12, $0x3B02, v1  }
0x157: {  	v2 =	vsel vm14, $0x3C00, v2;
	v0 =	vsel vm10, $0x3A04, v0;
	v1 =	vsel vm11, $0x3B03, v1  }
0x158: {  	v2 =	vsel vm13, $0x3C01, v2;
	v0 =	vsel vm9, $0x3A05, v0;
	v1 =	vsel vm10, $0x3B04, v1  }
0x159: {  	v2 =	vsel vm12, $0x3C02, v2;
	v0 =	vsel vm8, $0x3A06, v0;
	v1 =	vsel vm9, $0x3B05, v1  }
0x15a: {  	v2 =	vsel vm11, $0x3C03, v2;
	v0 =	vsel vm7, $0x3A07, v0;
	v1 =	vsel vm8, $0x3B06, v1  }
0x15b: {  	v2 =	vsel vm10, $0x3C04, v2;
	v0 =	vsel vm2, $0x3A80, v0;
	v1 =	vsel vm7, $0x3B07, v1  }
0x15c: {  	v2 =	vsel vm9, $0x3C05, v2;
	v0 =	vsel vm0, $0x3A81, v0;
	v1 =	vsel vm2, $0x3B80, v1  }
0x15d: {  	v2 =	vsel vm8, $0x3C06, v2;
	v0 =	vsel vm1, $0x3A82, v0;
	v1 =	vsel vm0, $0x3B81, v1  }
0x15e: {  	v2 =	vsel vm7, $0x3C07, v2;
	v0 =	vsel vm3, $0x3A83, v0;
	v1 =	vsel vm1, $0x3B82, v1  }
0x15f: {  	v2 =	vsel vm2, $0x3C80, v2;
	v0 =	vsel vm4, $0x3A84, v0;
	v1 =	vsel vm3, $0x3B83, v1  }
0x160: {  	v2 =	vsel vm0, $0x3C81, v2;
	v0 =	vsel vm5, $0x3A85, v0;
	v1 =	vsel vm4, $0x3B84, v1  }
0x161: {  	v2 =	vsel vm1, $0x3C82, v2;
	v0 =	vsel vm6, $0x3A86, v0;
	v1 =	vsel vm5, $0x3B85, v1  }
0x162: {  	v2 =	vsel vm3, $0x3C83, v2;
	v58 =	vor.u32 s0, v0;
	v0 =	vsel vm6, $0x3B86, v1  }
0x163: {  	v1 =	vsel vm4, $0x3C84, v2;
	v2 =	vimm.s32 $0x3E87;
	v59 =	vor.u32 s0, v0  }
0x164: {  	s8 =	rddreg [dreg:$0x0];
	v0 =	vsel vm5, $0x3C85, v1;
	v1 =	vimm.s32 $0x3D87;
	v2 =	vsel vm14, $0x3E00, v2  }
0x165: {  	s7 =	rddreg [dreg:$0x1];
	v60 =	vsel vm11, $0x3F03, v60;
	v1 =	vsel vm14, $0x3D00, v1;
	v2 =	vsel vm13, $0x3E01, v2  }
0x166: {  	s2 =	rddreg [dreg:$0x2];
	v60 =	vsel vm10, $0x3F04, v60;
	v1 =	vsel vm13, $0x3D01, v1;
	v2 =	vsel vm12, $0x3E02, v2  }
0x167: {  	s4 =	simm.s32 $0x0;
	s3 =	stileid.u32;
	s15 =	simm.s32 $0x4080;
	v60 =	vsel vm9, $0x3F05, v60;
	v1 =	vsel vm12, $0x3D02, v1;
	v2 =	vsel vm11, $0x3E03, v2  }
0x168: {  	s16 =	simm.s32 $0x80;
	s17 =	simm.s32 $0x400;
	s18 =	simm.s32 $0x0;
	v60 =	vsel vm8, $0x3F06, v60;
	v1 =	vsel vm11, $0x3D03, v1;
	v2 =	vsel vm10, $0x3E04, v2  }
0x169: {  	[smem:$0x7FF] =	sst s4;
	s5 =	sshrl.u32 s3, $0x3;
	s6 =	smul.u32 $0x140000, s1;
	v60 =	vsel vm7, $0x3F07, v60;
	v1 =	vsel vm10, $0x3D04, v1;
	v2 =	vsel vm9, $0x3E05, v2  }
0x16a: {  	s9 =	sshll.u32 s3, $0x4;
	s29 =	sshll.u32 s3, $0xB;
	s10 =	smul.u32 $0xA0000, s5;
	v60 =	vsel vm2, $0x3F80, v60;
	v1 =	vsel vm9, $0x3D05, v1;
	v2 =	vsel vm8, $0x3E06, v2  }
0x16b: {  	s30 =	sshll.u32 s3, $0x7;
	s11 =	sadd.s32 s9, s8;
	s12 =	smul.u32 $0x50000, s1;
	v60 =	vsel vm0, $0x3F81, v60;
	v1 =	vsel vm8, $0x3D06, v1;
	v2 =	vsel vm7, $0x3E07, v2  }
0x16c: {  	s13 =	sadd.s32 s29, s8;
	s14 =	smul.u32 $0x28000, s5;
	s1 =	ssub.s32 $0x2, s1;
	v60 =	vsel vm1, $0x3F82, v60;
	v1 =	vsel vm7, $0x3D07, v1;
	v2 =	vsel vm2, $0x3E80, v2  }
0x16d: {  	s5 =	sadd.s32 $0x4F7A00, s8;
	s9 =	sand.u32 $0x380, s30;
	s31 =	sshrl.u32 s1, $0x1;
	v61 =	vsel vm3, $0x3F83, v60;
	v1 =	vsel vm2, $0x3D80, v1;
	v2 =	vsel vm0, $0x3E81, v2  }
0x16e: {  	s10 =	sadd.s32 s6, s10;
	s6 =	sadd.s32 $0x4FA200, s8;
	s12 =	sadd.s32 s12, s14;
	v0 =	vsel vm6, $0x3C86, v0;
	v1 =	vsel vm0, $0x3D81, v1;
	v2 =	vsel vm1, $0x3E82, v2  }
0x16f: {  	s14 =	simm.s32 $0x18180;
	s10 =	sor.u32 s9, s10;
	s9 =	sor.u32 s9, s12;
	v60 =	vor.u32 s0, v0;
	v1 =	vsel vm1, $0x3D82, v1;
	v2 =	vsel vm3, $0x3E83, v2  }
.Ltmp0:
0x170: {  	s10 =	sshrl.u32 s10, $0x3;
	s9 =	sshrl.u32 s9, $0x3;
	vm0 =	vcmask $0x3F20;
	v1 =	vsel vm3, $0x3D83, v1;
	v2 =	vsel vm4, $0x3E84, v2;
	(pc) =	sbr.rel .LBB2_1-.Ltmp0, $4  }
0x171: {  	s8 =	sadd.s32 s10, s8;
	s7 =	sadd.s32 s7, s9;
	s9 =	sadd.s32 $0x4E3E00, s11;
	v1 =	vsel vm4, $0x3D84, v1;
	v0 =	vsel vm5, $0x3E85, v2;
	v2 =	vsel vm4, $0x3F84, v61  }
0x172: {  	s12 =	simm.s32 $0x4180;
	s10 =	ssub.s32 s1, s31;
	s1 =	sadd.s32 $0x4FAC00, s8;
	v1 =	vsel vm5, $0x3D85, v1;
	v0 =	vsel vm6, $0x3E86, v0;
	v2 =	vsel vm5, $0x3F85, v2  }
0x173: {  	s8 =	smax.u32 s10, $0x1;
	s10 =	sadd.s32 $0x4EDC00, s11;
	s11 =	sadd.s32 $0x1E00, s13;
	v1 =	vsel vm6, $0x3D86, v1;
	v62 =	vor.u32 s0, v0;
	v0 =	vsel vm6, $0x3F86, v2  }
0x174: {  	s13 =	simm.s32 $0x1;
	_ =	strace $0x80000047;
	v61 =	vor.u32 s0, v1;
	v63 =	vor.u32 s0, v0;
	s0 =	simm.s32 $0x4100;
	v0 =	vlaneseq.u32  }
.LBB2_5:
0x175: {  	[hbm4b:s1+s16] =	stream.strided.scatter [tilespmem:s12], [sflag:$0x1], $0x14000, s17, s16, $0x38;
	[tilespmem:$0x1D180] =	vst v63  }
0x176: {  	s18 =	sadd.s32 $0x1, s18;
	_ =	swait.ge [sflag:s13], $0x14000  }
0x177: {  	p0 =	sne.s32 s18, s8;
	[sflag:s13] =	ssyncset.done $0x0  }
.Ltmp1:
0x178: {  	[sflag:s13] =	ssyncadd.s32 $0xFFFEC000;
	(pc) =	sbr.rel @!p0 .LBB2_6-.Ltmp1, $4  }
0x179: {  	[hbm4b:s7+s16] =	stream.strided.scatter [tilespmem:s14], [sflag:$0x1], $0x5000, s17, s16, $0x38;
	[tilespmem:$0x1D180] =	vst v63  }
0x17a: {  	_ =	swait.ge [sflag:s13], $0x5000  }
0x17b: {  	[sflag:s13] =	ssyncset.done $0x0  }
0x17c: {  	[sflag:s13] =	ssyncadd.s32 $0xFFFFB000  }
.LBB2_1:
0x17d: {  	[tilespmem:s12], [sflag:$0x1] =	stream.linear.gather [hbm4b:s5+s4], $0x14000, $0x38;
	[tilespmem:$0x1D180] =	vst v63  }
0x17e: {  	_ =	swait.ge [sflag:s13], $0x14000  }
0x17f: {  	[sflag:s13] =	ssyncset.done $0x0  }
.Ltmp2:
0x180: {  	[sflag:s13] =	ssyncadd.s32 $0xFFFEC000;
	(pc) =	sbr.rel .LBB2_2-.Ltmp2, $4  }
0x181: {  	[tilespmem:s14], [sflag:$0x1] =	stream.linear.gather [hbm4b:s6+s4], $0x5000, $0x38;
	[tilespmem:$0x1D180] =	vst v63  }
0x182: {  	_ =	swait.ge [sflag:s13], $0x5000  }
0x183: {  	s19 =	stileid.u32;
	[sflag:s13] =	ssyncset.done $0x0  }
0x184: {  	s20 =	smov.u32 s11;
	s21 =	simm.s32 $0x0;
	[sflag:s13] =	ssyncadd.s32 $0xFFFFB000  }
.LBB2_4:
0x185: {  	s21 =	sadd.s32 $0x100, s21  }
0x186: {  	p0 =	sne.s32 s21, $0x9D00  }
.Ltmp3:
0x187: {  	_ = 	snop;
	(pc) =	sbr.rel @!p0 .LBB2_5-.Ltmp3, $2  }
0x188: {  	_ =	sdelay $0x2  }
0x189: {  	s20 =	sadd.s32 $0x8000, s20;
	s19 =	sadd.s32 $0x10, s19  }
.LBB2_2:
0x18a: {  	p0 =	sgt.u32 s19, $0x9C3  }
.Ltmp4:
0x18b: {  	_ = 	snop;
	(pc) =	sbr.rel @p0 .LBB2_4-.Ltmp4, $1  }
0x18c: {  	_ =	sdelay $0x3  }
0x18d: {  	s22 =	sadd.s32 s21, s10  }
0x18e: {  	[tilespmem:s4], [sflag:$0x1] =	stream.linear.gather [hbm4b:s22+s4], $0x80, $0x38;
	[tilespmem:$0x1D180] =	vst v63  }
0x18f: {  	_ =	swait.ge [sflag:s13], $0x80  }
0x190: {  	[sflag:s13] =	ssyncset.done $0x0  }
0x191: {  	s31 =	sadd.s32 s21, s9;
	[sflag:s13] =	ssyncadd.s32 $0xFFFFFF80  }
0x192: {  	[tilespmem:s15], [sflag:$0x1] =	stream.linear.gather [hbm4b:s31+s4], $0x80, $0x38;
	[tilespmem:$0x1D180] =	vst v63  }
0x193: {  	_ =	swait.ge [sflag:s13], $0x80  }
0x194: {  	[sflag:s13] =	ssyncset.done $0x0  }
0x195: {  	[sflag:s13] =	ssyncadd.s32 $0xFFFFFF80  }
0x196: {  	[tilespmem:s16], [sflag:$0x1] =	stream.linear.gather [hbm4b:s20+s4], $0x4000, $0x38;
	[tilespmem:$0x1D180] =	vst v63  }
0x197: {  	_ =	swait.ge [sflag:s13], $0x4000  }
0x198: {  	[sflag:s13] =	ssyncset.done $0x0  }
0x199: {  	[sflag:s13] =	ssyncadd.s32 $0xFFFFC000  }
0x19a: {  	v1 =	vld [tilespmem:$0x0]  }
0x19b: {  	v2 =	vld [tilespmem:$0x10]  }
0x19c: {  	v3 =	vld [tilespmem:$0x20]  }
0x19d: {  	v4 =	vld [tilespmem:$0x30]  }
0x19e: {  	v5 =	vld [tilespmem:$0x40]  }
0x19f: {  	v6 =	vld [tilespmem:$0x50];
	v1 =	vmul.f32 $1.442695020e+00, v1  }
0x1a0: {  	v7 =	vld [tilespmem:$0x60];
	v2 =	vmul.f32 $1.442695020e+00, v2  }
0x1a1: {  	(erf) = vpow2.f32 v1;
	v1 =	vmul.f32 $1.442695020e+00, v3;
	v3 =	vld [tilespmem:$0x70]  }
0x1a2: {  	(erf) = vpow2.f32 v2;
	v2 =	vmul.f32 $1.442695020e+00, v4  }
0x1a3: {  	(erf) = vpow2.f32 v1;
	v1 =	vmul.f32 $1.442695020e+00, v5  }
0x1a4: {  	(erf) = vpow2.f32 v2;
	v2 =	vmul.f32 $1.442695020e+00, v6  }
0x1a5: {  	(erf) = vpow2.f32 v1;
	v1 =	vmul.f32 $1.442695020e+00, v7  }
0x1a6: {  	(erf) = vpow2.f32 v2;
	v2 =	vmul.f32 $1.442695020e+00, v3  }
0x1a7: {  	(erf) = vpow2.f32 v1  }
0x1a8: {  	(erf) = vpow2.f32 v2;
	_ =	sdelay $0x1  }
0x1a9: {  	v1 =	vpop (erf)  }
0x1aa: {  	v2 =	vpop (erf);
	[tilespmem:$0x4100] =	vst v1  }
0x1ab: {  	v1 =	vpop (erf);
	[tilespmem:$0x4110] =	vst v2  }
0x1ac: {  	v2 =	vpop (erf);
	[tilespmem:$0x4120] =	vst v1  }
0x1ad: {  	v1 =	vshrl.u32 v0, $0x3;
	v3 =	vpop (erf);
	[tilespmem:$0x4130] =	vst v2  }
0x1ae: {  	v4 =	vld [tilespmem:$0x1FF80];
	v2 =	vpop (erf);
	[tilespmem:$0x4140] =	vst v3  }
0x1af: {  	v3 =	vpop (erf);
	[tilespmem:$0x4150] =	vst v2  }
0x1b0: {  	[tilespmem:$0x4160] =	vst v3;
	v2 =	vpop (erf)  }
0x1b1: {  	[tilespmem:$0x4170] =	vst v2  }
0x1b2: {  	v2 =	vld.idx.msk [tilespmem:v1+s15+$0x0], $0xffff;
	_ =	sdelay $0x2  }
0x1b3: {  	v3 =	vld.idx.msk [tilespmem:v1+s0+$0x0], $0xffff  }
0x1b4: {  	v4 =	vld.idx.msk [tilespmem:v4+s16+$0x0], $0xffff  }
0x1b5: {  	v5 =	vshll.u32 v2, $0x3;
	v2 =	vand.u32 $0x7, v0  }
0x1b6: {  	v5 =	vor.u32 v2, v5;
	_ =	sdelay $0x2  }
0x1b7: {  	v3 =	vmul.f32 v4, v3;
	_ =	sdelay $0x1  }
0x1b8: {  	[tilespmem:v5+s12+$0x0] =	vst.idx.add.f32.msk $0xff, v3  }
0x1b9: {  	v6 =	vor.u32 $0x2, v1;
	[tilespmem:v5+s12+$0x0] =	vst.idx.add.f32.msk vm0, v3  }
0x1ba: {  	v5 =	vld [tilespmem:$0x1FF90];
	_ =	sdelay $0x3  }
0x1bb: {  	v3 =	vld.idx.msk [tilespmem:v6+s15+$0x0], $0xffff;
	_ =	sdelay $0x2  }
0x1bc: {  	v4 =	vld.idx.msk [tilespmem:v6+s0+$0x0], $0xffff  }
0x1bd: {  	v5 =	vld.idx.msk [tilespmem:v5+s16+$0x0], $0xffff  }
0x1be: {  	v3 =	vshll.u32 v3, $0x3  }
0x1bf: {  	v3 =	vor.u32 v2, v3;
	_ =	sdelay $0x1  }
0x1c0: {  	v6 =	vor.u32 $0x4, v1  }
0x1c1: {  	v4 =	vmul.f32 v5, v4;
	v5 =	vld [tilespmem:$0x1FFA0];
	_ =	sdelay $0x1  }
0x1c2: {  	[tilespmem:v3+s12+$0x0] =	vst.idx.add.f32.msk $0xff, v4  }
0x1c3: {  	[tilespmem:v3+s12+$0x0] =	vst.idx.add.f32.msk vm0, v4  }
0x1c4: {  	v3 =	vld.idx.msk [tilespmem:v6+s15+$0x0], $0xffff;
	_ =	sdelay $0x2  }
0x1c5: {  	v4 =	vld.idx.msk [tilespmem:v6+s0+$0x0], $0xffff  }
0x1c6: {  	v5 =	vld.idx.msk [tilespmem:v5+s16+$0x0], $0xffff  }
0x1c7: {  	v3 =	vshll.u32 v3, $0x3  }
0x1c8: {  	v3 =	vor.u32 v2, v3;
	_ =	sdelay $0x1  }
0x1c9: {  	v6 =	vor.u32 $0x6, v1  }
0x1ca: {  	v4 =	vmul.f32 v5, v4;
	v5 =	vld [tilespmem:$0x1FFB0];
	_ =	sdelay $0x1  }
0x1cb: {  	[tilespmem:v3+s12+$0x0] =	vst.idx.add.f32.msk $0xff, v4  }
0x1cc: {  	[tilespmem:v3+s12+$0x0] =	vst.idx.add.f32.msk vm0, v4  }
0x1cd: {  	v3 =	vld.idx.msk [tilespmem:v6+s15+$0x0], $0xffff;
	_ =	sdelay $0x2  }
0x1ce: {  	v4 =	vld.idx.msk [tilespmem:v6+s0+$0x0], $0xffff  }
0x1cf: {  	v5 =	vld.idx.msk [tilespmem:v5+s16+$0x0], $0xffff  }
0x1d0: {  	v3 =	vshll.u32 v3, $0x3  }
0x1d1: {  	v3 =	vor.u32 v2, v3;
	_ =	sdelay $0x1  }
0x1d2: {  	v6 =	vor.u32 $0x8, v1  }
0x1d3: {  	v4 =	vmul.f32 v5, v4;
	v5 =	vld [tilespmem:$0x1FFC0];
	_ =	sdelay $0x1  }
0x1d4: {  	[tilespmem:v3+s12+$0x0] =	vst.idx.add.f32.msk $0xff, v4  }
0x1d5: {  	[tilespmem:v3+s12+$0x0] =	vst.idx.add.f32.msk vm0, v4  }
0x1d6: {  	v3 =	vld.idx.msk [tilespmem:v6+s15+$0x0], $0xffff;
	_ =	sdelay $0x2  }
0x1d7: {  	v4 =	vld.idx.msk [tilespmem:v6+s0+$0x0], $0xffff  }
0x1d8: {  	v5 =	vld.idx.msk [tilespmem:v5+s16+$0x0], $0xffff  }
0x1d9: {  	v3 =	vshll.u32 v3, $0x3  }
0x1da: {  	v3 =	vor.u32 v2, v3;
	_ =	sdelay $0x1  }
0x1db: {  	v6 =	vor.u32 $0xA, v1  }
0x1dc: {  	v4 =	vmul.f32 v5, v4;
	v5 =	vld [tilespmem:$0x1FFD0];
	_ =	sdelay $0x1  }
0x1dd: {  	[tilespmem:v3+s12+$0x0] =	vst.idx.add.f32.msk $0xff, v4  }
0x1de: {  	[tilespmem:v3+s12+$0x0] =	vst.idx.add.f32.msk vm0, v4  }
0x1df: {  	v3 =	vld.idx.msk [tilespmem:v6+s15+$0x0], $0xffff;
	_ =	sdelay $0x2  }
0x1e0: {  	v4 =	vld.idx.msk [tilespmem:v6+s0+$0x0], $0xffff  }
0x1e1: {  	v5 =	vld.idx.msk [tilespmem:v5+s16+$0x0], $0xffff  }
0x1e2: {  	v3 =	vshll.u32 v3, $0x3  }
0x1e3: {  	v3 =	vor.u32 v2, v3;
	_ =	sdelay $0x1  }
0x1e4: {  	v6 =	vor.u32 $0xC, v1  }
0x1e5: {  	v4 =	vmul.f32 v5, v4;
	v5 =	vld [tilespmem:$0x1FFE0];
	_ =	sdelay $0x1  }
0x1e6: {  	[tilespmem:v3+s12+$0x0] =	vst.idx.add.f32.msk $0xff, v4  }
0x1e7: {  	[tilespmem:v3+s12+$0x0] =	vst.idx.add.f32.msk vm0, v4  }
0x1e8: {  	v3 =	vld.idx.msk [tilespmem:v6+s15+$0x0], $0xffff;
	_ =	sdelay $0x2  }
0x1e9: {  	v4 =	vld.idx.msk [tilespmem:v6+s0+$0x0], $0xffff  }
0x1ea: {  	v5 =	vld.idx.msk [tilespmem:v5+s16+$0x0], $0xffff  }
0x1eb: {  	v3 =	vshll.u32 v3, $0x3  }
0x1ec: {  	v3 =	vor.u32 v2, v3;
	_ =	sdelay $0x1  }
0x1ed: {  	v6 =	vor.u32 $0xE, v1  }
0x1ee: {  	v4 =	vmul.f32 v5, v4;
	v5 =	vld [tilespmem:$0x1FFF0];
	_ =	sdelay $0x1  }
0x1ef: {  	[tilespmem:v3+s12+$0x0] =	vst.idx.add.f32.msk $0xff, v4  }
0x1f0: {  	[tilespmem:v3+s12+$0x0] =	vst.idx.add.f32.msk vm0, v4  }
0x1f1: {  	v3 =	vld.idx.msk [tilespmem:v6+s15+$0x0], $0xffff;
	_ =	sdelay $0x2  }
0x1f2: {  	v4 =	vld.idx.msk [tilespmem:v6+s0+$0x0], $0xffff  }
0x1f3: {  	v5 =	vld.idx.msk [tilespmem:v5+s16+$0x0], $0xffff  }
0x1f4: {  	v3 =	vshll.u32 v3, $0x3  }
0x1f5: {  	v3 =	vor.u32 v2, v3;
	_ =	sdelay $0x1  }
0x1f6: {  	v6 =	vor.u32 $0x10, v1  }
0x1f7: {  	v4 =	vmul.f32 v5, v4;
	_ =	sdelay $0x1  }
0x1f8: {  	[tilespmem:v3+s12+$0x0] =	vst.idx.add.f32.msk $0xff, v4  }
0x1f9: {  	[tilespmem:v3+s12+$0x0] =	vst.idx.add.f32.msk vm0, v4  }
0x1fa: {  	v3 =	vld.idx.msk [tilespmem:v6+s15+$0x0], $0xffff;
	_ =	sdelay $0x2  }
0x1fb: {  	v4 =	vld.idx.msk [tilespmem:v6+s0+$0x0], $0xffff  }
0x1fc: {  	v5 =	vld.idx.msk [tilespmem:v8+s16+$0x0], $0xffff  }
0x1fd: {  	v3 =	vshll.u32 v3, $0x3  }
0x1fe: {  	v3 =	vor.u32 v2, v3;
	_ =	sdelay $0x1  }
0x1ff: {  	v6 =	vor.u32 $0x12, v1  }
0x200: {  	v4 =	vmul.f32 v5, v4;
	_ =	sdelay $0x1  }
0x201: {  	[tilespmem:v3+s12+$0x0] =	vst.idx.add.f32.msk $0xff, v4  }
0x202: {  	[tilespmem:v3+s12+$0x0] =	vst.idx.add.f32.msk vm0, v4  }
0x203: {  	v3 =	vld.idx.msk [tilespmem:v6+s15+$0x0], $0xffff;
	_ =	sdelay $0x2  }
0x204: {  	v4 =	vld.idx.msk [tilespmem:v6+s0+$0x0], $0xffff  }
0x205: {  	v5 =	vld.idx.msk [tilespmem:v9+s16+$0x0], $0xffff  }
0x206: {  	v3 =	vshll.u32 v3, $0x3  }
0x207: {  	v3 =	vor.u32 v2, v3;
	_ =	sdelay $0x1  }
0x208: {  	v6 =	vor.u32 $0x14, v1  }
0x209: {  	v4 =	vmul.f32 v5, v4;
	_ =	sdelay $0x1  }
0x20a: {  	[tilespmem:v3+s12+$0x0] =	vst.idx.add.f32.msk $0xff, v4  }
0x20b: {  	[tilespmem:v3+s12+$0x0] =	vst.idx.add.f32.msk vm0, v4  }
0x20c: {  	v3 =	vld.idx.msk [tilespmem:v6+s15+$0x0], $0xffff;
	_ =	sdelay $0x2  }
0x20d: {  	v4 =	vld.idx.msk [tilespmem:v6+s0+$0x0], $0xffff  }
0x20e: {  	v5 =	vld.idx.msk [tilespmem:v10+s16+$0x0], $0xffff  }
0x20f: {  	v3 =	vshll.u32 v3, $0x3  }
0x210: {  	v3 =	vor.u32 v2, v3;
	_ =	sdelay $0x1  }
0x211: {  	v6 =	vor.u32 $0x16, v1  }
0x212: {  	v4 =	vmul.f32 v5, v4;
	_ =	sdelay $0x1  }
0x213: {  	[tilespmem:v3+s12+$0x0] =	vst.idx.add.f32.msk $0xff, v4  }
0x214: {  	[tilespmem:v3+s12+$0x0] =	vst.idx.add.f32.msk vm0, v4  }
0x215: {  	v3 =	vld.idx.msk [tilespmem:v6+s15+$0x0], $0xffff;
	_ =	sdelay $0x2  }
0x216: {  	v4 =	vld.idx.msk [tilespmem:v6+s0+$0x0], $0xffff  }
0x217: {  	v5 =	vld.idx.msk [tilespmem:v11+s16+$0x0], $0xffff  }
0x218: {  	v3 =	vshll.u32 v3, $0x3  }
0x219: {  	v3 =	vor.u32 v2, v3;
	_ =	sdelay $0x1  }
0x21a: {  	v6 =	vor.u32 $0x18, v1  }
0x21b: {  	v4 =	vmul.f32 v5, v4;
	_ =	sdelay $0x1  }
0x21c: {  	[tilespmem:v3+s12+$0x0] =	vst.idx.add.f32.msk $0xff, v4  }
0x21d: {  	[tilespmem:v3+s12+$0x0] =	vst.idx.add.f32.msk vm0, v4  }
0x21e: {  	v3 =	vld.idx.msk [tilespmem:v6+s15+$0x0], $0xffff;
	_ =	sdelay $0x2  }
0x21f: {  	v4 =	vld.idx.msk [tilespmem:v6+s0+$0x0], $0xffff  }
0x220: {  	v5 =	vld.idx.msk [tilespmem:v12+s16+$0x0], $0xffff  }
0x221: {  	v3 =	vshll.u32 v3, $0x3  }
0x222: {  	v3 =	vor.u32 v2, v3;
	_ =	sdelay $0x1  }
0x223: {  	v6 =	vor.u32 $0x1A, v1  }
0x224: {  	v4 =	vmul.f32 v5, v4;
	_ =	sdelay $0x1  }
0x225: {  	[tilespmem:v3+s12+$0x0] =	vst.idx.add.f32.msk $0xff, v4  }
0x226: {  	[tilespmem:v3+s12+$0x0] =	vst.idx.add.f32.msk vm0, v4  }
0x227: {  	v3 =	vld.idx.msk [tilespmem:v6+s15+$0x0], $0xffff;
	_ =	sdelay $0x2  }
0x228: {  	v4 =	vld.idx.msk [tilespmem:v6+s0+$0x0], $0xffff  }
0x229: {  	v5 =	vld.idx.msk [tilespmem:v13+s16+$0x0], $0xffff  }
0x22a: {  	v3 =	vshll.u32 v3, $0x3  }
0x22b: {  	v3 =	vor.u32 v2, v3;
	_ =	sdelay $0x1  }
0x22c: {  	v6 =	vor.u32 $0x1C, v1  }
0x22d: {  	v4 =	vmul.f32 v5, v4;
	_ =	sdelay $0x1  }
0x22e: {  	[tilespmem:v3+s12+$0x0] =	vst.idx.add.f32.msk $0xff, v4  }
0x22f: {  	[tilespmem:v3+s12+$0x0] =	vst.idx.add.f32.msk vm0, v4  }
0x230: {  	v3 =	vld.idx.msk [tilespmem:v6+s15+$0x0], $0xffff;
	_ =	sdelay $0x2  }
0x231: {  	v4 =	vld.idx.msk [tilespmem:v6+s0+$0x0], $0xffff  }
0x232: {  	v5 =	vld.idx.msk [tilespmem:v14+s16+$0x0], $0xffff  }
0x233: {  	v3 =	vshll.u32 v3, $0x3  }
0x234: {  	v3 =	vor.u32 v2, v3;
	_ =	sdelay $0x1  }
0x235: {  	v6 =	vor.u32 $0x1E, v1  }
0x236: {  	v4 =	vmul.f32 v5, v4;
	_ =	sdelay $0x1  }
0x237: {  	[tilespmem:v3+s12+$0x0] =	vst.idx.add.f32.msk $0xff, v4  }
0x238: {  	[tilespmem:v3+s12+$0x0] =	vst.idx.add.f32.msk vm0, v4  }
0x239: {  	v3 =	vld.idx.msk [tilespmem:v6+s15+$0x0], $0xffff;
	_ =	sdelay $0x2  }
0x23a: {  	v4 =	vld.idx.msk [tilespmem:v6+s0+$0x0], $0xffff  }
0x23b: {  	v5 =	vld.idx.msk [tilespmem:v15+s16+$0x0], $0xffff  }
0x23c: {  	v3 =	vshll.u32 v3, $0x3  }
0x23d: {  	v3 =	vor.u32 v2, v3;
	_ =	sdelay $0x1  }
0x23e: {  	v6 =	vor.u32 $0x20, v1  }
0x23f: {  	v4 =	vmul.f32 v5, v4;
	_ =	sdelay $0x1  }
0x240: {  	[tilespmem:v3+s12+$0x0] =	vst.idx.add.f32.msk $0xff, v4  }
0x241: {  	[tilespmem:v3+s12+$0x0] =	vst.idx.add.f32.msk vm0, v4  }
0x242: {  	v3 =	vld.idx.msk [tilespmem:v6+s15+$0x0], $0xffff;
	_ =	sdelay $0x2  }
0x243: {  	v4 =	vld.idx.msk [tilespmem:v6+s0+$0x0], $0xffff  }
0x244: {  	v5 =	vld.idx.msk [tilespmem:v16+s16+$0x0], $0xffff  }
0x245: {  	v3 =	vshll.u32 v3, $0x3  }
0x246: {  	v3 =	vor.u32 v2, v3;
	_ =	sdelay $0x1  }
0x247: {  	v6 =	vor.u32 $0x22, v1  }
0x248: {  	v4 =	vmul.f32 v5, v4;
	_ =	sdelay $0x1  }
0x249: {  	[tilespmem:v3+s12+$0x0] =	vst.idx.add.f32.msk $0xff, v4  }
0x24a: {  	[tilespmem:v3+s12+$0x0] =	vst.idx.add.f32.msk vm0, v4  }
0x24b: {  	v3 =	vld.idx.msk [tilespmem:v6+s15+$0x0], $0xffff;
	_ =	sdelay $0x2  }
0x24c: {  	v4 =	vld.idx.msk [tilespmem:v6+s0+$0x0], $0xffff  }
0x24d: {  	v5 =	vld.idx.msk [tilespmem:v17+s16+$0x0], $0xffff  }
0x24e: {  	v3 =	vshll.u32 v3, $0x3  }
0x24f: {  	v3 =	vor.u32 v2, v3;
	_ =	sdelay $0x1  }
0x250: {  	v6 =	vor.u32 $0x24, v1  }
0x251: {  	v4 =	vmul.f32 v5, v4;
	_ =	sdelay $0x1  }
0x252: {  	[tilespmem:v3+s12+$0x0] =	vst.idx.add.f32.msk $0xff, v4  }
0x253: {  	[tilespmem:v3+s12+$0x0] =	vst.idx.add.f32.msk vm0, v4  }
0x254: {  	v3 =	vld.idx.msk [tilespmem:v6+s15+$0x0], $0xffff;
	_ =	sdelay $0x2  }
0x255: {  	v4 =	vld.idx.msk [tilespmem:v6+s0+$0x0], $0xffff  }
0x256: {  	v5 =	vld.idx.msk [tilespmem:v18+s16+$0x0], $0xffff  }
0x257: {  	v3 =	vshll.u32 v3, $0x3  }
0x258: {  	v3 =	vor.u32 v2, v3;
	_ =	sdelay $0x1  }
0x259: {  	v6 =	vor.u32 $0x26, v1  }
0x25a: {  	v4 =	vmul.f32 v5, v4;
	_ =	sdelay $0x1  }
0x25b: {  	[tilespmem:v3+s12+$0x0] =	vst.idx.add.f32.msk $0xff, v4  }
0x25c: {  	[tilespmem:v3+s12+$0x0] =	vst.idx.add.f32.msk vm0, v4  }
0x25d: {  	v3 =	vld.idx.msk [tilespmem:v6+s15+$0x0], $0xffff;
	_ =	sdelay $0x2  }
0x25e: {  	v4 =	vld.idx.msk [tilespmem:v6+s0+$0x0], $0xffff  }
0x25f: {  	v5 =	vld.idx.msk [tilespmem:v19+s16+$0x0], $0xffff  }
0x260: {  	v3 =	vshll.u32 v3, $0x3  }
0x261: {  	v3 =	vor.u32 v2, v3;
	_ =	sdelay $0x1  }
0x262: {  	v6 =	vor.u32 $0x28, v1  }
0x263: {  	v4 =	vmul.f32 v5, v4;
	_ =	sdelay $0x1  }
0x264: {  	[tilespmem:v3+s12+$0x0] =	vst.idx.add.f32.msk $0xff, v4  }
0x265: {  	[tilespmem:v3+s12+$0x0] =	vst.idx.add.f32.msk vm0, v4  }
0x266: {  	v3 =	vld.idx.msk [tilespmem:v6+s15+$0x0], $0xffff;
	_ =	sdelay $0x2  }
0x267: {  	v4 =	vld.idx.msk [tilespmem:v6+s0+$0x0], $0xffff  }
0x268: {  	v5 =	vld.idx.msk [tilespmem:v20+s16+$0x0], $0xffff  }
0x269: {  	v3 =	vshll.u32 v3, $0x3  }
0x26a: {  	v3 =	vor.u32 v2, v3;
	_ =	sdelay $0x1  }
0x26b: {  	v6 =	vor.u32 $0x2A, v1  }
0x26c: {  	v4 =	vmul.f32 v5, v4;
	_ =	sdelay $0x1  }
0x26d: {  	[tilespmem:v3+s12+$0x0] =	vst.idx.add.f32.msk $0xff, v4  }
0x26e: {  	[tilespmem:v3+s12+$0x0] =	vst.idx.add.f32.msk vm0, v4  }
0x26f: {  	v3 =	vld.idx.msk [tilespmem:v6+s15+$0x0], $0xffff;
	_ =	sdelay $0x2  }
0x270: {  	v4 =	vld.idx.msk [tilespmem:v6+s0+$0x0], $0xffff  }
0x271: {  	v5 =	vld.idx.msk [tilespmem:v21+s16+$0x0], $0xffff  }
0x272: {  	v3 =	vshll.u32 v3, $0x3  }
0x273: {  	v3 =	vor.u32 v2, v3;
	_ =	sdelay $0x1  }
0x274: {  	v6 =	vor.u32 $0x2C, v1  }
0x275: {  	v4 =	vmul.f32 v5, v4;
	_ =	sdelay $0x1  }
0x276: {  	[tilespmem:v3+s12+$0x0] =	vst.idx.add.f32.msk $0xff, v4  }
0x277: {  	[tilespmem:v3+s12+$0x0] =	vst.idx.add.f32.msk vm0, v4  }
0x278: {  	v3 =	vld.idx.msk [tilespmem:v6+s15+$0x0], $0xffff;
	_ =	sdelay $0x2  }
0x279: {  	v4 =	vld.idx.msk [tilespmem:v6+s0+$0x0], $0xffff  }
0x27a: {  	v5 =	vld.idx.msk [tilespmem:v22+s16+$0x0], $0xffff  }
0x27b: {  	v3 =	vshll.u32 v3, $0x3  }
0x27c: {  	v3 =	vor.u32 v2, v3;
	_ =	sdelay $0x1  }
0x27d: {  	v6 =	vor.u32 $0x2E, v1  }
0x27e: {  	v4 =	vmul.f32 v5, v4;
	_ =	sdelay $0x1  }
0x27f: {  	[tilespmem:v3+s12+$0x0] =	vst.idx.add.f32.msk $0xff, v4  }
0x280: {  	[tilespmem:v3+s12+$0x0] =	vst.idx.add.f32.msk vm0, v4  }
0x281: {  	v3 =	vld.idx.msk [tilespmem:v6+s15+$0x0], $0xffff;
	_ =	sdelay $0x2  }
0x282: {  	v4 =	vld.idx.msk [tilespmem:v6+s0+$0x0], $0xffff  }
0x283: {  	v5 =	vld.idx.msk [tilespmem:v23+s16+$0x0], $0xffff  }
0x284: {  	v3 =	vshll.u32 v3, $0x3  }
0x285: {  	v3 =	vor.u32 v2, v3;
	_ =	sdelay $0x1  }
0x286: {  	v6 =	vor.u32 $0x30, v1  }
0x287: {  	v4 =	vmul.f32 v5, v4;
	_ =	sdelay $0x1  }
0x288: {  	[tilespmem:v3+s12+$0x0] =	vst.idx.add.f32.msk $0xff, v4  }
0x289: {  	[tilespmem:v3+s12+$0x0] =	vst.idx.add.f32.msk vm0, v4  }
0x28a: {  	v3 =	vld.idx.msk [tilespmem:v6+s15+$0x0], $0xffff;
	_ =	sdelay $0x2  }
0x28b: {  	v4 =	vld.idx.msk [tilespmem:v6+s0+$0x0], $0xffff  }
0x28c: {  	v5 =	vld.idx.msk [tilespmem:v24+s16+$0x0], $0xffff  }
0x28d: {  	v3 =	vshll.u32 v3, $0x3  }
0x28e: {  	v3 =	vor.u32 v2, v3;
	_ =	sdelay $0x1  }
0x28f: {  	v6 =	vor.u32 $0x32, v1  }
0x290: {  	v4 =	vmul.f32 v5, v4;
	_ =	sdelay $0x1  }
0x291: {  	[tilespmem:v3+s12+$0x0] =	vst.idx.add.f32.msk $0xff, v4  }
0x292: {  	[tilespmem:v3+s12+$0x0] =	vst.idx.add.f32.msk vm0, v4  }
0x293: {  	v3 =	vld.idx.msk [tilespmem:v6+s15+$0x0], $0xffff;
	_ =	sdelay $0x2  }
0x294: {  	v4 =	vld.idx.msk [tilespmem:v6+s0+$0x0], $0xffff  }
0x295: {  	v5 =	vld.idx.msk [tilespmem:v25+s16+$0x0], $0xffff  }
0x296: {  	v3 =	vshll.u32 v3, $0x3  }
0x297: {  	v3 =	vor.u32 v2, v3;
	_ =	sdelay $0x1  }
0x298: {  	v6 =	vor.u32 $0x34, v1  }
0x299: {  	v4 =	vmul.f32 v5, v4;
	_ =	sdelay $0x1  }
0x29a: {  	[tilespmem:v3+s12+$0x0] =	vst.idx.add.f32.msk $0xff, v4  }
0x29b: {  	[tilespmem:v3+s12+$0x0] =	vst.idx.add.f32.msk vm0, v4  }
0x29c: {  	v3 =	vld.idx.msk [tilespmem:v6+s15+$0x0], $0xffff;
	_ =	sdelay $0x2  }
0x29d: {  	v4 =	vld.idx.msk [tilespmem:v6+s0+$0x0], $0xffff  }
0x29e: {  	v5 =	vld.idx.msk [tilespmem:v26+s16+$0x0], $0xffff  }
0x29f: {  	v3 =	vshll.u32 v3, $0x3  }
0x2a0: {  	v3 =	vor.u32 v2, v3;
	_ =	sdelay $0x1  }
0x2a1: {  	v6 =	vor.u32 $0x36, v1  }
0x2a2: {  	v4 =	vmul.f32 v5, v4;
	_ =	sdelay $0x1  }
0x2a3: {  	[tilespmem:v3+s12+$0x0] =	vst.idx.add.f32.msk $0xff, v4  }
0x2a4: {  	[tilespmem:v3+s12+$0x0] =	vst.idx.add.f32.msk vm0, v4  }
0x2a5: {  	v3 =	vld.idx.msk [tilespmem:v6+s15+$0x0], $0xffff;
	_ =	sdelay $0x2  }
0x2a6: {  	v4 =	vld.idx.msk [tilespmem:v6+s0+$0x0], $0xffff  }
0x2a7: {  	v5 =	vld.idx.msk [tilespmem:v27+s16+$0x0], $0xffff  }
0x2a8: {  	v3 =	vshll.u32 v3, $0x3  }
0x2a9: {  	v3 =	vor.u32 v2, v3;
	_ =	sdelay $0x1  }
0x2aa: {  	v6 =	vor.u32 $0x38, v1  }
0x2ab: {  	v4 =	vmul.f32 v5, v4;
	_ =	sdelay $0x1  }
0x2ac: {  	[tilespmem:v3+s12+$0x0] =	vst.idx.add.f32.msk $0xff, v4  }
0x2ad: {  	[tilespmem:v3+s12+$0x0] =	vst.idx.add.f32.msk vm0, v4  }
0x2ae: {  	v3 =	vld.idx.msk [tilespmem:v6+s15+$0x0], $0xffff;
	_ =	sdelay $0x2  }
0x2af: {  	v4 =	vld.idx.msk [tilespmem:v6+s0+$0x0], $0xffff  }
0x2b0: {  	v5 =	vld.idx.msk [tilespmem:v28+s16+$0x0], $0xffff  }
0x2b1: {  	v3 =	vshll.u32 v3, $0x3  }
0x2b2: {  	v3 =	vor.u32 v2, v3;
	_ =	sdelay $0x1  }
0x2b3: {  	v6 =	vor.u32 $0x3A, v1  }
0x2b4: {  	v4 =	vmul.f32 v5, v4;
	_ =	sdelay $0x1  }
0x2b5: {  	[tilespmem:v3+s12+$0x0] =	vst.idx.add.f32.msk $0xff, v4  }
0x2b6: {  	[tilespmem:v3+s12+$0x0] =	vst.idx.add.f32.msk vm0, v4  }
0x2b7: {  	v3 =	vld.idx.msk [tilespmem:v6+s15+$0x0], $0xffff;
	_ =	sdelay $0x2  }
0x2b8: {  	v4 =	vld.idx.msk [tilespmem:v6+s0+$0x0], $0xffff  }
0x2b9: {  	v5 =	vld.idx.msk [tilespmem:v29+s16+$0x0], $0xffff  }
0x2ba: {  	v3 =	vshll.u32 v3, $0x3  }
0x2bb: {  	v3 =	vor.u32 v2, v3;
	_ =	sdelay $0x1  }
0x2bc: {  	v6 =	vor.u32 $0x3C, v1  }
0x2bd: {  	v4 =	vmul.f32 v5, v4;
	_ =	sdelay $0x1  }
0x2be: {  	[tilespmem:v3+s12+$0x0] =	vst.idx.add.f32.msk $0xff, v4  }
0x2bf: {  	[tilespmem:v3+s12+$0x0] =	vst.idx.add.f32.msk vm0, v4  }
0x2c0: {  	v3 =	vld.idx.msk [tilespmem:v6+s15+$0x0], $0xffff;
	_ =	sdelay $0x2  }
0x2c1: {  	v4 =	vld.idx.msk [tilespmem:v6+s0+$0x0], $0xffff  }
0x2c2: {  	v5 =	vld.idx.msk [tilespmem:v30+s16+$0x0], $0xffff  }
0x2c3: {  	v3 =	vshll.u32 v3, $0x3  }
0x2c4: {  	v3 =	vor.u32 v2, v3;
	_ =	sdelay $0x1  }
0x2c5: {  	v6 =	vor.u32 $0x3E, v1  }
0x2c6: {  	v4 =	vmul.f32 v5, v4;
	_ =	sdelay $0x1  }
0x2c7: {  	[tilespmem:v3+s12+$0x0] =	vst.idx.add.f32.msk $0xff, v4  }
0x2c8: {  	[tilespmem:v3+s12+$0x0] =	vst.idx.add.f32.msk vm0, v4  }
0x2c9: {  	v3 =	vld.idx.msk [tilespmem:v6+s15+$0x0], $0xffff;
	_ =	sdelay $0x2  }
0x2ca: {  	v4 =	vld.idx.msk [tilespmem:v6+s0+$0x0], $0xffff  }
0x2cb: {  	v5 =	vld.idx.msk [tilespmem:v31+s16+$0x0], $0xffff  }
0x2cc: {  	v3 =	vshll.u32 v3, $0x3  }
0x2cd: {  	v3 =	vor.u32 v2, v3;
	_ =	sdelay $0x1  }
0x2ce: {  	v6 =	vor.u32 $0x40, v1  }
0x2cf: {  	v4 =	vmul.f32 v5, v4;
	_ =	sdelay $0x1  }
0x2d0: {  	[tilespmem:v3+s12+$0x0] =	vst.idx.add.f32.msk $0xff, v4  }
0x2d1: {  	[tilespmem:v3+s12+$0x0] =	vst.idx.add.f32.msk vm0, v4  }
0x2d2: {  	v3 =	vld.idx.msk [tilespmem:v6+s15+$0x0], $0xffff;
	_ =	sdelay $0x2  }
0x2d3: {  	v4 =	vld.idx.msk [tilespmem:v6+s0+$0x0], $0xffff  }
0x2d4: {  	v5 =	vld.idx.msk [tilespmem:v32+s16+$0x0], $0xffff  }
0x2d5: {  	v3 =	vshll.u32 v3, $0x3  }
0x2d6: {  	v3 =	vor.u32 v2, v3;
	_ =	sdelay $0x1  }
0x2d7: {  	v6 =	vor.u32 $0x42, v1  }
0x2d8: {  	v4 =	vmul.f32 v5, v4;
	_ =	sdelay $0x1  }
0x2d9: {  	[tilespmem:v3+s12+$0x0] =	vst.idx.add.f32.msk $0xff, v4  }
0x2da: {  	[tilespmem:v3+s12+$0x0] =	vst.idx.add.f32.msk vm0, v4  }
0x2db: {  	v3 =	vld.idx.msk [tilespmem:v6+s15+$0x0], $0xffff;
	_ =	sdelay $0x2  }
0x2dc: {  	v4 =	vld.idx.msk [tilespmem:v6+s0+$0x0], $0xffff  }
0x2dd: {  	v5 =	vld.idx.msk [tilespmem:v33+s16+$0x0], $0xffff  }
0x2de: {  	v3 =	vshll.u32 v3, $0x3  }
0x2df: {  	v3 =	vor.u32 v2, v3;
	_ =	sdelay $0x1  }
0x2e0: {  	v6 =	vor.u32 $0x44, v1  }
0x2e1: {  	v4 =	vmul.f32 v5, v4;
	_ =	sdelay $0x1  }
0x2e2: {  	[tilespmem:v3+s12+$0x0] =	vst.idx.add.f32.msk $0xff, v4  }
0x2e3: {  	[tilespmem:v3+s12+$0x0] =	vst.idx.add.f32.msk vm0, v4  }
0x2e4: {  	v3 =	vld.idx.msk [tilespmem:v6+s15+$0x0], $0xffff;
	_ =	sdelay $0x2  }
0x2e5: {  	v4 =	vld.idx.msk [tilespmem:v6+s0+$0x0], $0xffff  }
0x2e6: {  	v5 =	vld.idx.msk [tilespmem:v34+s16+$0x0], $0xffff  }
0x2e7: {  	v3 =	vshll.u32 v3, $0x3  }
0x2e8: {  	v3 =	vor.u32 v2, v3;
	_ =	sdelay $0x1  }
0x2e9: {  	v6 =	vor.u32 $0x46, v1  }
0x2ea: {  	v4 =	vmul.f32 v5, v4;
	_ =	sdelay $0x1  }
0x2eb: {  	[tilespmem:v3+s12+$0x0] =	vst.idx.add.f32.msk $0xff, v4  }
0x2ec: {  	[tilespmem:v3+s12+$0x0] =	vst.idx.add.f32.msk vm0, v4  }
0x2ed: {  	v3 =	vld.idx.msk [tilespmem:v6+s15+$0x0], $0xffff;
	_ =	sdelay $0x2  }
0x2ee: {  	v4 =	vld.idx.msk [tilespmem:v6+s0+$0x0], $0xffff  }
0x2ef: {  	v5 =	vld.idx.msk [tilespmem:v35+s16+$0x0], $0xffff  }
0x2f0: {  	v3 =	vshll.u32 v3, $0x3  }
0x2f1: {  	v3 =	vor.u32 v2, v3;
	_ =	sdelay $0x1  }
0x2f2: {  	v6 =	vor.u32 $0x48, v1  }
0x2f3: {  	v4 =	vmul.f32 v5, v4;
	_ =	sdelay $0x1  }
0x2f4: {  	[tilespmem:v3+s12+$0x0] =	vst.idx.add.f32.msk $0xff, v4  }
0x2f5: {  	[tilespmem:v3+s12+$0x0] =	vst.idx.add.f32.msk vm0, v4  }
0x2f6: {  	v3 =	vld.idx.msk [tilespmem:v6+s15+$0x0], $0xffff;
	_ =	sdelay $0x2  }
0x2f7: {  	v4 =	vld.idx.msk [tilespmem:v6+s0+$0x0], $0xffff  }
0x2f8: {  	v5 =	vld.idx.msk [tilespmem:v36+s16+$0x0], $0xffff  }
0x2f9: {  	v3 =	vshll.u32 v3, $0x3  }
0x2fa: {  	v3 =	vor.u32 v2, v3;
	_ =	sdelay $0x1  }
0x2fb: {  	v6 =	vor.u32 $0x4A, v1  }
0x2fc: {  	v4 =	vmul.f32 v5, v4;
	_ =	sdelay $0x1  }
0x2fd: {  	[tilespmem:v3+s12+$0x0] =	vst.idx.add.f32.msk $0xff, v4  }
0x2fe: {  	[tilespmem:v3+s12+$0x0] =	vst.idx.add.f32.msk vm0, v4  }
0x2ff: {  	v3 =	vld.idx.msk [tilespmem:v6+s15+$0x0], $0xffff;
	_ =	sdelay $0x2  }
0x300: {  	v4 =	vld.idx.msk [tilespmem:v6+s0+$0x0], $0xffff  }
0x301: {  	v5 =	vld.idx.msk [tilespmem:v37+s16+$0x0], $0xffff  }
0x302: {  	v3 =	vshll.u32 v3, $0x3  }
0x303: {  	v3 =	vor.u32 v2, v3;
	_ =	sdelay $0x1  }
0x304: {  	v6 =	vor.u32 $0x4C, v1  }
0x305: {  	v4 =	vmul.f32 v5, v4;
	_ =	sdelay $0x1  }
0x306: {  	[tilespmem:v3+s12+$0x0] =	vst.idx.add.f32.msk $0xff, v4  }
0x307: {  	[tilespmem:v3+s12+$0x0] =	vst.idx.add.f32.msk vm0, v4  }
0x308: {  	v3 =	vld.idx.msk [tilespmem:v6+s15+$0x0], $0xffff;
	_ =	sdelay $0x2  }
0x309: {  	v4 =	vld.idx.msk [tilespmem:v6+s0+$0x0], $0xffff  }
0x30a: {  	v5 =	vld.idx.msk [tilespmem:v38+s16+$0x0], $0xffff  }
0x30b: {  	v3 =	vshll.u32 v3, $0x3  }
0x30c: {  	v3 =	vor.u32 v2, v3;
	_ =	sdelay $0x1  }
0x30d: {  	v6 =	vor.u32 $0x4E, v1  }
0x30e: {  	v4 =	vmul.f32 v5, v4;
	_ =	sdelay $0x1  }
0x30f: {  	[tilespmem:v3+s12+$0x0] =	vst.idx.add.f32.msk $0xff, v4  }
0x310: {  	[tilespmem:v3+s12+$0x0] =	vst.idx.add.f32.msk vm0, v4  }
0x311: {  	v3 =	vld.idx.msk [tilespmem:v6+s15+$0x0], $0xffff;
	_ =	sdelay $0x2  }
0x312: {  	v4 =	vld.idx.msk [tilespmem:v6+s0+$0x0], $0xffff  }
0x313: {  	v5 =	vld.idx.msk [tilespmem:v39+s16+$0x0], $0xffff  }
0x314: {  	v3 =	vshll.u32 v3, $0x3  }
0x315: {  	v3 =	vor.u32 v2, v3;
	_ =	sdelay $0x1  }
0x316: {  	v6 =	vor.u32 $0x50, v1  }
0x317: {  	v4 =	vmul.f32 v5, v4;
	_ =	sdelay $0x1  }
0x318: {  	[tilespmem:v3+s12+$0x0] =	vst.idx.add.f32.msk $0xff, v4  }
0x319: {  	[tilespmem:v3+s12+$0x0] =	vst.idx.add.f32.msk vm0, v4  }
0x31a: {  	v3 =	vld.idx.msk [tilespmem:v6+s15+$0x0], $0xffff;
	_ =	sdelay $0x2  }
0x31b: {  	v4 =	vld.idx.msk [tilespmem:v6+s0+$0x0], $0xffff  }
0x31c: {  	v5 =	vld.idx.msk [tilespmem:v40+s16+$0x0], $0xffff  }
0x31d: {  	v3 =	vshll.u32 v3, $0x3  }
0x31e: {  	v3 =	vor.u32 v2, v3;
	_ =	sdelay $0x1  }
0x31f: {  	v6 =	vor.u32 $0x52, v1  }
0x320: {  	v4 =	vmul.f32 v5, v4;
	_ =	sdelay $0x1  }
0x321: {  	[tilespmem:v3+s12+$0x0] =	vst.idx.add.f32.msk $0xff, v4  }
0x322: {  	[tilespmem:v3+s12+$0x0] =	vst.idx.add.f32.msk vm0, v4  }
0x323: {  	v3 =	vld.idx.msk [tilespmem:v6+s15+$0x0], $0xffff;
	_ =	sdelay $0x2  }
0x324: {  	v4 =	vld.idx.msk [tilespmem:v6+s0+$0x0], $0xffff  }
0x325: {  	v5 =	vld.idx.msk [tilespmem:v41+s16+$0x0], $0xffff  }
0x326: {  	v3 =	vshll.u32 v3, $0x3  }
0x327: {  	v3 =	vor.u32 v2, v3;
	_ =	sdelay $0x1  }
0x328: {  	v6 =	vor.u32 $0x54, v1  }
0x329: {  	v4 =	vmul.f32 v5, v4;
	_ =	sdelay $0x1  }
0x32a: {  	[tilespmem:v3+s12+$0x0] =	vst.idx.add.f32.msk $0xff, v4  }
0x32b: {  	[tilespmem:v3+s12+$0x0] =	vst.idx.add.f32.msk vm0, v4  }
0x32c: {  	v3 =	vld.idx.msk [tilespmem:v6+s15+$0x0], $0xffff;
	_ =	sdelay $0x2  }
0x32d: {  	v4 =	vld.idx.msk [tilespmem:v6+s0+$0x0], $0xffff  }
0x32e: {  	v5 =	vld.idx.msk [tilespmem:v42+s16+$0x0], $0xffff  }
0x32f: {  	v3 =	vshll.u32 v3, $0x3  }
0x330: {  	v3 =	vor.u32 v2, v3;
	_ =	sdelay $0x1  }
0x331: {  	v6 =	vor.u32 $0x56, v1  }
0x332: {  	v4 =	vmul.f32 v5, v4;
	_ =	sdelay $0x1  }
0x333: {  	[tilespmem:v3+s12+$0x0] =	vst.idx.add.f32.msk $0xff, v4  }
0x334: {  	[tilespmem:v3+s12+$0x0] =	vst.idx.add.f32.msk vm0, v4  }
0x335: {  	v3 =	vld.idx.msk [tilespmem:v6+s15+$0x0], $0xffff;
	_ =	sdelay $0x2  }
0x336: {  	v4 =	vld.idx.msk [tilespmem:v6+s0+$0x0], $0xffff  }
0x337: {  	v5 =	vld.idx.msk [tilespmem:v43+s16+$0x0], $0xffff  }
0x338: {  	v3 =	vshll.u32 v3, $0x3  }
0x339: {  	v3 =	vor.u32 v2, v3;
	_ =	sdelay $0x1  }
0x33a: {  	v6 =	vor.u32 $0x58, v1  }
0x33b: {  	v4 =	vmul.f32 v5, v4;
	_ =	sdelay $0x1  }
0x33c: {  	[tilespmem:v3+s12+$0x0] =	vst.idx.add.f32.msk $0xff, v4  }
0x33d: {  	[tilespmem:v3+s12+$0x0] =	vst.idx.add.f32.msk vm0, v4  }
0x33e: {  	v3 =	vld.idx.msk [tilespmem:v6+s15+$0x0], $0xffff;
	_ =	sdelay $0x2  }
0x33f: {  	v4 =	vld.idx.msk [tilespmem:v6+s0+$0x0], $0xffff  }
0x340: {  	v5 =	vld.idx.msk [tilespmem:v44+s16+$0x0], $0xffff  }
0x341: {  	v3 =	vshll.u32 v3, $0x3  }
0x342: {  	v3 =	vor.u32 v2, v3;
	_ =	sdelay $0x1  }
0x343: {  	v6 =	vor.u32 $0x5A, v1  }
0x344: {  	v4 =	vmul.f32 v5, v4;
	_ =	sdelay $0x1  }
0x345: {  	[tilespmem:v3+s12+$0x0] =	vst.idx.add.f32.msk $0xff, v4  }
0x346: {  	[tilespmem:v3+s12+$0x0] =	vst.idx.add.f32.msk vm0, v4  }
0x347: {  	v3 =	vld.idx.msk [tilespmem:v6+s15+$0x0], $0xffff;
	_ =	sdelay $0x2  }
0x348: {  	v4 =	vld.idx.msk [tilespmem:v6+s0+$0x0], $0xffff  }
0x349: {  	v5 =	vld.idx.msk [tilespmem:v45+s16+$0x0], $0xffff  }
0x34a: {  	v3 =	vshll.u32 v3, $0x3  }
0x34b: {  	v3 =	vor.u32 v2, v3;
	_ =	sdelay $0x1  }
0x34c: {  	v6 =	vor.u32 $0x5C, v1  }
0x34d: {  	v4 =	vmul.f32 v5, v4;
	_ =	sdelay $0x1  }
0x34e: {  	[tilespmem:v3+s12+$0x0] =	vst.idx.add.f32.msk $0xff, v4  }
0x34f: {  	[tilespmem:v3+s12+$0x0] =	vst.idx.add.f32.msk vm0, v4  }
0x350: {  	v3 =	vld.idx.msk [tilespmem:v6+s15+$0x0], $0xffff;
	_ =	sdelay $0x2  }
0x351: {  	v4 =	vld.idx.msk [tilespmem:v6+s0+$0x0], $0xffff  }
0x352: {  	v5 =	vld.idx.msk [tilespmem:v46+s16+$0x0], $0xffff  }
0x353: {  	v3 =	vshll.u32 v3, $0x3  }
0x354: {  	v3 =	vor.u32 v2, v3;
	_ =	sdelay $0x1  }
0x355: {  	v6 =	vor.u32 $0x5E, v1  }
0x356: {  	v4 =	vmul.f32 v5, v4;
	_ =	sdelay $0x1  }
0x357: {  	[tilespmem:v3+s12+$0x0] =	vst.idx.add.f32.msk $0xff, v4  }
0x358: {  	[tilespmem:v3+s12+$0x0] =	vst.idx.add.f32.msk vm0, v4  }
0x359: {  	v3 =	vld.idx.msk [tilespmem:v6+s15+$0x0], $0xffff;
	_ =	sdelay $0x2  }
0x35a: {  	v4 =	vld.idx.msk [tilespmem:v6+s0+$0x0], $0xffff  }
0x35b: {  	v5 =	vld.idx.msk [tilespmem:v47+s16+$0x0], $0xffff  }
0x35c: {  	v3 =	vshll.u32 v3, $0x3  }
0x35d: {  	v3 =	vor.u32 v2, v3;
	_ =	sdelay $0x1  }
0x35e: {  	v6 =	vor.u32 $0x60, v1  }
0x35f: {  	v4 =	vmul.f32 v5, v4;
	_ =	sdelay $0x1  }
0x360: {  	[tilespmem:v3+s12+$0x0] =	vst.idx.add.f32.msk $0xff, v4  }
0x361: {  	[tilespmem:v3+s12+$0x0] =	vst.idx.add.f32.msk vm0, v4  }
0x362: {  	v3 =	vld.idx.msk [tilespmem:v6+s15+$0x0], $0xffff;
	_ =	sdelay $0x2  }
0x363: {  	v4 =	vld.idx.msk [tilespmem:v6+s0+$0x0], $0xffff  }
0x364: {  	v5 =	vld.idx.msk [tilespmem:v48+s16+$0x0], $0xffff  }
0x365: {  	v3 =	vshll.u32 v3, $0x3  }
0x366: {  	v3 =	vor.u32 v2, v3;
	_ =	sdelay $0x1  }
0x367: {  	v6 =	vor.u32 $0x62, v1  }
0x368: {  	v4 =	vmul.f32 v5, v4;
	_ =	sdelay $0x1  }
0x369: {  	[tilespmem:v3+s12+$0x0] =	vst.idx.add.f32.msk $0xff, v4  }
0x36a: {  	[tilespmem:v3+s12+$0x0] =	vst.idx.add.f32.msk vm0, v4  }
0x36b: {  	v3 =	vld.idx.msk [tilespmem:v6+s15+$0x0], $0xffff;
	_ =	sdelay $0x2  }
0x36c: {  	v4 =	vld.idx.msk [tilespmem:v6+s0+$0x0], $0xffff  }
0x36d: {  	v5 =	vld.idx.msk [tilespmem:v49+s16+$0x0], $0xffff  }
0x36e: {  	v3 =	vshll.u32 v3, $0x3  }
0x36f: {  	v3 =	vor.u32 v2, v3;
	_ =	sdelay $0x1  }
0x370: {  	v6 =	vor.u32 $0x64, v1  }
0x371: {  	v4 =	vmul.f32 v5, v4;
	_ =	sdelay $0x1  }
0x372: {  	[tilespmem:v3+s12+$0x0] =	vst.idx.add.f32.msk $0xff, v4  }
0x373: {  	[tilespmem:v3+s12+$0x0] =	vst.idx.add.f32.msk vm0, v4  }
0x374: {  	v3 =	vld.idx.msk [tilespmem:v6+s15+$0x0], $0xffff;
	_ =	sdelay $0x2  }
0x375: {  	v4 =	vld.idx.msk [tilespmem:v6+s0+$0x0], $0xffff  }
0x376: {  	v5 =	vld.idx.msk [tilespmem:v50+s16+$0x0], $0xffff  }
0x377: {  	v3 =	vshll.u32 v3, $0x3  }
0x378: {  	v3 =	vor.u32 v2, v3;
	_ =	sdelay $0x1  }
0x379: {  	v6 =	vor.u32 $0x66, v1  }
0x37a: {  	v4 =	vmul.f32 v5, v4;
	_ =	sdelay $0x1  }
0x37b: {  	[tilespmem:v3+s12+$0x0] =	vst.idx.add.f32.msk $0xff, v4  }
0x37c: {  	[tilespmem:v3+s12+$0x0] =	vst.idx.add.f32.msk vm0, v4  }
0x37d: {  	v3 =	vld.idx.msk [tilespmem:v6+s15+$0x0], $0xffff;
	_ =	sdelay $0x2  }
0x37e: {  	v4 =	vld.idx.msk [tilespmem:v6+s0+$0x0], $0xffff  }
0x37f: {  	v5 =	vld.idx.msk [tilespmem:v51+s16+$0x0], $0xffff  }
0x380: {  	v3 =	vshll.u32 v3, $0x3  }
0x381: {  	v3 =	vor.u32 v2, v3;
	_ =	sdelay $0x1  }
0x382: {  	v6 =	vor.u32 $0x68, v1  }
0x383: {  	v4 =	vmul.f32 v5, v4;
	_ =	sdelay $0x1  }
0x384: {  	[tilespmem:v3+s12+$0x0] =	vst.idx.add.f32.msk $0xff, v4  }
0x385: {  	[tilespmem:v3+s12+$0x0] =	vst.idx.add.f32.msk vm0, v4  }
0x386: {  	v3 =	vld.idx.msk [tilespmem:v6+s15+$0x0], $0xffff;
	_ =	sdelay $0x2  }
0x387: {  	v4 =	vld.idx.msk [tilespmem:v6+s0+$0x0], $0xffff  }
0x388: {  	v5 =	vld.idx.msk [tilespmem:v52+s16+$0x0], $0xffff  }
0x389: {  	v3 =	vshll.u32 v3, $0x3  }
0x38a: {  	v3 =	vor.u32 v2, v3;
	_ =	sdelay $0x1  }
0x38b: {  	v6 =	vor.u32 $0x6A, v1  }
0x38c: {  	v4 =	vmul.f32 v5, v4;
	_ =	sdelay $0x1  }
0x38d: {  	[tilespmem:v3+s12+$0x0] =	vst.idx.add.f32.msk $0xff, v4  }
0x38e: {  	[tilespmem:v3+s12+$0x0] =	vst.idx.add.f32.msk vm0, v4  }
0x38f: {  	v3 =	vld.idx.msk [tilespmem:v6+s15+$0x0], $0xffff;
	_ =	sdelay $0x2  }
0x390: {  	v4 =	vld.idx.msk [tilespmem:v6+s0+$0x0], $0xffff  }
0x391: {  	v5 =	vld.idx.msk [tilespmem:v53+s16+$0x0], $0xffff  }
0x392: {  	v3 =	vshll.u32 v3, $0x3  }
0x393: {  	v3 =	vor.u32 v2, v3;
	_ =	sdelay $0x1  }
0x394: {  	v6 =	vor.u32 $0x6C, v1  }
0x395: {  	v4 =	vmul.f32 v5, v4;
	_ =	sdelay $0x1  }
0x396: {  	[tilespmem:v3+s12+$0x0] =	vst.idx.add.f32.msk $0xff, v4  }
0x397: {  	[tilespmem:v3+s12+$0x0] =	vst.idx.add.f32.msk vm0, v4  }
0x398: {  	v3 =	vld.idx.msk [tilespmem:v6+s15+$0x0], $0xffff;
	_ =	sdelay $0x2  }
0x399: {  	v4 =	vld.idx.msk [tilespmem:v6+s0+$0x0], $0xffff  }
0x39a: {  	v5 =	vld.idx.msk [tilespmem:v54+s16+$0x0], $0xffff  }
0x39b: {  	v3 =	vshll.u32 v3, $0x3  }
0x39c: {  	v3 =	vor.u32 v2, v3;
	_ =	sdelay $0x1  }
0x39d: {  	v6 =	vor.u32 $0x6E, v1  }
0x39e: {  	v4 =	vmul.f32 v5, v4;
	_ =	sdelay $0x1  }
0x39f: {  	[tilespmem:v3+s12+$0x0] =	vst.idx.add.f32.msk $0xff, v4  }
0x3a0: {  	[tilespmem:v3+s12+$0x0] =	vst.idx.add.f32.msk vm0, v4  }
0x3a1: {  	v3 =	vld.idx.msk [tilespmem:v6+s15+$0x0], $0xffff;
	_ =	sdelay $0x2  }
0x3a2: {  	v4 =	vld.idx.msk [tilespmem:v6+s0+$0x0], $0xffff  }
0x3a3: {  	v5 =	vld.idx.msk [tilespmem:v55+s16+$0x0], $0xffff  }
0x3a4: {  	v3 =	vshll.u32 v3, $0x3  }
0x3a5: {  	v3 =	vor.u32 v2, v3;
	_ =	sdelay $0x1  }
0x3a6: {  	v6 =	vor.u32 $0x70, v1  }
0x3a7: {  	v4 =	vmul.f32 v5, v4;
	_ =	sdelay $0x1  }
0x3a8: {  	[tilespmem:v3+s12+$0x0] =	vst.idx.add.f32.msk $0xff, v4  }
0x3a9: {  	[tilespmem:v3+s12+$0x0] =	vst.idx.add.f32.msk vm0, v4  }
0x3aa: {  	v3 =	vld.idx.msk [tilespmem:v6+s15+$0x0], $0xffff;
	_ =	sdelay $0x2  }
0x3ab: {  	v4 =	vld.idx.msk [tilespmem:v6+s0+$0x0], $0xffff  }
0x3ac: {  	v5 =	vld.idx.msk [tilespmem:v56+s16+$0x0], $0xffff  }
0x3ad: {  	v3 =	vshll.u32 v3, $0x3  }
0x3ae: {  	v3 =	vor.u32 v2, v3;
	_ =	sdelay $0x1  }
0x3af: {  	v6 =	vor.u32 $0x72, v1  }
0x3b0: {  	v4 =	vmul.f32 v5, v4;
	_ =	sdelay $0x1  }
0x3b1: {  	[tilespmem:v3+s12+$0x0] =	vst.idx.add.f32.msk $0xff, v4  }
0x3b2: {  	[tilespmem:v3+s12+$0x0] =	vst.idx.add.f32.msk vm0, v4  }
0x3b3: {  	v3 =	vld.idx.msk [tilespmem:v6+s15+$0x0], $0xffff;
	_ =	sdelay $0x2  }
0x3b4: {  	v4 =	vld.idx.msk [tilespmem:v6+s0+$0x0], $0xffff  }
0x3b5: {  	v5 =	vld.idx.msk [tilespmem:v57+s16+$0x0], $0xffff  }
0x3b6: {  	v3 =	vshll.u32 v3, $0x3  }
0x3b7: {  	v3 =	vor.u32 v2, v3;
	_ =	sdelay $0x1  }
0x3b8: {  	v6 =	vor.u32 $0x74, v1  }
0x3b9: {  	v4 =	vmul.f32 v5, v4;
	_ =	sdelay $0x1  }
0x3ba: {  	[tilespmem:v3+s12+$0x0] =	vst.idx.add.f32.msk $0xff, v4  }
0x3bb: {  	[tilespmem:v3+s12+$0x0] =	vst.idx.add.f32.msk vm0, v4  }
0x3bc: {  	v3 =	vld.idx.msk [tilespmem:v6+s15+$0x0], $0xffff;
	_ =	sdelay $0x2  }
0x3bd: {  	v4 =	vld.idx.msk [tilespmem:v6+s0+$0x0], $0xffff  }
0x3be: {  	v5 =	vld.idx.msk [tilespmem:v58+s16+$0x0], $0xffff  }
0x3bf: {  	v3 =	vshll.u32 v3, $0x3  }
0x3c0: {  	v3 =	vor.u32 v2, v3;
	_ =	sdelay $0x1  }
0x3c1: {  	v6 =	vor.u32 $0x76, v1  }
0x3c2: {  	v4 =	vmul.f32 v5, v4;
	_ =	sdelay $0x1  }
0x3c3: {  	[tilespmem:v3+s12+$0x0] =	vst.idx.add.f32.msk $0xff, v4  }
0x3c4: {  	[tilespmem:v3+s12+$0x0] =	vst.idx.add.f32.msk vm0, v4  }
0x3c5: {  	v3 =	vld.idx.msk [tilespmem:v6+s15+$0x0], $0xffff;
	_ =	sdelay $0x2  }
0x3c6: {  	v4 =	vld.idx.msk [tilespmem:v6+s0+$0x0], $0xffff  }
0x3c7: {  	v5 =	vld.idx.msk [tilespmem:v59+s16+$0x0], $0xffff  }
0x3c8: {  	v3 =	vshll.u32 v3, $0x3  }
0x3c9: {  	v3 =	vor.u32 v2, v3;
	_ =	sdelay $0x1  }
0x3ca: {  	v6 =	vor.u32 $0x78, v1  }
0x3cb: {  	v4 =	vmul.f32 v5, v4;
	_ =	sdelay $0x1  }
0x3cc: {  	[tilespmem:v3+s12+$0x0] =	vst.idx.add.f32.msk $0xff, v4  }
0x3cd: {  	[tilespmem:v3+s12+$0x0] =	vst.idx.add.f32.msk vm0, v4  }
0x3ce: {  	v3 =	vld.idx.msk [tilespmem:v6+s15+$0x0], $0xffff;
	_ =	sdelay $0x2  }
0x3cf: {  	v4 =	vld.idx.msk [tilespmem:v6+s0+$0x0], $0xffff  }
0x3d0: {  	v5 =	vld.idx.msk [tilespmem:v60+s16+$0x0], $0xffff  }
0x3d1: {  	v3 =	vshll.u32 v3, $0x3  }
0x3d2: {  	v3 =	vor.u32 v2, v3;
	_ =	sdelay $0x1  }
0x3d3: {  	v6 =	vor.u32 $0x7A, v1  }
0x3d4: {  	v4 =	vmul.f32 v5, v4;
	_ =	sdelay $0x1  }
0x3d5: {  	[tilespmem:v3+s12+$0x0] =	vst.idx.add.f32.msk $0xff, v4  }
0x3d6: {  	[tilespmem:v3+s12+$0x0] =	vst.idx.add.f32.msk vm0, v4  }
0x3d7: {  	v3 =	vld.idx.msk [tilespmem:v6+s15+$0x0], $0xffff;
	_ =	sdelay $0x2  }
0x3d8: {  	v4 =	vld.idx.msk [tilespmem:v6+s0+$0x0], $0xffff  }
0x3d9: {  	v5 =	vld.idx.msk [tilespmem:v61+s16+$0x0], $0xffff  }
0x3da: {  	v3 =	vshll.u32 v3, $0x3  }
0x3db: {  	v3 =	vor.u32 v2, v3;
	_ =	sdelay $0x1  }
0x3dc: {  	v6 =	vor.u32 $0x7C, v1  }
0x3dd: {  	v4 =	vmul.f32 v5, v4;
	_ =	sdelay $0x1  }
0x3de: {  	[tilespmem:v3+s12+$0x0] =	vst.idx.add.f32.msk $0xff, v4  }
0x3df: {  	[tilespmem:v3+s12+$0x0] =	vst.idx.add.f32.msk vm0, v4  }
0x3e0: {  	v3 =	vld.idx.msk [tilespmem:v6+s15+$0x0], $0xffff;
	_ =	sdelay $0x2  }
0x3e1: {  	v4 =	vld.idx.msk [tilespmem:v6+s0+$0x0], $0xffff  }
0x3e2: {  	v5 =	vld.idx.msk [tilespmem:v62+s16+$0x0], $0xffff  }
0x3e3: {  	v3 =	vshll.u32 v3, $0x3  }
0x3e4: {  	v3 =	vor.u32 v2, v3;
	_ =	sdelay $0x1  }
0x3e5: {  	v6 =	vor.u32 $0x7E, v1  }
0x3e6: {  	v4 =	vmul.f32 v5, v4;
	_ =	sdelay $0x1  }
0x3e7: {  	[tilespmem:v3+s12+$0x0] =	vst.idx.add.f32.msk $0xff, v4  }
0x3e8: {  	[tilespmem:v3+s12+$0x0] =	vst.idx.add.f32.msk vm0, v4  }
0x3e9: {  	v3 =	vld.idx.msk [tilespmem:v6+s15+$0x0], $0xffff;
	_ =	sdelay $0x2  }
0x3ea: {  	v4 =	vld.idx.msk [tilespmem:v6+s0+$0x0], $0xffff  }
0x3eb: {  	v5 =	vld.idx.msk [tilespmem:v63+s16+$0x0], $0xffff  }
0x3ec: {  	v3 =	vshll.u32 v3, $0x3  }
0x3ed: {  	v2 =	vor.u32 v2, v3;
	_ =	sdelay $0x2  }
0x3ee: {  	v3 =	vmul.f32 v5, v4;
	_ =	sdelay $0x1  }
0x3ef: {  	[tilespmem:v2+s12+$0x0] =	vst.idx.add.f32.msk $0xff, v3  }
0x3f0: {  	[tilespmem:v2+s12+$0x0] =	vst.idx.add.f32.msk vm0, v3  }
0x3f1: {  	v2 =	vld [tilespmem:$0x4080];
	_ =	sdelay $0x4  }
0x3f2: {  	v2 =	vshll.u32 v2, $0x1  }
0x3f3: {  	v3 =	vld [tilespmem:$0x4100];
	v2 =	vor.u32 v1, v2;
	_ =	sdelay $0x4  }
0x3f4: {  	[tilespmem:v2+s14+$0x0] =	vst.idx.add.f32.msk $0xffff, v3  }
0x3f5: {  	v2 =	vld [tilespmem:$0x4090];
	_ =	sdelay $0x4  }
0x3f6: {  	v2 =	vshll.u32 v2, $0x1  }
0x3f7: {  	v3 =	vld [tilespmem:$0x4110];
	v2 =	vor.u32 v1, v2;
	_ =	sdelay $0x4  }
0x3f8: {  	[tilespmem:v2+s14+$0x0] =	vst.idx.add.f32.msk $0xffff, v3  }
0x3f9: {  	v2 =	vld [tilespmem:$0x40A0];
	_ =	sdelay $0x4  }
0x3fa: {  	v2 =	vshll.u32 v2, $0x1  }
0x3fb: {  	v3 =	vld [tilespmem:$0x4120];
	v2 =	vor.u32 v1, v2;
	_ =	sdelay $0x4  }
0x3fc: {  	[tilespmem:v2+s14+$0x0] =	vst.idx.add.f32.msk $0xffff, v3  }
0x3fd: {  	v2 =	vld [tilespmem:$0x40B0];
	_ =	sdelay $0x4  }
0x3fe: {  	v2 =	vshll.u32 v2, $0x1  }
0x3ff: {  	v3 =	vld [tilespmem:$0x4130];
	v2 =	vor.u32 v1, v2;
	_ =	sdelay $0x4  }
0x400: {  	[tilespmem:v2+s14+$0x0] =	vst.idx.add.f32.msk $0xffff, v3  }
0x401: {  	v2 =	vld [tilespmem:$0x40C0];
	_ =	sdelay $0x4  }
0x402: {  	v2 =	vshll.u32 v2, $0x1  }
0x403: {  	v3 =	vld [tilespmem:$0x4140];
	v2 =	vor.u32 v1, v2;
	_ =	sdelay $0x4  }
0x404: {  	[tilespmem:v2+s14+$0x0] =	vst.idx.add.f32.msk $0xffff, v3  }
0x405: {  	v2 =	vld [tilespmem:$0x40D0];
	_ =	sdelay $0x4  }
0x406: {  	v2 =	vshll.u32 v2, $0x1  }
0x407: {  	v3 =	vld [tilespmem:$0x4150];
	v2 =	vor.u32 v1, v2;
	_ =	sdelay $0x4  }
0x408: {  	[tilespmem:v2+s14+$0x0] =	vst.idx.add.f32.msk $0xffff, v3  }
0x409: {  	v2 =	vld [tilespmem:$0x40E0];
	_ =	sdelay $0x4  }
0x40a: {  	v2 =	vshll.u32 v2, $0x1  }
0x40b: {  	v3 =	vld [tilespmem:$0x4160];
	v2 =	vor.u32 v1, v2;
	_ =	sdelay $0x4  }
0x40c: {  	[tilespmem:v2+s14+$0x0] =	vst.idx.add.f32.msk $0xffff, v3  }
0x40d: {  	v2 =	vld [tilespmem:$0x40F0];
	_ =	sdelay $0x4  }
0x40e: {  	v2 =	vshll.u32 v2, $0x1  }
0x40f: {  	v1 =	vor.u32 v1, v2;
	v2 =	vld [tilespmem:$0x4170]  }
.Ltmp5:
0x410: {  	_ = 	snop;
	(pc) =	sbr.rel .LBB2_4-.Ltmp5, $2  }
0x411: {  	_ =	sdelay $0x2  }
0x412: {  	[tilespmem:v1+s14+$0x0] =	vst.idx.add.f32.msk $0xffff, v2  }
.LBB2_6:
0x413: {  	_ =	sfence.sel $0x180000  }
0x414: {  	[bflag:$0x0] =	sbarrier.arrive $0xFFFF  }
0x415: {  	p0 =	sne.s32 s3, $0x0;
	_ =	strace $0x90000047  }
0x416: {  	s0 =	sadd.s32 @!p0 $0x100000, s2;
	[bflag:$0x2] =	sbarrier.arrive $0xFFFF  }
0x417: {  	[sflag:s0] =	ssyncadd.tile.s32 @!p0 $0x1;
	_ =	shalt  }
.Lfunc_end2:
_tile_overlayer_lowered:
.L_overlay_start_2:
0x418: {  	(tag) =	ssettag $0x2  }
0x419: {  	s0 =	rddreg [dreg:$0x0];
	s2 =	stileid.u32  }
0x41a: {  	s1 =	rddreg [dreg:$0x1];
	p0 =	sne.s32 s2, $0x0  }
0x41b: {  	s3 =	rddreg [dreg:$0x2];
	[bflag:$0x3] =	sbarrier.arrive $0xFFFF;
	s2 =	simm.s32 @!p0 $0x1C01  }
0x41c: {  	[timem:s3], [sflag:s2] =	dma.local @!p0 [hbm:s0], s1  }
0x41d: {  	s0 =	simm.s32 @!p0 $0x1  }
0x41e: {  	_ =	swait.ge @!p0 [sflag:s0], s1  }
0x41f: {  	s1 =	ssub.s32 @!p0 $0x0, s1;
	[sflag:s0] =	ssyncset.done @!p0 $0x0  }
0x420: {  	[sflag:s0] =	ssyncadd.s32 @!p0 s1  }
0x421: {  	[bflag:$0x3] =	sbarrier.arrive $0xFFFF  }
0x422: {  	_ =	shalt  }

</sc_bundles>
